<compile_context>
chip_gen: v7x
topology: tpu7x:2x2x1
jax: 0.10.2.dev20260603
libtpu: 0.0.44.dev20260713+nightly
codegen_flags: <defaults>
</compile_context>

<pallas_src>
import jax
import jax.numpy as jnp
from jax import lax
from jax.experimental import pallas as pl
from jax.experimental.pallas import tpu as pltpu
from jax.experimental.pallas import tpu_sc as plsc

N = 10000
E = 320000
NC = 2
NS = 16
K = 80
RPT = 640
RPT_LAST = N - 15 * RPT
EPT_AGG = E // NS
EPT_DEG = E // (NC * NS)
ROW_BLK = 1000

_sc_mesh = plsc.VectorSubcoreMesh(core_axis_name="c", subcore_axis_name="s")



def _deg_body(dst_hbm, ones_hbm, degp_hbm, ones_v, didx0, didx1, didx2,
              isem0, isem1, isem2, ssem0, ssem1, ssem2, deg_sp):
    c = lax.axis_index("c")
    s = lax.axis_index("s")
    didx = (didx0, didx1, didx2)
    isem = (isem0, isem1, isem2)
    ssem = (ssem0, ssem1, ssem2)
    ncha = EPT_DEG // K

    def dchunk(j):
        return dst_hbm.at[pl.ds((c * NS + s) * EPT_DEG + j * K, K)]

    pltpu.sync_copy(ones_hbm.at[pl.ds(0, K)], ones_v)

    @pl.when(s < 15)
    def _():
        pltpu.sync_copy(ones_hbm.at[pl.ds(s * RPT, RPT)],
                        deg_sp.at[pl.ds(s * RPT, RPT)])

    @pl.when(s == 15)
    def _():
        pltpu.sync_copy(ones_hbm.at[pl.ds(15 * RPT, RPT_LAST)],
                        deg_sp.at[pl.ds(15 * RPT, RPT_LAST)])

    plsc.subcore_barrier()
    pltpu.async_copy(dchunk(0), didx0, isem0)
    pltpu.async_copy(dchunk(1), didx1, isem1)

    def step(t, _):
        for k in (0, 1, 2):
            j = 3 * t + k
            kp = (k + 2) % 3
            pltpu.make_async_copy(dchunk(j), didx[k], isem[k]).wait()
            pltpu.async_copy(ones_v, deg_sp.at[didx[k]], ssem[k], add=True)
            if k == 0:
                @pl.when(t > 0)
                def _():
                    pltpu.make_async_copy(ones_v, deg_sp.at[didx2],
                                          ssem2).wait()
            else:
                pltpu.make_async_copy(ones_v, deg_sp.at[didx[kp]],
                                      ssem[kp]).wait()
            pltpu.async_copy(dchunk(j + 2), didx[kp], isem[kp])
        return 0

    lax.fori_loop(0, (ncha - 2) // 3, step, 0)
    pltpu.make_async_copy(dchunk(ncha - 2), didx0, isem0).wait()
    pltpu.async_copy(ones_v, deg_sp.at[didx0], ssem0, add=True)
    pltpu.make_async_copy(ones_v, deg_sp.at[didx2], ssem2).wait()
    pltpu.make_async_copy(dchunk(ncha - 1), didx1, isem1).wait()
    pltpu.sync_copy(ones_v, deg_sp.at[didx1], add=True)
    pltpu.make_async_copy(ones_v, deg_sp.at[didx0], ssem0).wait()
    plsc.subcore_barrier()

    @pl.when(s < 15)
    def _():
        pltpu.sync_copy(deg_sp.at[pl.ds(s * RPT, RPT)],
                        degp_hbm.at[c, pl.ds(s * RPT, RPT)])

    @pl.when(s == 15)
    def _():
        pltpu.sync_copy(deg_sp.at[pl.ds(15 * RPT, RPT_LAST)],
                        degp_hbm.at[c, pl.ds(15 * RPT, RPT_LAST)])


_deg_call = pl.kernel(
    _deg_body,
    out_type=jax.ShapeDtypeStruct((NC, N, 16), jnp.float32),
    mesh=_sc_mesh,
    scratch_types=(
        [pltpu.VMEM((K, 16), jnp.float32)]
        + [pltpu.VMEM((K,), jnp.int32)] * 3
        + [pltpu.SemaphoreType.DMA] * 6
        + [pltpu.VMEM_SHARED((N, 16), jnp.float32)]
    ),
)


NCHUNK = EPT_AGG // K
NTRI = (NCHUNK - 1) // 3


def _agg_body(y_hbm, srcoff_hbm, dst_hbm, out_hbm,
              sidx0, sidx1, sidx2, didx0, didx1, didx2, rows0, rows1, rows2,
              jsem0, jsem1, jsem2, isem0, isem1, isem2,
              gsem0, gsem1, gsem2, ssem0, ssem1, ssem2,
              acc_sp):
    c = lax.axis_index("c")
    s = lax.axis_index("s")
    sidx = (sidx0, sidx1, sidx2)
    didx = (didx0, didx1, didx2)
    rows = (rows0, rows1, rows2)
    jsem = (jsem0, jsem1, jsem2)
    isem = (isem0, isem1, isem2)
    gsem = (gsem0, gsem1, gsem2)
    ssem = (ssem0, ssem1, ssem2)

    def schunk_hbm(j):
        return srcoff_hbm.at[
            pl.ds(pl.multiple_of(c * E + s * EPT_AGG + j * K, 8), K)]

    def dchunk_hbm(j):
        return dst_hbm.at[pl.ds(s * EPT_AGG + j * K, K)]

    @pl.when(s < 15)
    def _():
        start = pl.multiple_of(c * N + s * RPT, RPT)
        pltpu.sync_copy(y_hbm.at[pl.ds(start, RPT)],
                        acc_sp.at[pl.ds(s * RPT, RPT)])

    @pl.when(s == 15)
    def _():
        start = pl.multiple_of(c * N + 15 * RPT, 16)
        pltpu.sync_copy(y_hbm.at[pl.ds(start, RPT_LAST)],
                        acc_sp.at[pl.ds(15 * RPT, RPT_LAST)])

    for k in (0, 1, 2):
        pltpu.async_copy(schunk_hbm(k), sidx[k], jsem[k])
    pltpu.async_copy(dchunk_hbm(0), didx0, isem0)
    pltpu.async_copy(dchunk_hbm(1), didx1, isem1)
    pltpu.make_async_copy(schunk_hbm(0), sidx0, jsem0).wait()
    pltpu.async_copy(y_hbm.at[sidx0], rows0, gsem0)
    pltpu.make_async_copy(schunk_hbm(1), sidx1, jsem1).wait()
    pltpu.async_copy(y_hbm.at[sidx1], rows1, gsem1)

    def step(t, _):
        for k in (0, 1, 2):
            j = 3 * t + k
            kp = (k + 2) % 3
            pltpu.make_async_copy(y_hbm.at[sidx[k]], rows[k], gsem[k]).wait()
            if k == 0:
                pltpu.async_copy(schunk_hbm(j + 3), sidx[k], jsem[k])
            else:
                @pl.when(t < NTRI - 1)
                def _(j=j, k=k):
                    pltpu.async_copy(schunk_hbm(j + 3), sidx[k], jsem[k])
            pltpu.make_async_copy(dchunk_hbm(j), didx[k], isem[k]).wait()
            pltpu.async_copy(rows[k], acc_sp.at[didx[k]], ssem[k], add=True)
            if k == 0:
                @pl.when(t > 0)
                def _():
                    pltpu.make_async_copy(rows2, acc_sp.at[didx2],
                                          ssem2).wait()
            else:
                pltpu.make_async_copy(rows[kp], acc_sp.at[didx[kp]],
                                      ssem[kp]).wait()
            if k == 2:
                @pl.when(t < NTRI - 1)
                def _(j=j, kp=kp):
                    pltpu.async_copy(dchunk_hbm(j + 2), didx[kp], isem[kp])
                    pltpu.make_async_copy(schunk_hbm(j + 2), sidx[kp],
                                          jsem[kp]).wait()
                    pltpu.async_copy(y_hbm.at[sidx[kp]], rows[kp], gsem[kp])
            else:
                pltpu.async_copy(dchunk_hbm(j + 2), didx[kp], isem[kp])
                pltpu.make_async_copy(schunk_hbm(j + 2), sidx[kp],
                                      jsem[kp]).wait()
                pltpu.async_copy(y_hbm.at[sidx[kp]], rows[kp], gsem[kp])
        return 0

    lax.fori_loop(0, NTRI, step, 0)
    pltpu.make_async_copy(y_hbm.at[sidx0], rows0, gsem0).wait()
    pltpu.make_async_copy(dchunk_hbm(NCHUNK - 1), didx0, isem0).wait()
    pltpu.sync_copy(rows0, acc_sp.at[didx0], add=True)
    pltpu.make_async_copy(rows2, acc_sp.at[didx2], ssem2).wait()
    plsc.subcore_barrier()

    @pl.when(s < 15)
    def _():
        pltpu.sync_copy(acc_sp.at[pl.ds(s * RPT, RPT)],
                        out_hbm.at[c, pl.ds(s * RPT, RPT)])

    @pl.when(s == 15)
    def _():
        pltpu.sync_copy(acc_sp.at[pl.ds(15 * RPT, RPT_LAST)],
                        out_hbm.at[c, pl.ds(15 * RPT, RPT_LAST)])


_agg_call = pl.kernel(
    _agg_body,
    out_type=jax.ShapeDtypeStruct((NC, N, 128), jnp.float32),
    mesh=_sc_mesh,
    scratch_types=(
        [pltpu.VMEM((K,), jnp.int32)] * 6
        + [pltpu.VMEM((K, 128), jnp.float32)] * 3
        + [pltpu.SemaphoreType.DMA] * 12
        + [pltpu.VMEM_SHARED((N, 128), jnp.float32)]
    ),
)



def _dinv(degp_ref):
    deg = degp_ref[0, :, 0:1] + degp_ref[1, :, 0:1] - 1.0
    return lax.rsqrt(deg)


def _split_out(y_ref, y):
    y_ref[0] = y[:, :128]
    y_ref[1] = y[:, 128:]


def _layer0_body(x_ref, degp_ref, w_ref, y_ref):
    y = _dinv(degp_ref) * jnp.dot(x_ref[...], w_ref[...],
                                  preferred_element_type=jnp.float32)
    _split_out(y_ref, y)


def _layer_body(acc_ref, degp_ref, b_ref, w_ref, y_ref):
    dinv = _dinv(degp_ref)
    acc = jnp.concatenate([acc_ref[0], acc_ref[1]], axis=1)
    h = jax.nn.relu(dinv * acc + b_ref[...])
    y = dinv * jnp.dot(h, w_ref[...], preferred_element_type=jnp.float32)
    _split_out(y_ref, y)


def _final_body(acc_ref, degp_ref, b_ref, wf1_ref, bf1_ref, wf2_ref, bf2_ref, o_ref):
    dinv = _dinv(degp_ref)
    acc = jnp.concatenate([acc_ref[0], acc_ref[1]], axis=1)
    h = jax.nn.relu(dinv * acc + b_ref[...])
    t = jnp.dot(h, wf1_ref[...], preferred_element_type=jnp.float32) + bf1_ref[...]
    o = jnp.dot(t, wf2_ref[...], preferred_element_type=jnp.float32) + bf2_ref[...]
    m = jnp.max(o, axis=1, keepdims=True)
    sh = o - m
    o_ref[...] = sh - jnp.log(jnp.sum(jnp.exp(sh), axis=1, keepdims=True))


def _row_spec(d):
    return pl.BlockSpec((ROW_BLK, d), lambda i: (i, 0))


def _split_spec(d):
    return pl.BlockSpec((NC, ROW_BLK, d), lambda i: (0, i, 0))


def _full_spec(a, b):
    return pl.BlockSpec((a, b), lambda i: (0, 0))


_GRID = (N // ROW_BLK,)


def _layer0(x, degp, W):
    return pl.pallas_call(
        _layer0_body,
        grid=_GRID,
        in_specs=[_row_spec(128), _split_spec(16), _full_spec(128, 256)],
        out_specs=_split_spec(128),
        out_shape=jax.ShapeDtypeStruct((NC, N, 128), jnp.float32),
    )(x, degp, W)


def _layer(acc, degp, b, W):
    return pl.pallas_call(
        _layer_body,
        grid=_GRID,
        in_specs=[_split_spec(128), _split_spec(16), _full_spec(1, 256),
                  _full_spec(256, 256)],
        out_specs=_split_spec(128),
        out_shape=jax.ShapeDtypeStruct((NC, N, 128), jnp.float32),
    )(acc, degp, b.reshape(1, -1), W)


def _final(acc, degp, b, Wf1, bf1, Wf2, bf2):
    return pl.pallas_call(
        _final_body,
        grid=_GRID,
        in_specs=[_split_spec(128), _split_spec(16), _full_spec(1, 256),
                  _full_spec(256, 256), _full_spec(1, 256),
                  _full_spec(256, 128), _full_spec(1, 128)],
        out_specs=_row_spec(128),
        out_shape=jax.ShapeDtypeStruct((N, 128), jnp.float32),
    )(acc, degp, b.reshape(1, -1), Wf1, bf1.reshape(1, -1), Wf2, bf2.reshape(1, -1))


def kernel(x, edge_index, W0, b0, W1, b1, W2, b2, Wf1, bf1, Wf2, bf2):
    src = edge_index[0].astype(jnp.int32)
    dst = edge_index[1].astype(jnp.int32)
    degp = _deg_call(dst, jnp.ones((N, 16), jnp.float32))
    srcoff = jnp.concatenate([src, src + N])

    def agg(y):
        return _agg_call(y.reshape(NC * N, 128), srcoff, dst)

    y = _layer0(x, degp, W0)
    acc = agg(y)
    y = _layer(acc, degp, b0, W1)
    acc = agg(y)
    y = _layer(acc, degp, b1, W2)
    acc = agg(y)
    return _final(acc, degp, b2, Wf1, bf1, Wf2, bf2)

# --- scband reference (transcript-rebuilt; emitter-appended) ---
"""Pipeline reference for scband-gnnstack-24592982736967 (READ-ONLY COPY).

The authoritative reference and input builder live on the scoring server;
editing this copy changes nothing except your own understanding.
"""

import jax, jax.numpy as jnp
import numpy as np

N = 10000
E = 320000
D_IN = 128
D_H = 256
D_OUT = 128


def setup_inputs(seed: int = 0) -> dict:
    key = jax.random.key(seed)
    ks = jax.random.split(key, 16)
    inp = {}
    inp['x'] = jax.random.normal(ks[0], (N, D_IN), dtype=jnp.float32)
    inp['edge_index'] = jax.random.randint(ks[1], (2, E), 0, N)
    # GCNConv layer 0: input_dim -> hidden_dim
    inp['W0'] = jax.random.normal(ks[2], (D_IN, D_H), dtype=jnp.float32) * (1.0 / np.sqrt(D_IN))
    inp['b0'] = jnp.zeros((D_H,), dtype=jnp.float32)
    # GCNConv layers 1..2: hidden -> hidden
    inp['W1'] = jax.random.normal(ks[3], (D_H, D_H), dtype=jnp.float32) * (1.0 / np.sqrt(D_H))
    inp['b1'] = jnp.zeros((D_H,), dtype=jnp.float32)
    inp['W2'] = jax.random.normal(ks[4], (D_H, D_H), dtype=jnp.float32) * (1.0 / np.sqrt(D_H))
    inp['b2'] = jnp.zeros((D_H,), dtype=jnp.float32)
    # final_lin_layers: Linear(hidden,hidden) -> Dropout -> Linear(hidden,output)
    inp['Wf1'] = jax.random.normal(ks[5], (D_H, D_H), dtype=jnp.float32) * (1.0 / np.sqrt(D_H))
    inp['bf1'] = jnp.zeros((D_H,), dtype=jnp.float32)
    inp['Wf2'] = jax.random.normal(ks[6], (D_H, D_OUT), dtype=jnp.float32) * (1.0 / np.sqrt(D_H))
    inp['bf2'] = jnp.zeros((D_OUT,), dtype=jnp.float32)
    return inp


def gcn_conv(x, edge_index, W, b):
    # PyG GCNConv: add self loops, symmetric normalization D^-1/2 (A+I) D^-1/2 X W + b
    num_nodes = x.shape[0]
    loop = jnp.arange(num_nodes, dtype=edge_index.dtype)
    src = jnp.concatenate([edge_index[0], loop])
    dst = jnp.concatenate([edge_index[1], loop])
    deg = jnp.zeros((num_nodes,), dtype=x.dtype).at[dst].add(1.0)
    dinv = jnp.where(deg > 0, jax.lax.rsqrt(deg), 0.0)
    norm = dinv[src] * dinv[dst]
    xw = x @ W
    msg = xw[src] * norm[:, None]
    out = jax.ops.segment_sum(msg, dst, num_segments=num_nodes)
    return out + b


def reference(x, edge_index, W0, b0, W1, b1, W2, b2, Wf1, bf1, Wf2, bf2):
    # num_layers = 3 conv layers, relu after each (dropout is identity in eval)
    h = jax.nn.relu(gcn_conv(x, edge_index, W0, b0))
    h = jax.nn.relu(gcn_conv(h, edge_index, W1, b1))
    h = jax.nn.relu(gcn_conv(h, edge_index, W2, b2))
    # final linear stack
    h = h @ Wf1 + bf1
    h = h @ Wf2 + bf2
    # task == 'node' -> log_softmax over classes
    return jax.nn.log_softmax(h, axis=1)

if __name__ == "__main__":
    import jax
    _d = setup_inputs()
    print(jax.jit(kernel)(*tuple(_d.values())))

</pallas_src>

<mosaic_0001>
#map = affine_map<(d0, d1) -> (0, 0)>
#map1 = affine_map<(d0, d1) -> (0)>
#map2 = affine_map<(d0, d1) -> (0, 0, 0)>
module attributes {stable_mosaic.version = 14 : i64} {
  func.func @_agg_body(%arg0: i32, %arg1: i32, %arg2: memref<20000x128xf32, #tpu.memory_space<hbm>>, %arg3: memref<640000xi32, #tpu.memory_space<hbm>>, %arg4: memref<320000xi32, #tpu.memory_space<hbm>>, %arg5: memref<2x10000x128xf32, #tpu.memory_space<hbm>>, %arg6: memref<80xi32, #tpu.memory_space<vmem>>, %arg7: memref<80xi32, #tpu.memory_space<vmem>>, %arg8: memref<80xi32, #tpu.memory_space<vmem>>, %arg9: memref<80xi32, #tpu.memory_space<vmem>>, %arg10: memref<80xi32, #tpu.memory_space<vmem>>, %arg11: memref<80xi32, #tpu.memory_space<vmem>>, %arg12: memref<80x128xf32, #tpu.memory_space<vmem>>, %arg13: memref<80x128xf32, #tpu.memory_space<vmem>>, %arg14: memref<80x128xf32, #tpu.memory_space<vmem>>, %arg15: memref<!tpu.dma_semaphore, #tpu.memory_space<semaphore_mem>>, %arg16: memref<!tpu.dma_semaphore, #tpu.memory_space<semaphore_mem>>, %arg17: memref<!tpu.dma_semaphore, #tpu.memory_space<semaphore_mem>>, %arg18: memref<!tpu.dma_semaphore, #tpu.memory_space<semaphore_mem>>, %arg19: memref<!tpu.dma_semaphore, #tpu.memory_space<semaphore_mem>>, %arg20: memref<!tpu.dma_semaphore, #tpu.memory_space<semaphore_mem>>, %arg21: memref<!tpu.dma_semaphore, #tpu.memory_space<semaphore_mem>>, %arg22: memref<!tpu.dma_semaphore, #tpu.memory_space<semaphore_mem>>, %arg23: memref<!tpu.dma_semaphore, #tpu.memory_space<semaphore_mem>>, %arg24: memref<!tpu.dma_semaphore, #tpu.memory_space<semaphore_mem>>, %arg25: memref<!tpu.dma_semaphore, #tpu.memory_space<semaphore_mem>>, %arg26: memref<!tpu.dma_semaphore, #tpu.memory_space<semaphore_mem>>, %arg27: memref<10000x128xf32, #tpu.memory_space<vmem_shared>>) attributes {dimension_semantics = [#tpu.dimension_semantics<core_parallel>, #tpu.dimension_semantics<subcore_parallel>], iteration_bounds = array<i64: 2, 16>, scalar_prefetch = 0 : i64, scratch_operands = 22 : i64, tpu.core_type = #tpu.core_type<sc_vector_subcore>, window_params = [{transform_indices = #map}, {transform_indices = #map1}, {transform_indices = #map1}, {transform_indices = #map2}]} {
    %lt3A = arith.constant 15 : i32
    %lt3A_0 = arith.cmpi slt, %arg1, %lt3A : i32
    %convert_element_type3A = arith.extui %lt3A_0 : i1 to i32
    %cond3A = arith.constant 0 : i32
    %cond3A_1 = arith.cmpi ne, %convert_element_type3A, %cond3A : i32
    scf.if %cond3A_1 {
      %mul3A_97 = arith.constant 10000 : i32
      %mul3A_98 = arith.muli %arg0, %mul3A_97 : i32
      %mul3A_99 = arith.constant 640 : i32
      %mul3A_100 = arith.muli %arg1, %mul3A_99 : i32
      %add3A_101 = arith.addi %mul3A_98, %mul3A_100 : i32
      %multiple_of3A_102 = tpu.assume_multiple %add3A_101, 640 : i32
      %mul3A_103 = arith.constant 640 : i32
      %mul3A_104 = arith.muli %arg1, %mul3A_103 : i32
      "tpu.region"() ({
        %run_scoped3A = tpu.sem_alloc : memref<!tpu.dma_semaphore, #tpu.memory_space<semaphore_mem>>
        %dma_start3A_105 = arith.constant 0 : i32
        %dma_start3A_106 = tpu.memref_slice %arg27[%mul3A_104, %dma_start3A_105] : memref<10000x128xf32, #tpu.memory_space<vmem_shared>> -> memref<640x128xf32, #tpu.memory_space<vmem_shared>>
        %dma_start3A_107 = arith.constant 0 : i32
        %dma_start3A_108 = tpu.memref_slice %arg2[%multiple_of3A_102, %dma_start3A_107] : memref<20000x128xf32, #tpu.memory_space<hbm>> -> memref<640x128xf32, #tpu.memory_space<hbm>>
        tpu.enqueue_dma source(%dma_start3A_108 : memref<640x128xf32, #tpu.memory_space<hbm>>) target(%dma_start3A_106 : memref<640x128xf32, #tpu.memory_space<vmem_shared>>) target_semaphore(%run_scoped3A : memref<!tpu.dma_semaphore, #tpu.memory_space<semaphore_mem>>)
        %dma_wait3A_109 = arith.constant 0 : i32
        %dma_wait3A_110 = tpu.memref_slice %arg27[%mul3A_104, %dma_wait3A_109] : memref<10000x128xf32, #tpu.memory_space<vmem_shared>> -> memref<640x128xf32, #tpu.memory_space<vmem_shared>>
        %dma_wait3A_111 = arith.constant 0 : i32
        %dma_wait3A_112 = tpu.memref_slice %arg2[%multiple_of3A_102, %dma_wait3A_111] : memref<20000x128xf32, #tpu.memory_space<hbm>> -> memref<640x128xf32, #tpu.memory_space<hbm>>
        tpu.wait_dma2 semaphore(%run_scoped3A : memref<!tpu.dma_semaphore, #tpu.memory_space<semaphore_mem>>) src(%dma_wait3A_112 : memref<640x128xf32, #tpu.memory_space<hbm>>) dst(%dma_wait3A_110 : memref<640x128xf32, #tpu.memory_space<vmem_shared>>)
        tpu.yield
      }) : () -> ()
    } else {
    }
    %eq3A = arith.constant 15 : i32
    %eq3A_2 = arith.cmpi eq, %arg1, %eq3A : i32
    %convert_element_type3A_3 = arith.extui %eq3A_2 : i1 to i32
    %cond3A_4 = arith.constant 0 : i32
    %cond3A_5 = arith.cmpi ne, %convert_element_type3A_3, %cond3A_4 : i32
    scf.if %cond3A_5 {
      %mul3A_97 = arith.constant 10000 : i32
      %mul3A_98 = arith.muli %arg0, %mul3A_97 : i32
      %add3A_99 = arith.constant 9600 : i32
      %add3A_100 = arith.addi %mul3A_98, %add3A_99 : i32
      %multiple_of3A_101 = tpu.assume_multiple %add3A_100, 16 : i32
      "tpu.region"() ({
        %run_scoped3A = tpu.sem_alloc : memref<!tpu.dma_semaphore, #tpu.memory_space<semaphore_mem>>
        %dma_start3A_102 = arith.constant 9600 : i32
        %dma_start3A_103 = arith.constant 0 : i32
        %dma_start3A_104 = tpu.memref_slice %arg27[%dma_start3A_102, %dma_start3A_103] : memref<10000x128xf32, #tpu.memory_space<vmem_shared>> -> memref<400x128xf32, #tpu.memory_space<vmem_shared>>
        %dma_start3A_105 = arith.constant 0 : i32
        %dma_start3A_106 = tpu.memref_slice %arg2[%multiple_of3A_101, %dma_start3A_105] : memref<20000x128xf32, #tpu.memory_space<hbm>> -> memref<400x128xf32, #tpu.memory_space<hbm>>
        tpu.enqueue_dma source(%dma_start3A_106 : memref<400x128xf32, #tpu.memory_space<hbm>>) target(%dma_start3A_104 : memref<400x128xf32, #tpu.memory_space<vmem_shared>>) target_semaphore(%run_scoped3A : memref<!tpu.dma_semaphore, #tpu.memory_space<semaphore_mem>>)
        %dma_wait3A_107 = arith.constant 9600 : i32
        %dma_wait3A_108 = arith.constant 0 : i32
        %dma_wait3A_109 = tpu.memref_slice %arg27[%dma_wait3A_107, %dma_wait3A_108] : memref<10000x128xf32, #tpu.memory_space<vmem_shared>> -> memref<400x128xf32, #tpu.memory_space<vmem_shared>>
        %dma_wait3A_110 = arith.constant 0 : i32
        %dma_wait3A_111 = tpu.memref_slice %arg2[%multiple_of3A_101, %dma_wait3A_110] : memref<20000x128xf32, #tpu.memory_space<hbm>> -> memref<400x128xf32, #tpu.memory_space<hbm>>
        tpu.wait_dma2 semaphore(%run_scoped3A : memref<!tpu.dma_semaphore, #tpu.memory_space<semaphore_mem>>) src(%dma_wait3A_111 : memref<400x128xf32, #tpu.memory_space<hbm>>) dst(%dma_wait3A_109 : memref<400x128xf32, #tpu.memory_space<vmem_shared>>)
        tpu.yield
      }) : () -> ()
    } else {
    }
    %mul3A = arith.constant 320000 : i32
    %mul3A_6 = arith.muli %arg0, %mul3A : i32
    %mul3A_7 = arith.constant 20000 : i32
    %mul3A_8 = arith.muli %arg1, %mul3A_7 : i32
    %add3A = arith.addi %mul3A_6, %mul3A_8 : i32
    %add3A_9 = arith.constant 0 : i32
    %add3A_10 = arith.addi %add3A, %add3A_9 : i32
    %multiple_of3A = tpu.assume_multiple %add3A_10, 8 : i32
    %dma_start3A = tpu.memref_slice %arg3[%multiple_of3A] : memref<640000xi32, #tpu.memory_space<hbm>> -> memref<80xi32, #tpu.memory_space<hbm>>
    %dma_start3A_11 = tpu.memref_slice %arg3[%multiple_of3A] : memref<640000xi32, #tpu.memory_space<hbm>> -> memref<80xi32, #tpu.memory_space<hbm>>
    tpu.enqueue_dma source(%dma_start3A_11 : memref<80xi32, #tpu.memory_space<hbm>>) target(%arg6 : memref<80xi32, #tpu.memory_space<vmem>>) target_semaphore(%arg15 : memref<!tpu.dma_semaphore, #tpu.memory_space<semaphore_mem>>)
    %mul3A_12 = arith.constant 320000 : i32
    %mul3A_13 = arith.muli %arg0, %mul3A_12 : i32
    %mul3A_14 = arith.constant 20000 : i32
    %mul3A_15 = arith.muli %arg1, %mul3A_14 : i32
    %add3A_16 = arith.addi %mul3A_13, %mul3A_15 : i32
    %add3A_17 = arith.constant 80 : i32
    %add3A_18 = arith.addi %add3A_16, %add3A_17 : i32
    %multiple_of3A_19 = tpu.assume_multiple %add3A_18, 8 : i32
    %dma_start3A_20 = tpu.memref_slice %arg3[%multiple_of3A_19] : memref<640000xi32, #tpu.memory_space<hbm>> -> memref<80xi32, #tpu.memory_space<hbm>>
    %dma_start3A_21 = tpu.memref_slice %arg3[%multiple_of3A_19] : memref<640000xi32, #tpu.memory_space<hbm>> -> memref<80xi32, #tpu.memory_space<hbm>>
    tpu.enqueue_dma source(%dma_start3A_21 : memref<80xi32, #tpu.memory_space<hbm>>) target(%arg7 : memref<80xi32, #tpu.memory_space<vmem>>) target_semaphore(%arg16 : memref<!tpu.dma_semaphore, #tpu.memory_space<semaphore_mem>>)
    %mul3A_22 = arith.constant 320000 : i32
    %mul3A_23 = arith.muli %arg0, %mul3A_22 : i32
    %mul3A_24 = arith.constant 20000 : i32
    %mul3A_25 = arith.muli %arg1, %mul3A_24 : i32
    %add3A_26 = arith.addi %mul3A_23, %mul3A_25 : i32
    %add3A_27 = arith.constant 160 : i32
    %add3A_28 = arith.addi %add3A_26, %add3A_27 : i32
    %multiple_of3A_29 = tpu.assume_multiple %add3A_28, 8 : i32
    %dma_start3A_30 = tpu.memref_slice %arg3[%multiple_of3A_29] : memref<640000xi32, #tpu.memory_space<hbm>> -> memref<80xi32, #tpu.memory_space<hbm>>
    %dma_start3A_31 = tpu.memref_slice %arg3[%multiple_of3A_29] : memref<640000xi32, #tpu.memory_space<hbm>> -> memref<80xi32, #tpu.memory_space<hbm>>
    tpu.enqueue_dma source(%dma_start3A_31 : memref<80xi32, #tpu.memory_space<hbm>>) target(%arg8 : memref<80xi32, #tpu.memory_space<vmem>>) target_semaphore(%arg17 : memref<!tpu.dma_semaphore, #tpu.memory_space<semaphore_mem>>)
    %mul3A_32 = arith.constant 20000 : i32
    %mul3A_33 = arith.muli %arg1, %mul3A_32 : i32
    %add3A_34 = arith.constant 0 : i32
    %add3A_35 = arith.addi %mul3A_33, %add3A_34 : i32
    %dma_start3A_36 = tpu.memref_slice %arg4[%add3A_35] : memref<320000xi32, #tpu.memory_space<hbm>> -> memref<80xi32, #tpu.memory_space<hbm>>
    %dma_start3A_37 = tpu.memref_slice %arg4[%add3A_35] : memref<320000xi32, #tpu.memory_space<hbm>> -> memref<80xi32, #tpu.memory_space<hbm>>
    tpu.enqueue_dma source(%dma_start3A_37 : memref<80xi32, #tpu.memory_space<hbm>>) target(%arg9 : memref<80xi32, #tpu.memory_space<vmem>>) target_semaphore(%arg18 : memref<!tpu.dma_semaphore, #tpu.memory_space<semaphore_mem>>)
    %mul3A_38 = arith.constant 20000 : i32
    %mul3A_39 = arith.muli %arg1, %mul3A_38 : i32
    %add3A_40 = arith.constant 80 : i32
    %add3A_41 = arith.addi %mul3A_39, %add3A_40 : i32
    %dma_start3A_42 = tpu.memref_slice %arg4[%add3A_41] : memref<320000xi32, #tpu.memory_space<hbm>> -> memref<80xi32, #tpu.memory_space<hbm>>
    %dma_start3A_43 = tpu.memref_slice %arg4[%add3A_41] : memref<320000xi32, #tpu.memory_space<hbm>> -> memref<80xi32, #tpu.memory_space<hbm>>
    tpu.enqueue_dma source(%dma_start3A_43 : memref<80xi32, #tpu.memory_space<hbm>>) target(%arg10 : memref<80xi32, #tpu.memory_space<vmem>>) target_semaphore(%arg19 : memref<!tpu.dma_semaphore, #tpu.memory_space<semaphore_mem>>)
    %mul3A_44 = arith.constant 320000 : i32
    %mul3A_45 = arith.muli %arg0, %mul3A_44 : i32
    %mul3A_46 = arith.constant 20000 : i32
    %mul3A_47 = arith.muli %arg1, %mul3A_46 : i32
    %add3A_48 = arith.addi %mul3A_45, %mul3A_47 : i32
    %add3A_49 = arith.constant 0 : i32
    %add3A_50 = arith.addi %add3A_48, %add3A_49 : i32
    %multiple_of3A_51 = tpu.assume_multiple %add3A_50, 8 : i32
    %dma_wait3A = tpu.memref_slice %arg3[%multiple_of3A_51] : memref<640000xi32, #tpu.memory_space<hbm>> -> memref<80xi32, #tpu.memory_space<hbm>>
    %dma_wait3A_52 = tpu.memref_slice %arg3[%multiple_of3A_51] : memref<640000xi32, #tpu.memory_space<hbm>> -> memref<80xi32, #tpu.memory_space<hbm>>
    tpu.wait_dma2 semaphore(%arg15 : memref<!tpu.dma_semaphore, #tpu.memory_space<semaphore_mem>>) src(%dma_wait3A_52 : memref<80xi32, #tpu.memory_space<hbm>>) dst(%arg6 : memref<80xi32, #tpu.memory_space<vmem>>)
    %dma_start3A_53 = arith.constant 0 : i32
    %dma_start3A_54 = arith.constant 0 : i32
    %dma_start3A_55 = tpu.memref_slice %arg2[%dma_start3A_53, %dma_start3A_54] : memref<20000x128xf32, #tpu.memory_space<hbm>> -> memref<20000x128xf32, #tpu.memory_space<hbm>>
    tpu.enqueue_indirect_dma source(%dma_start3A_55 : memref<20000x128xf32, #tpu.memory_space<hbm>>) target(%arg12 : memref<80x128xf32, #tpu.memory_space<vmem>>) offsets(%arg6 : memref<80xi32, #tpu.memory_space<vmem>>) semaphore(%arg21 : memref<!tpu.dma_semaphore, #tpu.memory_space<semaphore_mem>>)
    %mul3A_56 = arith.constant 320000 : i32
    %mul3A_57 = arith.muli %arg0, %mul3A_56 : i32
    %mul3A_58 = arith.constant 20000 : i32
    %mul3A_59 = arith.muli %arg1, %mul3A_58 : i32
    %add3A_60 = arith.addi %mul3A_57, %mul3A_59 : i32
    %add3A_61 = arith.constant 80 : i32
    %add3A_62 = arith.addi %add3A_60, %add3A_61 : i32
    %multiple_of3A_63 = tpu.assume_multiple %add3A_62, 8 : i32
    %dma_wait3A_64 = tpu.memref_slice %arg3[%multiple_of3A_63] : memref<640000xi32, #tpu.memory_space<hbm>> -> memref<80xi32, #tpu.memory_space<hbm>>
    %dma_wait3A_65 = tpu.memref_slice %arg3[%multiple_of3A_63] : memref<640000xi32, #tpu.memory_space<hbm>> -> memref<80xi32, #tpu.memory_space<hbm>>
    tpu.wait_dma2 semaphore(%arg16 : memref<!tpu.dma_semaphore, #tpu.memory_space<semaphore_mem>>) src(%dma_wait3A_65 : memref<80xi32, #tpu.memory_space<hbm>>) dst(%arg7 : memref<80xi32, #tpu.memory_space<vmem>>)
    %dma_start3A_66 = arith.constant 0 : i32
    %dma_start3A_67 = arith.constant 0 : i32
    %dma_start3A_68 = tpu.memref_slice %arg2[%dma_start3A_66, %dma_start3A_67] : memref<20000x128xf32, #tpu.memory_space<hbm>> -> memref<20000x128xf32, #tpu.memory_space<hbm>>
    tpu.enqueue_indirect_dma source(%dma_start3A_68 : memref<20000x128xf32, #tpu.memory_space<hbm>>) target(%arg13 : memref<80x128xf32, #tpu.memory_space<vmem>>) offsets(%arg7 : memref<80xi32, #tpu.memory_space<vmem>>) semaphore(%arg22 : memref<!tpu.dma_semaphore, #tpu.memory_space<semaphore_mem>>)
    %scan3A = arith.constant 0 : i32
    %scan3A_69 = arith.constant 0 : i32
    %scan3A_70 = arith.constant 83 : i32
    %scan3A_71 = arith.addi %scan3A_69, %scan3A_70 : i32
    %scan3A_72 = arith.constant 1 : i32
    %scan3A_73 = scf.for %scan3A_97 = %scan3A_69 to %scan3A_71 step %scan3A_72 iter_args(%scan3A_98 = %scan3A) -> (i32)  : i32 {
      %mul3A_99 = arith.constant 3 : i32
      %mul3A_100 = arith.muli %mul3A_99, %scan3A_97 : i32
      %add3A_101 = arith.constant 0 : i32
      %add3A_102 = arith.addi %mul3A_100, %add3A_101 : i32
      %dma_wait3A_103 = arith.constant 0 : i32
      %dma_wait3A_104 = arith.constant 0 : i32
      %dma_wait3A_105 = tpu.memref_slice %arg2[%dma_wait3A_103, %dma_wait3A_104] : memref<20000x128xf32, #tpu.memory_space<hbm>> -> memref<20000x128xf32, #tpu.memory_space<hbm>>
      tpu.wait_indirect_dma semaphore(%arg21 : memref<!tpu.dma_semaphore, #tpu.memory_space<semaphore_mem>>) src(%dma_wait3A_105 : memref<20000x128xf32, #tpu.memory_space<hbm>>) dst(%arg12 : memref<80x128xf32, #tpu.memory_space<vmem>>)
      %add3A_106 = arith.constant 3 : i32
      %add3A_107 = arith.addi %add3A_102, %add3A_106 : i32
      %mul3A_108 = arith.constant 320000 : i32
      %mul3A_109 = arith.muli %arg0, %mul3A_108 : i32
      %mul3A_110 = arith.constant 20000 : i32
      %mul3A_111 = arith.muli %arg1, %mul3A_110 : i32
      %add3A_112 = arith.addi %mul3A_109, %mul3A_111 : i32
      %mul3A_113 = arith.constant 80 : i32
      %mul3A_114 = arith.muli %add3A_107, %mul3A_113 : i32
      %add3A_115 = arith.addi %add3A_112, %mul3A_114 : i32
      %multiple_of3A_116 = tpu.assume_multiple %add3A_115, 8 : i32
      %dma_start3A_117 = tpu.memref_slice %arg3[%multiple_of3A_116] : memref<640000xi32, #tpu.memory_space<hbm>> -> memref<80xi32, #tpu.memory_space<hbm>>
      %dma_start3A_118 = tpu.memref_slice %arg3[%multiple_of3A_116] : memref<640000xi32, #tpu.memory_space<hbm>> -> memref<80xi32, #tpu.memory_space<hbm>>
      tpu.enqueue_dma source(%dma_start3A_118 : memref<80xi32, #tpu.memory_space<hbm>>) target(%arg6 : memref<80xi32, #tpu.memory_space<vmem>>) target_semaphore(%arg15 : memref<!tpu.dma_semaphore, #tpu.memory_space<semaphore_mem>>)
      %mul3A_119 = arith.constant 20000 : i32
      %mul3A_120 = arith.muli %arg1, %mul3A_119 : i32
      %mul3A_121 = arith.constant 80 : i32
      %mul3A_122 = arith.muli %add3A_102, %mul3A_121 : i32
      %add3A_123 = arith.addi %mul3A_120, %mul3A_122 : i32
      %dma_wait3A_124 = tpu.memref_slice %arg4[%add3A_123] : memref<320000xi32, #tpu.memory_space<hbm>> -> memref<80xi32, #tpu.memory_space<hbm>>
      %dma_wait3A_125 = tpu.memref_slice %arg4[%add3A_123] : memref<320000xi32, #tpu.memory_space<hbm>> -> memref<80xi32, #tpu.memory_space<hbm>>
      tpu.wait_dma2 semaphore(%arg18 : memref<!tpu.dma_semaphore, #tpu.memory_space<semaphore_mem>>) src(%dma_wait3A_125 : memref<80xi32, #tpu.memory_space<hbm>>) dst(%arg9 : memref<80xi32, #tpu.memory_space<vmem>>)
      %dma_start3A_126 = arith.constant 0 : i32
      %dma_start3A_127 = arith.constant 0 : i32
      %dma_start3A_128 = tpu.memref_slice %arg27[%dma_start3A_126, %dma_start3A_127] : memref<10000x128xf32, #tpu.memory_space<vmem_shared>> -> memref<10000x128xf32, #tpu.memory_space<vmem_shared>>
      tpu.enqueue_indirect_dma source(%arg12 : memref<80x128xf32, #tpu.memory_space<vmem>>) target(%dma_start3A_128 : memref<10000x128xf32, #tpu.memory_space<vmem_shared>>) offsets(%arg9 : memref<80xi32, #tpu.memory_space<vmem>>) semaphore(%arg24 : memref<!tpu.dma_semaphore, #tpu.memory_space<semaphore_mem>>) {add = true}
      %gt3A = arith.constant 0 : i32
      %gt3A_129 = arith.cmpi sgt, %scan3A_97, %gt3A : i32
      %convert_element_type3A_130 = arith.extui %gt3A_129 : i1 to i32
      %cond3A_131 = arith.constant 0 : i32
      %cond3A_132 = arith.cmpi ne, %convert_element_type3A_130, %cond3A_131 : i32
      scf.if %cond3A_132 {
        %dma_wait3A_239 = arith.constant 0 : i32
        %dma_wait3A_240 = arith.constant 0 : i32
        %dma_wait3A_241 = tpu.memref_slice %arg27[%dma_wait3A_239, %dma_wait3A_240] : memref<10000x128xf32, #tpu.memory_space<vmem_shared>> -> memref<10000x128xf32, #tpu.memory_space<vmem_shared>>
        tpu.wait_indirect_dma semaphore(%arg26 : memref<!tpu.dma_semaphore, #tpu.memory_space<semaphore_mem>>) src(%arg14 : memref<80x128xf32, #tpu.memory_space<vmem>>) dst(%dma_wait3A_241 : memref<10000x128xf32, #tpu.memory_space<vmem_shared>>)
      } else {
      }
      %add3A_133 = arith.constant 2 : i32
      %add3A_134 = arith.addi %add3A_102, %add3A_133 : i32
      %mul3A_135 = arith.constant 20000 : i32
      %mul3A_136 = arith.muli %arg1, %mul3A_135 : i32
      %mul3A_137 = arith.constant 80 : i32
      %mul3A_138 = arith.muli %add3A_134, %mul3A_137 : i32
      %add3A_139 = arith.addi %mul3A_136, %mul3A_138 : i32
      %dma_start3A_140 = tpu.memref_slice %arg4[%add3A_139] : memref<320000xi32, #tpu.memory_space<hbm>> -> memref<80xi32, #tpu.memory_space<hbm>>
      %dma_start3A_141 = tpu.memref_slice %arg4[%add3A_139] : memref<320000xi32, #tpu.memory_space<hbm>> -> memref<80xi32, #tpu.memory_space<hbm>>
      tpu.enqueue_dma source(%dma_start3A_141 : memref<80xi32, #tpu.memory_space<hbm>>) target(%arg11 : memref<80xi32, #tpu.memory_space<vmem>>) target_semaphore(%arg20 : memref<!tpu.dma_semaphore, #tpu.memory_space<semaphore_mem>>)
      %add3A_142 = arith.constant 2 : i32
      %add3A_143 = arith.addi %add3A_102, %add3A_142 : i32
      %mul3A_144 = arith.constant 320000 : i32
      %mul3A_145 = arith.muli %arg0, %mul3A_144 : i32
      %mul3A_146 = arith.constant 20000 : i32
      %mul3A_147 = arith.muli %arg1, %mul3A_146 : i32
      %add3A_148 = arith.addi %mul3A_145, %mul3A_147 : i32
      %mul3A_149 = arith.constant 80 : i32
      %mul3A_150 = arith.muli %add3A_143, %mul3A_149 : i32
      %add3A_151 = arith.addi %add3A_148, %mul3A_150 : i32
      %multiple_of3A_152 = tpu.assume_multiple %add3A_151, 8 : i32
      %dma_wait3A_153 = tpu.memref_slice %arg3[%multiple_of3A_152] : memref<640000xi32, #tpu.memory_space<hbm>> -> memref<80xi32, #tpu.memory_space<hbm>>
      %dma_wait3A_154 = tpu.memref_slice %arg3[%multiple_of3A_152] : memref<640000xi32, #tpu.memory_space<hbm>> -> memref<80xi32, #tpu.memory_space<hbm>>
      tpu.wait_dma2 semaphore(%arg17 : memref<!tpu.dma_semaphore, #tpu.memory_space<semaphore_mem>>) src(%dma_wait3A_154 : memref<80xi32, #tpu.memory_space<hbm>>) dst(%arg8 : memref<80xi32, #tpu.memory_space<vmem>>)
      %dma_start3A_155 = arith.constant 0 : i32
      %dma_start3A_156 = arith.constant 0 : i32
      %dma_start3A_157 = tpu.memref_slice %arg2[%dma_start3A_155, %dma_start3A_156] : memref<20000x128xf32, #tpu.memory_space<hbm>> -> memref<20000x128xf32, #tpu.memory_space<hbm>>
      tpu.enqueue_indirect_dma source(%dma_start3A_157 : memref<20000x128xf32, #tpu.memory_space<hbm>>) target(%arg14 : memref<80x128xf32, #tpu.memory_space<vmem>>) offsets(%arg8 : memref<80xi32, #tpu.memory_space<vmem>>) semaphore(%arg23 : memref<!tpu.dma_semaphore, #tpu.memory_space<semaphore_mem>>)
      %mul3A_158 = arith.constant 3 : i32
      %mul3A_159 = arith.muli %mul3A_158, %scan3A_97 : i32
      %add3A_160 = arith.constant 1 : i32
      %add3A_161 = arith.addi %mul3A_159, %add3A_160 : i32
      %dma_wait3A_162 = arith.constant 0 : i32
      %dma_wait3A_163 = arith.constant 0 : i32
      %dma_wait3A_164 = tpu.memref_slice %arg2[%dma_wait3A_162, %dma_wait3A_163] : memref<20000x128xf32, #tpu.memory_space<hbm>> -> memref<20000x128xf32, #tpu.memory_space<hbm>>
      tpu.wait_indirect_dma semaphore(%arg22 : memref<!tpu.dma_semaphore, #tpu.memory_space<semaphore_mem>>) src(%dma_wait3A_164 : memref<20000x128xf32, #tpu.memory_space<hbm>>) dst(%arg13 : memref<80x128xf32, #tpu.memory_space<vmem>>)
      %lt3A_165 = arith.constant 82 : i32
      %lt3A_166 = arith.cmpi slt, %scan3A_97, %lt3A_165 : i32
      %convert_element_type3A_167 = arith.extui %lt3A_166 : i1 to i32
      %cond3A_168 = arith.constant 0 : i32
      %cond3A_169 = arith.cmpi ne, %convert_element_type3A_167, %cond3A_168 : i32
      scf.if %cond3A_169 {
        %add3A_239 = arith.constant 3 : i32
        %add3A_240 = arith.addi %add3A_161, %add3A_239 : i32
        %mul3A_241 = arith.constant 320000 : i32
        %mul3A_242 = arith.muli %arg0, %mul3A_241 : i32
        %mul3A_243 = arith.constant 20000 : i32
        %mul3A_244 = arith.muli %arg1, %mul3A_243 : i32
        %add3A_245 = arith.addi %mul3A_242, %mul3A_244 : i32
        %mul3A_246 = arith.constant 80 : i32
        %mul3A_247 = arith.muli %add3A_240, %mul3A_246 : i32
        %add3A_248 = arith.addi %add3A_245, %mul3A_247 : i32
        %multiple_of3A_249 = tpu.assume_multiple %add3A_248, 8 : i32
        %dma_start3A_250 = tpu.memref_slice %arg3[%multiple_of3A_249] : memref<640000xi32, #tpu.memory_space<hbm>> -> memref<80xi32, #tpu.memory_space<hbm>>
        %dma_start3A_251 = tpu.memref_slice %arg3[%multiple_of3A_249] : memref<640000xi32, #tpu.memory_space<hbm>> -> memref<80xi32, #tpu.memory_space<hbm>>
        tpu.enqueue_dma source(%dma_start3A_251 : memref<80xi32, #tpu.memory_space<hbm>>) target(%arg7 : memref<80xi32, #tpu.memory_space<vmem>>) target_semaphore(%arg16 : memref<!tpu.dma_semaphore, #tpu.memory_space<semaphore_mem>>)
      } else {
      }
      %mul3A_170 = arith.constant 20000 : i32
      %mul3A_171 = arith.muli %arg1, %mul3A_170 : i32
      %mul3A_172 = arith.constant 80 : i32
      %mul3A_173 = arith.muli %add3A_161, %mul3A_172 : i32
      %add3A_174 = arith.addi %mul3A_171, %mul3A_173 : i32
      %dma_wait3A_175 = tpu.memref_slice %arg4[%add3A_174] : memref<320000xi32, #tpu.memory_space<hbm>> -> memref<80xi32, #tpu.memory_space<hbm>>
      %dma_wait3A_176 = tpu.memref_slice %arg4[%add3A_174] : memref<320000xi32, #tpu.memory_space<hbm>> -> memref<80xi32, #tpu.memory_space<hbm>>
      tpu.wait_dma2 semaphore(%arg19 : memref<!tpu.dma_semaphore, #tpu.memory_space<semaphore_mem>>) src(%dma_wait3A_176 : memref<80xi32, #tpu.memory_space<hbm>>) dst(%arg10 : memref<80xi32, #tpu.memory_space<vmem>>)
      %dma_start3A_177 = arith.constant 0 : i32
      %dma_start3A_178 = arith.constant 0 : i32
      %dma_start3A_179 = tpu.memref_slice %arg27[%dma_start3A_177, %dma_start3A_178] : memref<10000x128xf32, #tpu.memory_space<vmem_shared>> -> memref<10000x128xf32, #tpu.memory_space<vmem_shared>>
      tpu.enqueue_indirect_dma source(%arg13 : memref<80x128xf32, #tpu.memory_space<vmem>>) target(%dma_start3A_179 : memref<10000x128xf32, #tpu.memory_space<vmem_shared>>) offsets(%arg10 : memref<80xi32, #tpu.memory_space<vmem>>) semaphore(%arg25 : memref<!tpu.dma_semaphore, #tpu.memory_space<semaphore_mem>>) {add = true}
      %dma_wait3A_180 = arith.constant 0 : i32
      %dma_wait3A_181 = arith.constant 0 : i32
      %dma_wait3A_182 = tpu.memref_slice %arg27[%dma_wait3A_180, %dma_wait3A_181] : memref<10000x128xf32, #tpu.memory_space<vmem_shared>> -> memref<10000x128xf32, #tpu.memory_space<vmem_shared>>
      tpu.wait_indirect_dma semaphore(%arg24 : memref<!tpu.dma_semaphore, #tpu.memory_space<semaphore_mem>>) src(%arg12 : memref<80x128xf32, #tpu.memory_space<vmem>>) dst(%dma_wait3A_182 : memref<10000x128xf32, #tpu.memory_space<vmem_shared>>)
      %add3A_183 = arith.constant 2 : i32
      %add3A_184 = arith.addi %add3A_161, %add3A_183 : i32
      %mul3A_185 = arith.constant 20000 : i32
      %mul3A_186 = arith.muli %arg1, %mul3A_185 : i32
      %mul3A_187 = arith.constant 80 : i32
      %mul3A_188 = arith.muli %add3A_184, %mul3A_187 : i32
      %add3A_189 = arith.addi %mul3A_186, %mul3A_188 : i32
      %dma_start3A_190 = tpu.memref_slice %arg4[%add3A_189] : memref<320000xi32, #tpu.memory_space<hbm>> -> memref<80xi32, #tpu.memory_space<hbm>>
      %dma_start3A_191 = tpu.memref_slice %arg4[%add3A_189] : memref<320000xi32, #tpu.memory_space<hbm>> -> memref<80xi32, #tpu.memory_space<hbm>>
      tpu.enqueue_dma source(%dma_start3A_191 : memref<80xi32, #tpu.memory_space<hbm>>) target(%arg9 : memref<80xi32, #tpu.memory_space<vmem>>) target_semaphore(%arg18 : memref<!tpu.dma_semaphore, #tpu.memory_space<semaphore_mem>>)
      %add3A_192 = arith.constant 2 : i32
      %add3A_193 = arith.addi %add3A_161, %add3A_192 : i32
      %mul3A_194 = arith.constant 320000 : i32
      %mul3A_195 = arith.muli %arg0, %mul3A_194 : i32
      %mul3A_196 = arith.constant 20000 : i32
      %mul3A_197 = arith.muli %arg1, %mul3A_196 : i32
      %add3A_198 = arith.addi %mul3A_195, %mul3A_197 : i32
      %mul3A_199 = arith.constant 80 : i32
      %mul3A_200 = arith.muli %add3A_193, %mul3A_199 : i32
      %add3A_201 = arith.addi %add3A_198, %mul3A_200 : i32
      %multiple_of3A_202 = tpu.assume_multiple %add3A_201, 8 : i32
      %dma_wait3A_203 = tpu.memref_slice %arg3[%multiple_of3A_202] : memref<640000xi32, #tpu.memory_space<hbm>> -> memref<80xi32, #tpu.memory_space<hbm>>
      %dma_wait3A_204 = tpu.memref_slice %arg3[%multiple_of3A_202] : memref<640000xi32, #tpu.memory_space<hbm>> -> memref<80xi32, #tpu.memory_space<hbm>>
      tpu.wait_dma2 semaphore(%arg15 : memref<!tpu.dma_semaphore, #tpu.memory_space<semaphore_mem>>) src(%dma_wait3A_204 : memref<80xi32, #tpu.memory_space<hbm>>) dst(%arg6 : memref<80xi32, #tpu.memory_space<vmem>>)
      %dma_start3A_205 = arith.constant 0 : i32
      %dma_start3A_206 = arith.constant 0 : i32
      %dma_start3A_207 = tpu.memref_slice %arg2[%dma_start3A_205, %dma_start3A_206] : memref<20000x128xf32, #tpu.memory_space<hbm>> -> memref<20000x128xf32, #tpu.memory_space<hbm>>
      tpu.enqueue_indirect_dma source(%dma_start3A_207 : memref<20000x128xf32, #tpu.memory_space<hbm>>) target(%arg12 : memref<80x128xf32, #tpu.memory_space<vmem>>) offsets(%arg6 : memref<80xi32, #tpu.memory_space<vmem>>) semaphore(%arg21 : memref<!tpu.dma_semaphore, #tpu.memory_space<semaphore_mem>>)
      %mul3A_208 = arith.constant 3 : i32
      %mul3A_209 = arith.muli %mul3A_208, %scan3A_97 : i32
      %add3A_210 = arith.constant 2 : i32
      %add3A_211 = arith.addi %mul3A_209, %add3A_210 : i32
      %dma_wait3A_212 = arith.constant 0 : i32
      %dma_wait3A_213 = arith.constant 0 : i32
      %dma_wait3A_214 = tpu.memref_slice %arg2[%dma_wait3A_212, %dma_wait3A_213] : memref<20000x128xf32, #tpu.memory_space<hbm>> -> memref<20000x128xf32, #tpu.memory_space<hbm>>
      tpu.wait_indirect_dma semaphore(%arg23 : memref<!tpu.dma_semaphore, #tpu.memory_space<semaphore_mem>>) src(%dma_wait3A_214 : memref<20000x128xf32, #tpu.memory_space<hbm>>) dst(%arg14 : memref<80x128xf32, #tpu.memory_space<vmem>>)
      %lt3A_215 = arith.constant 82 : i32
      %lt3A_216 = arith.cmpi slt, %scan3A_97, %lt3A_215 : i32
      %convert_element_type3A_217 = arith.extui %lt3A_216 : i1 to i32
      %cond3A_218 = arith.constant 0 : i32
      %cond3A_219 = arith.cmpi ne, %convert_element_type3A_217, %cond3A_218 : i32
      scf.if %cond3A_219 {
        %add3A_239 = arith.constant 3 : i32
        %add3A_240 = arith.addi %add3A_211, %add3A_239 : i32
        %mul3A_241 = arith.constant 320000 : i32
        %mul3A_242 = arith.muli %arg0, %mul3A_241 : i32
        %mul3A_243 = arith.constant 20000 : i32
        %mul3A_244 = arith.muli %arg1, %mul3A_243 : i32
        %add3A_245 = arith.addi %mul3A_242, %mul3A_244 : i32
        %mul3A_246 = arith.constant 80 : i32
        %mul3A_247 = arith.muli %add3A_240, %mul3A_246 : i32
        %add3A_248 = arith.addi %add3A_245, %mul3A_247 : i32
        %multiple_of3A_249 = tpu.assume_multiple %add3A_248, 8 : i32
        %dma_start3A_250 = tpu.memref_slice %arg3[%multiple_of3A_249] : memref<640000xi32, #tpu.memory_space<hbm>> -> memref<80xi32, #tpu.memory_space<hbm>>
        %dma_start3A_251 = tpu.memref_slice %arg3[%multiple_of3A_249] : memref<640000xi32, #tpu.memory_space<hbm>> -> memref<80xi32, #tpu.memory_space<hbm>>
        tpu.enqueue_dma source(%dma_start3A_251 : memref<80xi32, #tpu.memory_space<hbm>>) target(%arg8 : memref<80xi32, #tpu.memory_space<vmem>>) target_semaphore(%arg17 : memref<!tpu.dma_semaphore, #tpu.memory_space<semaphore_mem>>)
      } else {
      }
      %mul3A_220 = arith.constant 20000 : i32
      %mul3A_221 = arith.muli %arg1, %mul3A_220 : i32
      %mul3A_222 = arith.constant 80 : i32
      %mul3A_223 = arith.muli %add3A_211, %mul3A_222 : i32
      %add3A_224 = arith.addi %mul3A_221, %mul3A_223 : i32
      %dma_wait3A_225 = tpu.memref_slice %arg4[%add3A_224] : memref<320000xi32, #tpu.memory_space<hbm>> -> memref<80xi32, #tpu.memory_space<hbm>>
      %dma_wait3A_226 = tpu.memref_slice %arg4[%add3A_224] : memref<320000xi32, #tpu.memory_space<hbm>> -> memref<80xi32, #tpu.memory_space<hbm>>
      tpu.wait_dma2 semaphore(%arg20 : memref<!tpu.dma_semaphore, #tpu.memory_space<semaphore_mem>>) src(%dma_wait3A_226 : memref<80xi32, #tpu.memory_space<hbm>>) dst(%arg11 : memref<80xi32, #tpu.memory_space<vmem>>)
      %dma_start3A_227 = arith.constant 0 : i32
      %dma_start3A_228 = arith.constant 0 : i32
      %dma_start3A_229 = tpu.memref_slice %arg27[%dma_start3A_227, %dma_start3A_228] : memref<10000x128xf32, #tpu.memory_space<vmem_shared>> -> memref<10000x128xf32, #tpu.memory_space<vmem_shared>>
      tpu.enqueue_indirect_dma source(%arg14 : memref<80x128xf32, #tpu.memory_space<vmem>>) target(%dma_start3A_229 : memref<10000x128xf32, #tpu.memory_space<vmem_shared>>) offsets(%arg11 : memref<80xi32, #tpu.memory_space<vmem>>) semaphore(%arg26 : memref<!tpu.dma_semaphore, #tpu.memory_space<semaphore_mem>>) {add = true}
      %dma_wait3A_230 = arith.constant 0 : i32
      %dma_wait3A_231 = arith.constant 0 : i32
      %dma_wait3A_232 = tpu.memref_slice %arg27[%dma_wait3A_230, %dma_wait3A_231] : memref<10000x128xf32, #tpu.memory_space<vmem_shared>> -> memref<10000x128xf32, #tpu.memory_space<vmem_shared>>
      tpu.wait_indirect_dma semaphore(%arg25 : memref<!tpu.dma_semaphore, #tpu.memory_space<semaphore_mem>>) src(%arg13 : memref<80x128xf32, #tpu.memory_space<vmem>>) dst(%dma_wait3A_232 : memref<10000x128xf32, #tpu.memory_space<vmem_shared>>)
      %lt3A_233 = arith.constant 82 : i32
      %lt3A_234 = arith.cmpi slt, %scan3A_97, %lt3A_233 : i32
      %convert_element_type3A_235 = arith.extui %lt3A_234 : i1 to i32
      %cond3A_236 = arith.constant 0 : i32
      %cond3A_237 = arith.cmpi ne, %convert_element_type3A_235, %cond3A_236 : i32
      scf.if %cond3A_237 {
        %add3A_239 = arith.constant 2 : i32
        %add3A_240 = arith.addi %add3A_211, %add3A_239 : i32
        %mul3A_241 = arith.constant 20000 : i32
        %mul3A_242 = arith.muli %arg1, %mul3A_241 : i32
        %mul3A_243 = arith.constant 80 : i32
        %mul3A_244 = arith.muli %add3A_240, %mul3A_243 : i32
        %add3A_245 = arith.addi %mul3A_242, %mul3A_244 : i32
        %dma_start3A_246 = tpu.memref_slice %arg4[%add3A_245] : memref<320000xi32, #tpu.memory_space<hbm>> -> memref<80xi32, #tpu.memory_space<hbm>>
        %dma_start3A_247 = tpu.memref_slice %arg4[%add3A_245] : memref<320000xi32, #tpu.memory_space<hbm>> -> memref<80xi32, #tpu.memory_space<hbm>>
        tpu.enqueue_dma source(%dma_start3A_247 : memref<80xi32, #tpu.memory_space<hbm>>) target(%arg10 : memref<80xi32, #tpu.memory_space<vmem>>) target_semaphore(%arg19 : memref<!tpu.dma_semaphore, #tpu.memory_space<semaphore_mem>>)
        %add3A_248 = arith.constant 2 : i32
        %add3A_249 = arith.addi %add3A_211, %add3A_248 : i32
        %mul3A_250 = arith.constant 320000 : i32
        %mul3A_251 = arith.muli %arg0, %mul3A_250 : i32
        %mul3A_252 = arith.constant 20000 : i32
        %mul3A_253 = arith.muli %arg1, %mul3A_252 : i32
        %add3A_254 = arith.addi %mul3A_251, %mul3A_253 : i32
        %mul3A_255 = arith.constant 80 : i32
        %mul3A_256 = arith.muli %add3A_249, %mul3A_255 : i32
        %add3A_257 = arith.addi %add3A_254, %mul3A_256 : i32
        %multiple_of3A_258 = tpu.assume_multiple %add3A_257, 8 : i32
        %dma_wait3A_259 = tpu.memref_slice %arg3[%multiple_of3A_258] : memref<640000xi32, #tpu.memory_space<hbm>> -> memref<80xi32, #tpu.memory_space<hbm>>
        %dma_wait3A_260 = tpu.memref_slice %arg3[%multiple_of3A_258] : memref<640000xi32, #tpu.memory_space<hbm>> -> memref<80xi32, #tpu.memory_space<hbm>>
        tpu.wait_dma2 semaphore(%arg16 : memref<!tpu.dma_semaphore, #tpu.memory_space<semaphore_mem>>) src(%dma_wait3A_260 : memref<80xi32, #tpu.memory_space<hbm>>) dst(%arg7 : memref<80xi32, #tpu.memory_space<vmem>>)
        %dma_start3A_261 = arith.constant 0 : i32
        %dma_start3A_262 = arith.constant 0 : i32
        %dma_start3A_263 = tpu.memref_slice %arg2[%dma_start3A_261, %dma_start3A_262] : memref<20000x128xf32, #tpu.memory_space<hbm>> -> memref<20000x128xf32, #tpu.memory_space<hbm>>
        tpu.enqueue_indirect_dma source(%dma_start3A_263 : memref<20000x128xf32, #tpu.memory_space<hbm>>) target(%arg13 : memref<80x128xf32, #tpu.memory_space<vmem>>) offsets(%arg7 : memref<80xi32, #tpu.memory_space<vmem>>) semaphore(%arg22 : memref<!tpu.dma_semaphore, #tpu.memory_space<semaphore_mem>>)
      } else {
      }
      %scan3A_238 = arith.constant 0 : i32
      scf.yield %scan3A_238 : i32
    }
    %scan3A_74 = arith.constant 83 : i32
    %dma_wait3A_75 = arith.constant 0 : i32
    %dma_wait3A_76 = arith.constant 0 : i32
    %dma_wait3A_77 = tpu.memref_slice %arg2[%dma_wait3A_75, %dma_wait3A_76] : memref<20000x128xf32, #tpu.memory_space<hbm>> -> memref<20000x128xf32, #tpu.memory_space<hbm>>
    tpu.wait_indirect_dma semaphore(%arg21 : memref<!tpu.dma_semaphore, #tpu.memory_space<semaphore_mem>>) src(%dma_wait3A_77 : memref<20000x128xf32, #tpu.memory_space<hbm>>) dst(%arg12 : memref<80x128xf32, #tpu.memory_space<vmem>>)
    %mul3A_78 = arith.constant 20000 : i32
    %mul3A_79 = arith.muli %arg1, %mul3A_78 : i32
    %add3A_80 = arith.constant 19920 : i32
    %add3A_81 = arith.addi %mul3A_79, %add3A_80 : i32
    %dma_wait3A_82 = tpu.memref_slice %arg4[%add3A_81] : memref<320000xi32, #tpu.memory_space<hbm>> -> memref<80xi32, #tpu.memory_space<hbm>>
    %dma_wait3A_83 = tpu.memref_slice %arg4[%add3A_81] : memref<320000xi32, #tpu.memory_space<hbm>> -> memref<80xi32, #tpu.memory_space<hbm>>
    tpu.wait_dma2 semaphore(%arg18 : memref<!tpu.dma_semaphore, #tpu.memory_space<semaphore_mem>>) src(%dma_wait3A_83 : memref<80xi32, #tpu.memory_space<hbm>>) dst(%arg9 : memref<80xi32, #tpu.memory_space<vmem>>)
    "tpu.region"() ({
      %run_scoped3A = tpu.sem_alloc : memref<!tpu.dma_semaphore, #tpu.memory_space<semaphore_mem>>
      %dma_start3A_97 = arith.constant 0 : i32
      %dma_start3A_98 = arith.constant 0 : i32
      %dma_start3A_99 = tpu.memref_slice %arg27[%dma_start3A_97, %dma_start3A_98] : memref<10000x128xf32, #tpu.memory_space<vmem_shared>> -> memref<10000x128xf32, #tpu.memory_space<vmem_shared>>
      tpu.enqueue_indirect_dma source(%arg12 : memref<80x128xf32, #tpu.memory_space<vmem>>) target(%dma_start3A_99 : memref<10000x128xf32, #tpu.memory_space<vmem_shared>>) offsets(%arg9 : memref<80xi32, #tpu.memory_space<vmem>>) semaphore(%run_scoped3A : memref<!tpu.dma_semaphore, #tpu.memory_space<semaphore_mem>>) {add = true}
      %dma_wait3A_100 = arith.constant 0 : i32
      %dma_wait3A_101 = arith.constant 0 : i32
      %dma_wait3A_102 = tpu.memref_slice %arg27[%dma_wait3A_100, %dma_wait3A_101] : memref<10000x128xf32, #tpu.memory_space<vmem_shared>> -> memref<10000x128xf32, #tpu.memory_space<vmem_shared>>
      tpu.wait_indirect_dma semaphore(%run_scoped3A : memref<!tpu.dma_semaphore, #tpu.memory_space<semaphore_mem>>) src(%arg12 : memref<80x128xf32, #tpu.memory_space<vmem>>) dst(%dma_wait3A_102 : memref<10000x128xf32, #tpu.memory_space<vmem_shared>>)
      tpu.yield
    }) : () -> ()
    %dma_wait3A_84 = arith.constant 0 : i32
    %dma_wait3A_85 = arith.constant 0 : i32
    %dma_wait3A_86 = tpu.memref_slice %arg27[%dma_wait3A_84, %dma_wait3A_85] : memref<10000x128xf32, #tpu.memory_space<vmem_shared>> -> memref<10000x128xf32, #tpu.memory_space<vmem_shared>>
    tpu.wait_indirect_dma semaphore(%arg26 : memref<!tpu.dma_semaphore, #tpu.memory_space<semaphore_mem>>) src(%arg14 : memref<80x128xf32, #tpu.memory_space<vmem>>) dst(%dma_wait3A_86 : memref<10000x128xf32, #tpu.memory_space<vmem_shared>>)
    %barrier3A = arith.constant 0 : index
    tpu.barrier barrier_id(%barrier3A)
    %lt3A_87 = arith.constant 15 : i32
    %lt3A_88 = arith.cmpi slt, %arg1, %lt3A_87 : i32
    %convert_element_type3A_89 = arith.extui %lt3A_88 : i1 to i32
    %cond3A_90 = arith.constant 0 : i32
    %cond3A_91 = arith.cmpi ne, %convert_element_type3A_89, %cond3A_90 : i32
    scf.if %cond3A_91 {
      %mul3A_97 = arith.constant 640 : i32
      %mul3A_98 = arith.muli %arg1, %mul3A_97 : i32
      %mul3A_99 = arith.constant 640 : i32
      %mul3A_100 = arith.muli %arg1, %mul3A_99 : i32
      "tpu.region"() ({
        %run_scoped3A = tpu.sem_alloc : memref<!tpu.dma_semaphore, #tpu.memory_space<semaphore_mem>>
        %dma_start3A_101 = arith.constant 0 : i32
        %dma_start3A_102 = tpu.memref_slice %arg5[%arg0, %mul3A_100, %dma_start3A_101] : memref<2x10000x128xf32, #tpu.memory_space<hbm>> -> memref<1x640x128xf32, #tpu.memory_space<hbm>>
        %dma_start3A_103 = tpu.memref_squeeze %dma_start3A_102 : memref<1x640x128xf32, #tpu.memory_space<hbm>> -> memref<640x128xf32, #tpu.memory_space<hbm>>
        %dma_start3A_104 = arith.constant 0 : i32
        %dma_start3A_105 = tpu.memref_slice %arg27[%mul3A_98, %dma_start3A_104] : memref<10000x128xf32, #tpu.memory_space<vmem_shared>> -> memref<640x128xf32, #tpu.memory_space<vmem_shared>>
        tpu.enqueue_dma source(%dma_start3A_105 : memref<640x128xf32, #tpu.memory_space<vmem_shared>>) target(%dma_start3A_103 : memref<640x128xf32, #tpu.memory_space<hbm>>) target_semaphore(%run_scoped3A : memref<!tpu.dma_semaphore, #tpu.memory_space<semaphore_mem>>)
        %dma_wait3A_106 = arith.constant 0 : i32
        %dma_wait3A_107 = tpu.memref_slice %arg5[%arg0, %mul3A_100, %dma_wait3A_106] : memref<2x10000x128xf32, #tpu.memory_space<hbm>> -> memref<1x640x128xf32, #tpu.memory_space<hbm>>
        %dma_wait3A_108 = tpu.memref_squeeze %dma_wait3A_107 : memref<1x640x128xf32, #tpu.memory_space<hbm>> -> memref<640x128xf32, #tpu.memory_space<hbm>>
        %dma_wait3A_109 = arith.constant 0 : i32
        %dma_wait3A_110 = tpu.memref_slice %arg27[%mul3A_98, %dma_wait3A_109] : memref<10000x128xf32, #tpu.memory_space<vmem_shared>> -> memref<640x128xf32, #tpu.memory_space<vmem_shared>>
        tpu.wait_dma2 semaphore(%run_scoped3A : memref<!tpu.dma_semaphore, #tpu.memory_space<semaphore_mem>>) src(%dma_wait3A_110 : memref<640x128xf32, #tpu.memory_space<vmem_shared>>) dst(%dma_wait3A_108 : memref<640x128xf32, #tpu.memory_space<hbm>>)
        tpu.yield
      }) : () -> ()
    } else {
    }
    %eq3A_92 = arith.constant 15 : i32
    %eq3A_93 = arith.cmpi eq, %arg1, %eq3A_92 : i32
    %convert_element_type3A_94 = arith.extui %eq3A_93 : i1 to i32
    %cond3A_95 = arith.constant 0 : i32
    %cond3A_96 = arith.cmpi ne, %convert_element_type3A_94, %cond3A_95 : i32
    scf.if %cond3A_96 {
      "tpu.region"() ({
        %run_scoped3A = tpu.sem_alloc : memref<!tpu.dma_semaphore, #tpu.memory_space<semaphore_mem>>
        %dma_start3A_97 = arith.constant 9600 : i32
        %dma_start3A_98 = arith.constant 0 : i32
        %dma_start3A_99 = tpu.memref_slice %arg5[%arg0, %dma_start3A_97, %dma_start3A_98] : memref<2x10000x128xf32, #tpu.memory_space<hbm>> -> memref<1x400x128xf32, #tpu.memory_space<hbm>>
        %dma_start3A_100 = tpu.memref_squeeze %dma_start3A_99 : memref<1x400x128xf32, #tpu.memory_space<hbm>> -> memref<400x128xf32, #tpu.memory_space<hbm>>
        %dma_start3A_101 = arith.constant 9600 : i32
        %dma_start3A_102 = arith.constant 0 : i32
        %dma_start3A_103 = tpu.memref_slice %arg27[%dma_start3A_101, %dma_start3A_102] : memref<10000x128xf32, #tpu.memory_space<vmem_shared>> -> memref<400x128xf32, #tpu.memory_space<vmem_shared>>
        tpu.enqueue_dma source(%dma_start3A_103 : memref<400x128xf32, #tpu.memory_space<vmem_shared>>) target(%dma_start3A_100 : memref<400x128xf32, #tpu.memory_space<hbm>>) target_semaphore(%run_scoped3A : memref<!tpu.dma_semaphore, #tpu.memory_space<semaphore_mem>>)
        %dma_wait3A_104 = arith.constant 9600 : i32
        %dma_wait3A_105 = arith.constant 0 : i32
        %dma_wait3A_106 = tpu.memref_slice %arg5[%arg0, %dma_wait3A_104, %dma_wait3A_105] : memref<2x10000x128xf32, #tpu.memory_space<hbm>> -> memref<1x400x128xf32, #tpu.memory_space<hbm>>
        %dma_wait3A_107 = tpu.memref_squeeze %dma_wait3A_106 : memref<1x400x128xf32, #tpu.memory_space<hbm>> -> memref<400x128xf32, #tpu.memory_space<hbm>>
        %dma_wait3A_108 = arith.constant 9600 : i32
        %dma_wait3A_109 = arith.constant 0 : i32
        %dma_wait3A_110 = tpu.memref_slice %arg27[%dma_wait3A_108, %dma_wait3A_109] : memref<10000x128xf32, #tpu.memory_space<vmem_shared>> -> memref<400x128xf32, #tpu.memory_space<vmem_shared>>
        tpu.wait_dma2 semaphore(%run_scoped3A : memref<!tpu.dma_semaphore, #tpu.memory_space<semaphore_mem>>) src(%dma_wait3A_110 : memref<400x128xf32, #tpu.memory_space<vmem_shared>>) dst(%dma_wait3A_107 : memref<400x128xf32, #tpu.memory_space<hbm>>)
        tpu.yield
      }) : () -> ()
    } else {
    }
    return
  }
}

#map = affine_map<(d0, d1) -> (0)>
#map1 = affine_map<(d0, d1) -> (0, 0)>
#map2 = affine_map<(d0, d1) -> (0, 0, 0)>
module attributes {stable_mosaic.version = 14 : i64} {
  func.func @_deg_body(%arg0: i32, %arg1: i32, %arg2: memref<320000xi32, #tpu.memory_space<hbm>>, %arg3: memref<10000x16xf32, #tpu.memory_space<hbm>>, %arg4: memref<2x10000x16xf32, #tpu.memory_space<hbm>>, %arg5: memref<80x16xf32, #tpu.memory_space<vmem>>, %arg6: memref<80xi32, #tpu.memory_space<vmem>>, %arg7: memref<80xi32, #tpu.memory_space<vmem>>, %arg8: memref<80xi32, #tpu.memory_space<vmem>>, %arg9: memref<!tpu.dma_semaphore, #tpu.memory_space<semaphore_mem>>, %arg10: memref<!tpu.dma_semaphore, #tpu.memory_space<semaphore_mem>>, %arg11: memref<!tpu.dma_semaphore, #tpu.memory_space<semaphore_mem>>, %arg12: memref<!tpu.dma_semaphore, #tpu.memory_space<semaphore_mem>>, %arg13: memref<!tpu.dma_semaphore, #tpu.memory_space<semaphore_mem>>, %arg14: memref<!tpu.dma_semaphore, #tpu.memory_space<semaphore_mem>>, %arg15: memref<10000x16xf32, #tpu.memory_space<vmem_shared>>) attributes {dimension_semantics = [#tpu.dimension_semantics<core_parallel>, #tpu.dimension_semantics<subcore_parallel>], iteration_bounds = array<i64: 2, 16>, scalar_prefetch = 0 : i64, scratch_operands = 11 : i64, tpu.core_type = #tpu.core_type<sc_vector_subcore>, window_params = [{transform_indices = #map}, {transform_indices = #map1}, {transform_indices = #map2}]} {
    "tpu.region"() ({
      %run_scoped3A = tpu.sem_alloc : memref<!tpu.dma_semaphore, #tpu.memory_space<semaphore_mem>>
      %dma_start3A_64 = arith.constant 0 : i32
      %dma_start3A_65 = arith.constant 0 : i32
      %dma_start3A_66 = tpu.memref_slice %arg3[%dma_start3A_64, %dma_start3A_65] : memref<10000x16xf32, #tpu.memory_space<hbm>> -> memref<80x16xf32, #tpu.memory_space<hbm>>
      %dma_start3A_67 = arith.constant 0 : i32
      %dma_start3A_68 = arith.constant 0 : i32
      %dma_start3A_69 = tpu.memref_slice %arg3[%dma_start3A_67, %dma_start3A_68] : memref<10000x16xf32, #tpu.memory_space<hbm>> -> memref<80x16xf32, #tpu.memory_space<hbm>>
      tpu.enqueue_dma source(%dma_start3A_69 : memref<80x16xf32, #tpu.memory_space<hbm>>) target(%arg5 : memref<80x16xf32, #tpu.memory_space<vmem>>) target_semaphore(%run_scoped3A : memref<!tpu.dma_semaphore, #tpu.memory_space<semaphore_mem>>)
      %dma_wait3A_70 = arith.constant 0 : i32
      %dma_wait3A_71 = arith.constant 0 : i32
      %dma_wait3A_72 = tpu.memref_slice %arg3[%dma_wait3A_70, %dma_wait3A_71] : memref<10000x16xf32, #tpu.memory_space<hbm>> -> memref<80x16xf32, #tpu.memory_space<hbm>>
      %dma_wait3A_73 = arith.constant 0 : i32
      %dma_wait3A_74 = arith.constant 0 : i32
      %dma_wait3A_75 = tpu.memref_slice %arg3[%dma_wait3A_73, %dma_wait3A_74] : memref<10000x16xf32, #tpu.memory_space<hbm>> -> memref<80x16xf32, #tpu.memory_space<hbm>>
      tpu.wait_dma2 semaphore(%run_scoped3A : memref<!tpu.dma_semaphore, #tpu.memory_space<semaphore_mem>>) src(%dma_wait3A_75 : memref<80x16xf32, #tpu.memory_space<hbm>>) dst(%arg5 : memref<80x16xf32, #tpu.memory_space<vmem>>)
      tpu.yield
    }) : () -> ()
    %lt3A = arith.constant 15 : i32
    %lt3A_0 = arith.cmpi slt, %arg1, %lt3A : i32
    %convert_element_type3A = arith.extui %lt3A_0 : i1 to i32
    %cond3A = arith.constant 0 : i32
    %cond3A_1 = arith.cmpi ne, %convert_element_type3A, %cond3A : i32
    scf.if %cond3A_1 {
      %mul3A_64 = arith.constant 640 : i32
      %mul3A_65 = arith.muli %arg1, %mul3A_64 : i32
      %mul3A_66 = arith.constant 640 : i32
      %mul3A_67 = arith.muli %arg1, %mul3A_66 : i32
      "tpu.region"() ({
        %run_scoped3A = tpu.sem_alloc : memref<!tpu.dma_semaphore, #tpu.memory_space<semaphore_mem>>
        %dma_start3A_68 = arith.constant 0 : i32
        %dma_start3A_69 = tpu.memref_slice %arg15[%mul3A_67, %dma_start3A_68] : memref<10000x16xf32, #tpu.memory_space<vmem_shared>> -> memref<640x16xf32, #tpu.memory_space<vmem_shared>>
        %dma_start3A_70 = arith.constant 0 : i32
        %dma_start3A_71 = tpu.memref_slice %arg3[%mul3A_65, %dma_start3A_70] : memref<10000x16xf32, #tpu.memory_space<hbm>> -> memref<640x16xf32, #tpu.memory_space<hbm>>
        tpu.enqueue_dma source(%dma_start3A_71 : memref<640x16xf32, #tpu.memory_space<hbm>>) target(%dma_start3A_69 : memref<640x16xf32, #tpu.memory_space<vmem_shared>>) target_semaphore(%run_scoped3A : memref<!tpu.dma_semaphore, #tpu.memory_space<semaphore_mem>>)
        %dma_wait3A_72 = arith.constant 0 : i32
        %dma_wait3A_73 = tpu.memref_slice %arg15[%mul3A_67, %dma_wait3A_72] : memref<10000x16xf32, #tpu.memory_space<vmem_shared>> -> memref<640x16xf32, #tpu.memory_space<vmem_shared>>
        %dma_wait3A_74 = arith.constant 0 : i32
        %dma_wait3A_75 = tpu.memref_slice %arg3[%mul3A_65, %dma_wait3A_74] : memref<10000x16xf32, #tpu.memory_space<hbm>> -> memref<640x16xf32, #tpu.memory_space<hbm>>
        tpu.wait_dma2 semaphore(%run_scoped3A : memref<!tpu.dma_semaphore, #tpu.memory_space<semaphore_mem>>) src(%dma_wait3A_75 : memref<640x16xf32, #tpu.memory_space<hbm>>) dst(%dma_wait3A_73 : memref<640x16xf32, #tpu.memory_space<vmem_shared>>)
        tpu.yield
      }) : () -> ()
    } else {
    }
    %eq3A = arith.constant 15 : i32
    %eq3A_2 = arith.cmpi eq, %arg1, %eq3A : i32
    %convert_element_type3A_3 = arith.extui %eq3A_2 : i1 to i32
    %cond3A_4 = arith.constant 0 : i32
    %cond3A_5 = arith.cmpi ne, %convert_element_type3A_3, %cond3A_4 : i32
    scf.if %cond3A_5 {
      "tpu.region"() ({
        %run_scoped3A = tpu.sem_alloc : memref<!tpu.dma_semaphore, #tpu.memory_space<semaphore_mem>>
        %dma_start3A_64 = arith.constant 9600 : i32
        %dma_start3A_65 = arith.constant 0 : i32
        %dma_start3A_66 = tpu.memref_slice %arg15[%dma_start3A_64, %dma_start3A_65] : memref<10000x16xf32, #tpu.memory_space<vmem_shared>> -> memref<400x16xf32, #tpu.memory_space<vmem_shared>>
        %dma_start3A_67 = arith.constant 9600 : i32
        %dma_start3A_68 = arith.constant 0 : i32
        %dma_start3A_69 = tpu.memref_slice %arg3[%dma_start3A_67, %dma_start3A_68] : memref<10000x16xf32, #tpu.memory_space<hbm>> -> memref<400x16xf32, #tpu.memory_space<hbm>>
        tpu.enqueue_dma source(%dma_start3A_69 : memref<400x16xf32, #tpu.memory_space<hbm>>) target(%dma_start3A_66 : memref<400x16xf32, #tpu.memory_space<vmem_shared>>) target_semaphore(%run_scoped3A : memref<!tpu.dma_semaphore, #tpu.memory_space<semaphore_mem>>)
        %dma_wait3A_70 = arith.constant 9600 : i32
        %dma_wait3A_71 = arith.constant 0 : i32
        %dma_wait3A_72 = tpu.memref_slice %arg15[%dma_wait3A_70, %dma_wait3A_71] : memref<10000x16xf32, #tpu.memory_space<vmem_shared>> -> memref<400x16xf32, #tpu.memory_space<vmem_shared>>
        %dma_wait3A_73 = arith.constant 9600 : i32
        %dma_wait3A_74 = arith.constant 0 : i32
        %dma_wait3A_75 = tpu.memref_slice %arg3[%dma_wait3A_73, %dma_wait3A_74] : memref<10000x16xf32, #tpu.memory_space<hbm>> -> memref<400x16xf32, #tpu.memory_space<hbm>>
        tpu.wait_dma2 semaphore(%run_scoped3A : memref<!tpu.dma_semaphore, #tpu.memory_space<semaphore_mem>>) src(%dma_wait3A_75 : memref<400x16xf32, #tpu.memory_space<hbm>>) dst(%dma_wait3A_72 : memref<400x16xf32, #tpu.memory_space<vmem_shared>>)
        tpu.yield
      }) : () -> ()
    } else {
    }
    %barrier3A = arith.constant 0 : index
    tpu.barrier barrier_id(%barrier3A)
    %mul3A = arith.constant 16 : i32
    %mul3A_6 = arith.muli %arg0, %mul3A : i32
    %add3A = arith.addi %mul3A_6, %arg1 : i32
    %mul3A_7 = arith.constant 10000 : i32
    %mul3A_8 = arith.muli %add3A, %mul3A_7 : i32
    %add3A_9 = arith.constant 0 : i32
    %add3A_10 = arith.addi %mul3A_8, %add3A_9 : i32
    %dma_start3A = tpu.memref_slice %arg2[%add3A_10] : memref<320000xi32, #tpu.memory_space<hbm>> -> memref<80xi32, #tpu.memory_space<hbm>>
    %dma_start3A_11 = tpu.memref_slice %arg2[%add3A_10] : memref<320000xi32, #tpu.memory_space<hbm>> -> memref<80xi32, #tpu.memory_space<hbm>>
    tpu.enqueue_dma source(%dma_start3A_11 : memref<80xi32, #tpu.memory_space<hbm>>) target(%arg6 : memref<80xi32, #tpu.memory_space<vmem>>) target_semaphore(%arg9 : memref<!tpu.dma_semaphore, #tpu.memory_space<semaphore_mem>>)
    %mul3A_12 = arith.constant 16 : i32
    %mul3A_13 = arith.muli %arg0, %mul3A_12 : i32
    %add3A_14 = arith.addi %mul3A_13, %arg1 : i32
    %mul3A_15 = arith.constant 10000 : i32
    %mul3A_16 = arith.muli %add3A_14, %mul3A_15 : i32
    %add3A_17 = arith.constant 80 : i32
    %add3A_18 = arith.addi %mul3A_16, %add3A_17 : i32
    %dma_start3A_19 = tpu.memref_slice %arg2[%add3A_18] : memref<320000xi32, #tpu.memory_space<hbm>> -> memref<80xi32, #tpu.memory_space<hbm>>
    %dma_start3A_20 = tpu.memref_slice %arg2[%add3A_18] : memref<320000xi32, #tpu.memory_space<hbm>> -> memref<80xi32, #tpu.memory_space<hbm>>
    tpu.enqueue_dma source(%dma_start3A_20 : memref<80xi32, #tpu.memory_space<hbm>>) target(%arg7 : memref<80xi32, #tpu.memory_space<vmem>>) target_semaphore(%arg10 : memref<!tpu.dma_semaphore, #tpu.memory_space<semaphore_mem>>)
    %scan3A = arith.constant 0 : i32
    %scan3A_21 = arith.constant 0 : i32
    %scan3A_22 = arith.constant 41 : i32
    %scan3A_23 = arith.addi %scan3A_21, %scan3A_22 : i32
    %scan3A_24 = arith.constant 1 : i32
    %scan3A_25 = scf.for %scan3A_64 = %scan3A_21 to %scan3A_23 step %scan3A_24 iter_args(%scan3A_65 = %scan3A) -> (i32)  : i32 {
      %mul3A_66 = arith.constant 3 : i32
      %mul3A_67 = arith.muli %mul3A_66, %scan3A_64 : i32
      %add3A_68 = arith.constant 0 : i32
      %add3A_69 = arith.addi %mul3A_67, %add3A_68 : i32
      %mul3A_70 = arith.constant 16 : i32
      %mul3A_71 = arith.muli %arg0, %mul3A_70 : i32
      %add3A_72 = arith.addi %mul3A_71, %arg1 : i32
      %mul3A_73 = arith.constant 10000 : i32
      %mul3A_74 = arith.muli %add3A_72, %mul3A_73 : i32
      %mul3A_75 = arith.constant 80 : i32
      %mul3A_76 = arith.muli %add3A_69, %mul3A_75 : i32
      %add3A_77 = arith.addi %mul3A_74, %mul3A_76 : i32
      %dma_wait3A_78 = tpu.memref_slice %arg2[%add3A_77] : memref<320000xi32, #tpu.memory_space<hbm>> -> memref<80xi32, #tpu.memory_space<hbm>>
      %dma_wait3A_79 = tpu.memref_slice %arg2[%add3A_77] : memref<320000xi32, #tpu.memory_space<hbm>> -> memref<80xi32, #tpu.memory_space<hbm>>
      tpu.wait_dma2 semaphore(%arg9 : memref<!tpu.dma_semaphore, #tpu.memory_space<semaphore_mem>>) src(%dma_wait3A_79 : memref<80xi32, #tpu.memory_space<hbm>>) dst(%arg6 : memref<80xi32, #tpu.memory_space<vmem>>)
      %dma_start3A_80 = arith.constant 0 : i32
      %dma_start3A_81 = arith.constant 0 : i32
      %dma_start3A_82 = tpu.memref_slice %arg15[%dma_start3A_80, %dma_start3A_81] : memref<10000x16xf32, #tpu.memory_space<vmem_shared>> -> memref<10000x16xf32, #tpu.memory_space<vmem_shared>>
      tpu.enqueue_indirect_dma source(%arg5 : memref<80x16xf32, #tpu.memory_space<vmem>>) target(%dma_start3A_82 : memref<10000x16xf32, #tpu.memory_space<vmem_shared>>) offsets(%arg6 : memref<80xi32, #tpu.memory_space<vmem>>) semaphore(%arg12 : memref<!tpu.dma_semaphore, #tpu.memory_space<semaphore_mem>>) {add = true}
      %gt3A = arith.constant 0 : i32
      %gt3A_83 = arith.cmpi sgt, %scan3A_64, %gt3A : i32
      %convert_element_type3A_84 = arith.extui %gt3A_83 : i1 to i32
      %cond3A_85 = arith.constant 0 : i32
      %cond3A_86 = arith.cmpi ne, %convert_element_type3A_84, %cond3A_85 : i32
      scf.if %cond3A_86 {
        %dma_wait3A_164 = arith.constant 0 : i32
        %dma_wait3A_165 = arith.constant 0 : i32
        %dma_wait3A_166 = tpu.memref_slice %arg15[%dma_wait3A_164, %dma_wait3A_165] : memref<10000x16xf32, #tpu.memory_space<vmem_shared>> -> memref<10000x16xf32, #tpu.memory_space<vmem_shared>>
        tpu.wait_indirect_dma semaphore(%arg14 : memref<!tpu.dma_semaphore, #tpu.memory_space<semaphore_mem>>) src(%arg5 : memref<80x16xf32, #tpu.memory_space<vmem>>) dst(%dma_wait3A_166 : memref<10000x16xf32, #tpu.memory_space<vmem_shared>>)
      } else {
      }
      %add3A_87 = arith.constant 2 : i32
      %add3A_88 = arith.addi %add3A_69, %add3A_87 : i32
      %mul3A_89 = arith.constant 16 : i32
      %mul3A_90 = arith.muli %arg0, %mul3A_89 : i32
      %add3A_91 = arith.addi %mul3A_90, %arg1 : i32
      %mul3A_92 = arith.constant 10000 : i32
      %mul3A_93 = arith.muli %add3A_91, %mul3A_92 : i32
      %mul3A_94 = arith.constant 80 : i32
      %mul3A_95 = arith.muli %add3A_88, %mul3A_94 : i32
      %add3A_96 = arith.addi %mul3A_93, %mul3A_95 : i32
      %dma_start3A_97 = tpu.memref_slice %arg2[%add3A_96] : memref<320000xi32, #tpu.memory_space<hbm>> -> memref<80xi32, #tpu.memory_space<hbm>>
      %dma_start3A_98 = tpu.memref_slice %arg2[%add3A_96] : memref<320000xi32, #tpu.memory_space<hbm>> -> memref<80xi32, #tpu.memory_space<hbm>>
      tpu.enqueue_dma source(%dma_start3A_98 : memref<80xi32, #tpu.memory_space<hbm>>) target(%arg8 : memref<80xi32, #tpu.memory_space<vmem>>) target_semaphore(%arg11 : memref<!tpu.dma_semaphore, #tpu.memory_space<semaphore_mem>>)
      %mul3A_99 = arith.constant 3 : i32
      %mul3A_100 = arith.muli %mul3A_99, %scan3A_64 : i32
      %add3A_101 = arith.constant 1 : i32
      %add3A_102 = arith.addi %mul3A_100, %add3A_101 : i32
      %mul3A_103 = arith.constant 16 : i32
      %mul3A_104 = arith.muli %arg0, %mul3A_103 : i32
      %add3A_105 = arith.addi %mul3A_104, %arg1 : i32
      %mul3A_106 = arith.constant 10000 : i32
      %mul3A_107 = arith.muli %add3A_105, %mul3A_106 : i32
      %mul3A_108 = arith.constant 80 : i32
      %mul3A_109 = arith.muli %add3A_102, %mul3A_108 : i32
      %add3A_110 = arith.addi %mul3A_107, %mul3A_109 : i32
      %dma_wait3A_111 = tpu.memref_slice %arg2[%add3A_110] : memref<320000xi32, #tpu.memory_space<hbm>> -> memref<80xi32, #tpu.memory_space<hbm>>
      %dma_wait3A_112 = tpu.memref_slice %arg2[%add3A_110] : memref<320000xi32, #tpu.memory_space<hbm>> -> memref<80xi32, #tpu.memory_space<hbm>>
      tpu.wait_dma2 semaphore(%arg10 : memref<!tpu.dma_semaphore, #tpu.memory_space<semaphore_mem>>) src(%dma_wait3A_112 : memref<80xi32, #tpu.memory_space<hbm>>) dst(%arg7 : memref<80xi32, #tpu.memory_space<vmem>>)
      %dma_start3A_113 = arith.constant 0 : i32
      %dma_start3A_114 = arith.constant 0 : i32
      %dma_start3A_115 = tpu.memref_slice %arg15[%dma_start3A_113, %dma_start3A_114] : memref<10000x16xf32, #tpu.memory_space<vmem_shared>> -> memref<10000x16xf32, #tpu.memory_space<vmem_shared>>
      tpu.enqueue_indirect_dma source(%arg5 : memref<80x16xf32, #tpu.memory_space<vmem>>) target(%dma_start3A_115 : memref<10000x16xf32, #tpu.memory_space<vmem_shared>>) offsets(%arg7 : memref<80xi32, #tpu.memory_space<vmem>>) semaphore(%arg13 : memref<!tpu.dma_semaphore, #tpu.memory_space<semaphore_mem>>) {add = true}
      %dma_wait3A_116 = arith.constant 0 : i32
      %dma_wait3A_117 = arith.constant 0 : i32
      %dma_wait3A_118 = tpu.memref_slice %arg15[%dma_wait3A_116, %dma_wait3A_117] : memref<10000x16xf32, #tpu.memory_space<vmem_shared>> -> memref<10000x16xf32, #tpu.memory_space<vmem_shared>>
      tpu.wait_indirect_dma semaphore(%arg12 : memref<!tpu.dma_semaphore, #tpu.memory_space<semaphore_mem>>) src(%arg5 : memref<80x16xf32, #tpu.memory_space<vmem>>) dst(%dma_wait3A_118 : memref<10000x16xf32, #tpu.memory_space<vmem_shared>>)
      %add3A_119 = arith.constant 2 : i32
      %add3A_120 = arith.addi %add3A_102, %add3A_119 : i32
      %mul3A_121 = arith.constant 16 : i32
      %mul3A_122 = arith.muli %arg0, %mul3A_121 : i32
      %add3A_123 = arith.addi %mul3A_122, %arg1 : i32
      %mul3A_124 = arith.constant 10000 : i32
      %mul3A_125 = arith.muli %add3A_123, %mul3A_124 : i32
      %mul3A_126 = arith.constant 80 : i32
      %mul3A_127 = arith.muli %add3A_120, %mul3A_126 : i32
      %add3A_128 = arith.addi %mul3A_125, %mul3A_127 : i32
      %dma_start3A_129 = tpu.memref_slice %arg2[%add3A_128] : memref<320000xi32, #tpu.memory_space<hbm>> -> memref<80xi32, #tpu.memory_space<hbm>>
      %dma_start3A_130 = tpu.memref_slice %arg2[%add3A_128] : memref<320000xi32, #tpu.memory_space<hbm>> -> memref<80xi32, #tpu.memory_space<hbm>>
      tpu.enqueue_dma source(%dma_start3A_130 : memref<80xi32, #tpu.memory_space<hbm>>) target(%arg6 : memref<80xi32, #tpu.memory_space<vmem>>) target_semaphore(%arg9 : memref<!tpu.dma_semaphore, #tpu.memory_space<semaphore_mem>>)
      %mul3A_131 = arith.constant 3 : i32
      %mul3A_132 = arith.muli %mul3A_131, %scan3A_64 : i32
      %add3A_133 = arith.constant 2 : i32
      %add3A_134 = arith.addi %mul3A_132, %add3A_133 : i32
      %mul3A_135 = arith.constant 16 : i32
      %mul3A_136 = arith.muli %arg0, %mul3A_135 : i32
      %add3A_137 = arith.addi %mul3A_136, %arg1 : i32
      %mul3A_138 = arith.constant 10000 : i32
      %mul3A_139 = arith.muli %add3A_137, %mul3A_138 : i32
      %mul3A_140 = arith.constant 80 : i32
      %mul3A_141 = arith.muli %add3A_134, %mul3A_140 : i32
      %add3A_142 = arith.addi %mul3A_139, %mul3A_141 : i32
      %dma_wait3A_143 = tpu.memref_slice %arg2[%add3A_142] : memref<320000xi32, #tpu.memory_space<hbm>> -> memref<80xi32, #tpu.memory_space<hbm>>
      %dma_wait3A_144 = tpu.memref_slice %arg2[%add3A_142] : memref<320000xi32, #tpu.memory_space<hbm>> -> memref<80xi32, #tpu.memory_space<hbm>>
      tpu.wait_dma2 semaphore(%arg11 : memref<!tpu.dma_semaphore, #tpu.memory_space<semaphore_mem>>) src(%dma_wait3A_144 : memref<80xi32, #tpu.memory_space<hbm>>) dst(%arg8 : memref<80xi32, #tpu.memory_space<vmem>>)
      %dma_start3A_145 = arith.constant 0 : i32
      %dma_start3A_146 = arith.constant 0 : i32
      %dma_start3A_147 = tpu.memref_slice %arg15[%dma_start3A_145, %dma_start3A_146] : memref<10000x16xf32, #tpu.memory_space<vmem_shared>> -> memref<10000x16xf32, #tpu.memory_space<vmem_shared>>
      tpu.enqueue_indirect_dma source(%arg5 : memref<80x16xf32, #tpu.memory_space<vmem>>) target(%dma_start3A_147 : memref<10000x16xf32, #tpu.memory_space<vmem_shared>>) offsets(%arg8 : memref<80xi32, #tpu.memory_space<vmem>>) semaphore(%arg14 : memref<!tpu.dma_semaphore, #tpu.memory_space<semaphore_mem>>) {add = true}
      %dma_wait3A_148 = arith.constant 0 : i32
      %dma_wait3A_149 = arith.constant 0 : i32
      %dma_wait3A_150 = tpu.memref_slice %arg15[%dma_wait3A_148, %dma_wait3A_149] : memref<10000x16xf32, #tpu.memory_space<vmem_shared>> -> memref<10000x16xf32, #tpu.memory_space<vmem_shared>>
      tpu.wait_indirect_dma semaphore(%arg13 : memref<!tpu.dma_semaphore, #tpu.memory_space<semaphore_mem>>) src(%arg5 : memref<80x16xf32, #tpu.memory_space<vmem>>) dst(%dma_wait3A_150 : memref<10000x16xf32, #tpu.memory_space<vmem_shared>>)
      %add3A_151 = arith.constant 2 : i32
      %add3A_152 = arith.addi %add3A_134, %add3A_151 : i32
      %mul3A_153 = arith.constant 16 : i32
      %mul3A_154 = arith.muli %arg0, %mul3A_153 : i32
      %add3A_155 = arith.addi %mul3A_154, %arg1 : i32
      %mul3A_156 = arith.constant 10000 : i32
      %mul3A_157 = arith.muli %add3A_155, %mul3A_156 : i32
      %mul3A_158 = arith.constant 80 : i32
      %mul3A_159 = arith.muli %add3A_152, %mul3A_158 : i32
      %add3A_160 = arith.addi %mul3A_157, %mul3A_159 : i32
      %dma_start3A_161 = tpu.memref_slice %arg2[%add3A_160] : memref<320000xi32, #tpu.memory_space<hbm>> -> memref<80xi32, #tpu.memory_space<hbm>>
      %dma_start3A_162 = tpu.memref_slice %arg2[%add3A_160] : memref<320000xi32, #tpu.memory_space<hbm>> -> memref<80xi32, #tpu.memory_space<hbm>>
      tpu.enqueue_dma source(%dma_start3A_162 : memref<80xi32, #tpu.memory_space<hbm>>) target(%arg7 : memref<80xi32, #tpu.memory_space<vmem>>) target_semaphore(%arg10 : memref<!tpu.dma_semaphore, #tpu.memory_space<semaphore_mem>>)
      %scan3A_163 = arith.constant 0 : i32
      scf.yield %scan3A_163 : i32
    }
    %scan3A_26 = arith.constant 41 : i32
    %mul3A_27 = arith.constant 16 : i32
    %mul3A_28 = arith.muli %arg0, %mul3A_27 : i32
    %add3A_29 = arith.addi %mul3A_28, %arg1 : i32
    %mul3A_30 = arith.constant 10000 : i32
    %mul3A_31 = arith.muli %add3A_29, %mul3A_30 : i32
    %add3A_32 = arith.constant 9840 : i32
    %add3A_33 = arith.addi %mul3A_31, %add3A_32 : i32
    %dma_wait3A = tpu.memref_slice %arg2[%add3A_33] : memref<320000xi32, #tpu.memory_space<hbm>> -> memref<80xi32, #tpu.memory_space<hbm>>
    %dma_wait3A_34 = tpu.memref_slice %arg2[%add3A_33] : memref<320000xi32, #tpu.memory_space<hbm>> -> memref<80xi32, #tpu.memory_space<hbm>>
    tpu.wait_dma2 semaphore(%arg9 : memref<!tpu.dma_semaphore, #tpu.memory_space<semaphore_mem>>) src(%dma_wait3A_34 : memref<80xi32, #tpu.memory_space<hbm>>) dst(%arg6 : memref<80xi32, #tpu.memory_space<vmem>>)
    %dma_start3A_35 = arith.constant 0 : i32
    %dma_start3A_36 = arith.constant 0 : i32
    %dma_start3A_37 = tpu.memref_slice %arg15[%dma_start3A_35, %dma_start3A_36] : memref<10000x16xf32, #tpu.memory_space<vmem_shared>> -> memref<10000x16xf32, #tpu.memory_space<vmem_shared>>
    tpu.enqueue_indirect_dma source(%arg5 : memref<80x16xf32, #tpu.memory_space<vmem>>) target(%dma_start3A_37 : memref<10000x16xf32, #tpu.memory_space<vmem_shared>>) offsets(%arg6 : memref<80xi32, #tpu.memory_space<vmem>>) semaphore(%arg12 : memref<!tpu.dma_semaphore, #tpu.memory_space<semaphore_mem>>) {add = true}
    %dma_wait3A_38 = arith.constant 0 : i32
    %dma_wait3A_39 = arith.constant 0 : i32
    %dma_wait3A_40 = tpu.memref_slice %arg15[%dma_wait3A_38, %dma_wait3A_39] : memref<10000x16xf32, #tpu.memory_space<vmem_shared>> -> memref<10000x16xf32, #tpu.memory_space<vmem_shared>>
    tpu.wait_indirect_dma semaphore(%arg14 : memref<!tpu.dma_semaphore, #tpu.memory_space<semaphore_mem>>) src(%arg5 : memref<80x16xf32, #tpu.memory_space<vmem>>) dst(%dma_wait3A_40 : memref<10000x16xf32, #tpu.memory_space<vmem_shared>>)
    %mul3A_41 = arith.constant 16 : i32
    %mul3A_42 = arith.muli %arg0, %mul3A_41 : i32
    %add3A_43 = arith.addi %mul3A_42, %arg1 : i32
    %mul3A_44 = arith.constant 10000 : i32
    %mul3A_45 = arith.muli %add3A_43, %mul3A_44 : i32
    %add3A_46 = arith.constant 9920 : i32
    %add3A_47 = arith.addi %mul3A_45, %add3A_46 : i32
    %dma_wait3A_48 = tpu.memref_slice %arg2[%add3A_47] : memref<320000xi32, #tpu.memory_space<hbm>> -> memref<80xi32, #tpu.memory_space<hbm>>
    %dma_wait3A_49 = tpu.memref_slice %arg2[%add3A_47] : memref<320000xi32, #tpu.memory_space<hbm>> -> memref<80xi32, #tpu.memory_space<hbm>>
    tpu.wait_dma2 semaphore(%arg10 : memref<!tpu.dma_semaphore, #tpu.memory_space<semaphore_mem>>) src(%dma_wait3A_49 : memref<80xi32, #tpu.memory_space<hbm>>) dst(%arg7 : memref<80xi32, #tpu.memory_space<vmem>>)
    "tpu.region"() ({
      %run_scoped3A = tpu.sem_alloc : memref<!tpu.dma_semaphore, #tpu.memory_space<semaphore_mem>>
      %dma_start3A_64 = arith.constant 0 : i32
      %dma_start3A_65 = arith.constant 0 : i32
      %dma_start3A_66 = tpu.memref_slice %arg15[%dma_start3A_64, %dma_start3A_65] : memref<10000x16xf32, #tpu.memory_space<vmem_shared>> -> memref<10000x16xf32, #tpu.memory_space<vmem_shared>>
      tpu.enqueue_indirect_dma source(%arg5 : memref<80x16xf32, #tpu.memory_space<vmem>>) target(%dma_start3A_66 : memref<10000x16xf32, #tpu.memory_space<vmem_shared>>) offsets(%arg7 : memref<80xi32, #tpu.memory_space<vmem>>) semaphore(%run_scoped3A : memref<!tpu.dma_semaphore, #tpu.memory_space<semaphore_mem>>) {add = true}
      %dma_wait3A_67 = arith.constant 0 : i32
      %dma_wait3A_68 = arith.constant 0 : i32
      %dma_wait3A_69 = tpu.memref_slice %arg15[%dma_wait3A_67, %dma_wait3A_68] : memref<10000x16xf32, #tpu.memory_space<vmem_shared>> -> memref<10000x16xf32, #tpu.memory_space<vmem_shared>>
      tpu.wait_indirect_dma semaphore(%run_scoped3A : memref<!tpu.dma_semaphore, #tpu.memory_space<semaphore_mem>>) src(%arg5 : memref<80x16xf32, #tpu.memory_space<vmem>>) dst(%dma_wait3A_69 : memref<10000x16xf32, #tpu.memory_space<vmem_shared>>)
      tpu.yield
    }) : () -> ()
    %dma_wait3A_50 = arith.constant 0 : i32
    %dma_wait3A_51 = arith.constant 0 : i32
    %dma_wait3A_52 = tpu.memref_slice %arg15[%dma_wait3A_50, %dma_wait3A_51] : memref<10000x16xf32, #tpu.memory_space<vmem_shared>> -> memref<10000x16xf32, #tpu.memory_space<vmem_shared>>
    tpu.wait_indirect_dma semaphore(%arg12 : memref<!tpu.dma_semaphore, #tpu.memory_space<semaphore_mem>>) src(%arg5 : memref<80x16xf32, #tpu.memory_space<vmem>>) dst(%dma_wait3A_52 : memref<10000x16xf32, #tpu.memory_space<vmem_shared>>)
    %barrier3A_53 = arith.constant 0 : index
    tpu.barrier barrier_id(%barrier3A_53)
    %lt3A_54 = arith.constant 15 : i32
    %lt3A_55 = arith.cmpi slt, %arg1, %lt3A_54 : i32
    %convert_element_type3A_56 = arith.extui %lt3A_55 : i1 to i32
    %cond3A_57 = arith.constant 0 : i32
    %cond3A_58 = arith.cmpi ne, %convert_element_type3A_56, %cond3A_57 : i32
    scf.if %cond3A_58 {
      %mul3A_64 = arith.constant 640 : i32
      %mul3A_65 = arith.muli %arg1, %mul3A_64 : i32
      %mul3A_66 = arith.constant 640 : i32
      %mul3A_67 = arith.muli %arg1, %mul3A_66 : i32
      "tpu.region"() ({
        %run_scoped3A = tpu.sem_alloc : memref<!tpu.dma_semaphore, #tpu.memory_space<semaphore_mem>>
        %dma_start3A_68 = arith.constant 0 : i32
        %dma_start3A_69 = tpu.memref_slice %arg4[%arg0, %mul3A_67, %dma_start3A_68] : memref<2x10000x16xf32, #tpu.memory_space<hbm>> -> memref<1x640x16xf32, #tpu.memory_space<hbm>>
        %dma_start3A_70 = tpu.memref_squeeze %dma_start3A_69 : memref<1x640x16xf32, #tpu.memory_space<hbm>> -> memref<640x16xf32, #tpu.memory_space<hbm>>
        %dma_start3A_71 = arith.constant 0 : i32
        %dma_start3A_72 = tpu.memref_slice %arg15[%mul3A_65, %dma_start3A_71] : memref<10000x16xf32, #tpu.memory_space<vmem_shared>> -> memref<640x16xf32, #tpu.memory_space<vmem_shared>>
        tpu.enqueue_dma source(%dma_start3A_72 : memref<640x16xf32, #tpu.memory_space<vmem_shared>>) target(%dma_start3A_70 : memref<640x16xf32, #tpu.memory_space<hbm>>) target_semaphore(%run_scoped3A : memref<!tpu.dma_semaphore, #tpu.memory_space<semaphore_mem>>)
        %dma_wait3A_73 = arith.constant 0 : i32
        %dma_wait3A_74 = tpu.memref_slice %arg4[%arg0, %mul3A_67, %dma_wait3A_73] : memref<2x10000x16xf32, #tpu.memory_space<hbm>> -> memref<1x640x16xf32, #tpu.memory_space<hbm>>
        %dma_wait3A_75 = tpu.memref_squeeze %dma_wait3A_74 : memref<1x640x16xf32, #tpu.memory_space<hbm>> -> memref<640x16xf32, #tpu.memory_space<hbm>>
        %dma_wait3A_76 = arith.constant 0 : i32
        %dma_wait3A_77 = tpu.memref_slice %arg15[%mul3A_65, %dma_wait3A_76] : memref<10000x16xf32, #tpu.memory_space<vmem_shared>> -> memref<640x16xf32, #tpu.memory_space<vmem_shared>>
        tpu.wait_dma2 semaphore(%run_scoped3A : memref<!tpu.dma_semaphore, #tpu.memory_space<semaphore_mem>>) src(%dma_wait3A_77 : memref<640x16xf32, #tpu.memory_space<vmem_shared>>) dst(%dma_wait3A_75 : memref<640x16xf32, #tpu.memory_space<hbm>>)
        tpu.yield
      }) : () -> ()
    } else {
    }
    %eq3A_59 = arith.constant 15 : i32
    %eq3A_60 = arith.cmpi eq, %arg1, %eq3A_59 : i32
    %convert_element_type3A_61 = arith.extui %eq3A_60 : i1 to i32
    %cond3A_62 = arith.constant 0 : i32
    %cond3A_63 = arith.cmpi ne, %convert_element_type3A_61, %cond3A_62 : i32
    scf.if %cond3A_63 {
      "tpu.region"() ({
        %run_scoped3A = tpu.sem_alloc : memref<!tpu.dma_semaphore, #tpu.memory_space<semaphore_mem>>
        %dma_start3A_64 = arith.constant 9600 : i32
        %dma_start3A_65 = arith.constant 0 : i32
        %dma_start3A_66 = tpu.memref_slice %arg4[%arg0, %dma_start3A_64, %dma_start3A_65] : memref<2x10000x16xf32, #tpu.memory_space<hbm>> -> memref<1x400x16xf32, #tpu.memory_space<hbm>>
        %dma_start3A_67 = tpu.memref_squeeze %dma_start3A_66 : memref<1x400x16xf32, #tpu.memory_space<hbm>> -> memref<400x16xf32, #tpu.memory_space<hbm>>
        %dma_start3A_68 = arith.constant 9600 : i32
        %dma_start3A_69 = arith.constant 0 : i32
        %dma_start3A_70 = tpu.memref_slice %arg15[%dma_start3A_68, %dma_start3A_69] : memref<10000x16xf32, #tpu.memory_space<vmem_shared>> -> memref<400x16xf32, #tpu.memory_space<vmem_shared>>
        tpu.enqueue_dma source(%dma_start3A_70 : memref<400x16xf32, #tpu.memory_space<vmem_shared>>) target(%dma_start3A_67 : memref<400x16xf32, #tpu.memory_space<hbm>>) target_semaphore(%run_scoped3A : memref<!tpu.dma_semaphore, #tpu.memory_space<semaphore_mem>>)
        %dma_wait3A_71 = arith.constant 9600 : i32
        %dma_wait3A_72 = arith.constant 0 : i32
        %dma_wait3A_73 = tpu.memref_slice %arg4[%arg0, %dma_wait3A_71, %dma_wait3A_72] : memref<2x10000x16xf32, #tpu.memory_space<hbm>> -> memref<1x400x16xf32, #tpu.memory_space<hbm>>
        %dma_wait3A_74 = tpu.memref_squeeze %dma_wait3A_73 : memref<1x400x16xf32, #tpu.memory_space<hbm>> -> memref<400x16xf32, #tpu.memory_space<hbm>>
        %dma_wait3A_75 = arith.constant 9600 : i32
        %dma_wait3A_76 = arith.constant 0 : i32
        %dma_wait3A_77 = tpu.memref_slice %arg15[%dma_wait3A_75, %dma_wait3A_76] : memref<10000x16xf32, #tpu.memory_space<vmem_shared>> -> memref<400x16xf32, #tpu.memory_space<vmem_shared>>
        tpu.wait_dma2 semaphore(%run_scoped3A : memref<!tpu.dma_semaphore, #tpu.memory_space<semaphore_mem>>) src(%dma_wait3A_77 : memref<400x16xf32, #tpu.memory_space<vmem_shared>>) dst(%dma_wait3A_74 : memref<400x16xf32, #tpu.memory_space<hbm>>)
        tpu.yield
      }) : () -> ()
    } else {
    }
    return
  }
}

#map = affine_map<(d0, d1) -> (0, 0)>
#map1 = affine_map<(d0, d1) -> (0)>
#map2 = affine_map<(d0, d1) -> (0, 0, 0)>
module attributes {stable_mosaic.version = 14 : i64} {
  func.func @_agg_body(%arg0: i32, %arg1: i32, %arg2: memref<20000x128xf32, #tpu.memory_space<hbm>>, %arg3: memref<640000xi32, #tpu.memory_space<hbm>>, %arg4: memref<320000xi32, #tpu.memory_space<hbm>>, %arg5: memref<2x10000x128xf32, #tpu.memory_space<hbm>>, %arg6: memref<80xi32, #tpu.memory_space<vmem>>, %arg7: memref<80xi32, #tpu.memory_space<vmem>>, %arg8: memref<80xi32, #tpu.memory_space<vmem>>, %arg9: memref<80xi32, #tpu.memory_space<vmem>>, %arg10: memref<80xi32, #tpu.memory_space<vmem>>, %arg11: memref<80xi32, #tpu.memory_space<vmem>>, %arg12: memref<80x128xf32, #tpu.memory_space<vmem>>, %arg13: memref<80x128xf32, #tpu.memory_space<vmem>>, %arg14: memref<80x128xf32, #tpu.memory_space<vmem>>, %arg15: memref<!tpu.dma_semaphore, #tpu.memory_space<semaphore_mem>>, %arg16: memref<!tpu.dma_semaphore, #tpu.memory_space<semaphore_mem>>, %arg17: memref<!tpu.dma_semaphore, #tpu.memory_space<semaphore_mem>>, %arg18: memref<!tpu.dma_semaphore, #tpu.memory_space<semaphore_mem>>, %arg19: memref<!tpu.dma_semaphore, #tpu.memory_space<semaphore_mem>>, %arg20: memref<!tpu.dma_semaphore, #tpu.memory_space<semaphore_mem>>, %arg21: memref<!tpu.dma_semaphore, #tpu.memory_space<semaphore_mem>>, %arg22: memref<!tpu.dma_semaphore, #tpu.memory_space<semaphore_mem>>, %arg23: memref<!tpu.dma_semaphore, #tpu.memory_space<semaphore_mem>>, %arg24: memref<!tpu.dma_semaphore, #tpu.memory_space<semaphore_mem>>, %arg25: memref<!tpu.dma_semaphore, #tpu.memory_space<semaphore_mem>>, %arg26: memref<!tpu.dma_semaphore, #tpu.memory_space<semaphore_mem>>, %arg27: memref<10000x128xf32, #tpu.memory_space<vmem_shared>>) attributes {dimension_semantics = [#tpu.dimension_semantics<core_parallel>, #tpu.dimension_semantics<subcore_parallel>], iteration_bounds = array<i64: 2, 16>, scalar_prefetch = 0 : i64, scratch_operands = 22 : i64, tpu.core_type = #tpu.core_type<sc_vector_subcore>, window_params = [{transform_indices = #map}, {transform_indices = #map1}, {transform_indices = #map1}, {transform_indices = #map2}]} {
    %lt3A = arith.constant 15 : i32
    %lt3A_0 = arith.cmpi slt, %arg1, %lt3A : i32
    %convert_element_type3A = arith.extui %lt3A_0 : i1 to i32
    %cond3A = arith.constant 0 : i32
    %cond3A_1 = arith.cmpi ne, %convert_element_type3A, %cond3A : i32
    scf.if %cond3A_1 {
      %mul3A_97 = arith.constant 10000 : i32
      %mul3A_98 = arith.muli %arg0, %mul3A_97 : i32
      %mul3A_99 = arith.constant 640 : i32
      %mul3A_100 = arith.muli %arg1, %mul3A_99 : i32
      %add3A_101 = arith.addi %mul3A_98, %mul3A_100 : i32
      %multiple_of3A_102 = tpu.assume_multiple %add3A_101, 640 : i32
      %mul3A_103 = arith.constant 640 : i32
      %mul3A_104 = arith.muli %arg1, %mul3A_103 : i32
      "tpu.region"() ({
        %run_scoped3A = tpu.sem_alloc : memref<!tpu.dma_semaphore, #tpu.memory_space<semaphore_mem>>
        %dma_start3A_105 = arith.constant 0 : i32
        %dma_start3A_106 = tpu.memref_slice %arg27[%mul3A_104, %dma_start3A_105] : memref<10000x128xf32, #tpu.memory_space<vmem_shared>> -> memref<640x128xf32, #tpu.memory_space<vmem_shared>>
        %dma_start3A_107 = arith.constant 0 : i32
        %dma_start3A_108 = tpu.memref_slice %arg2[%multiple_of3A_102, %dma_start3A_107] : memref<20000x128xf32, #tpu.memory_space<hbm>> -> memref<640x128xf32, #tpu.memory_space<hbm>>
        tpu.enqueue_dma source(%dma_start3A_108 : memref<640x128xf32, #tpu.memory_space<hbm>>) target(%dma_start3A_106 : memref<640x128xf32, #tpu.memory_space<vmem_shared>>) target_semaphore(%run_scoped3A : memref<!tpu.dma_semaphore, #tpu.memory_space<semaphore_mem>>)
        %dma_wait3A_109 = arith.constant 0 : i32
        %dma_wait3A_110 = tpu.memref_slice %arg27[%mul3A_104, %dma_wait3A_109] : memref<10000x128xf32, #tpu.memory_space<vmem_shared>> -> memref<640x128xf32, #tpu.memory_space<vmem_shared>>
        %dma_wait3A_111 = arith.constant 0 : i32
        %dma_wait3A_112 = tpu.memref_slice %arg2[%multiple_of3A_102, %dma_wait3A_111] : memref<20000x128xf32, #tpu.memory_space<hbm>> -> memref<640x128xf32, #tpu.memory_space<hbm>>
        tpu.wait_dma2 semaphore(%run_scoped3A : memref<!tpu.dma_semaphore, #tpu.memory_space<semaphore_mem>>) src(%dma_wait3A_112 : memref<640x128xf32, #tpu.memory_space<hbm>>) dst(%dma_wait3A_110 : memref<640x128xf32, #tpu.memory_space<vmem_shared>>)
        tpu.yield
      }) : () -> ()
    } else {
    }
    %eq3A = arith.constant 15 : i32
    %eq3A_2 = arith.cmpi eq, %arg1, %eq3A : i32
    %convert_element_type3A_3 = arith.extui %eq3A_2 : i1 to i32
    %cond3A_4 = arith.constant 0 : i32
    %cond3A_5 = arith.cmpi ne, %convert_element_type3A_3, %cond3A_4 : i32
    scf.if %cond3A_5 {
      %mul3A_97 = arith.constant 10000 : i32
      %mul3A_98 = arith.muli %arg0, %mul3A_97 : i32
      %add3A_99 = arith.constant 9600 : i32
      %add3A_100 = arith.addi %mul3A_98, %add3A_99 : i32
      %multiple_of3A_101 = tpu.assume_multiple %add3A_100, 16 : i32
      "tpu.region"() ({
        %run_scoped3A = tpu.sem_alloc : memref<!tpu.dma_semaphore, #tpu.memory_space<semaphore_mem>>
        %dma_start3A_102 = arith.constant 9600 : i32
        %dma_start3A_103 = arith.constant 0 : i32
        %dma_start3A_104 = tpu.memref_slice %arg27[%dma_start3A_102, %dma_start3A_103] : memref<10000x128xf32, #tpu.memory_space<vmem_shared>> -> memref<400x128xf32, #tpu.memory_space<vmem_shared>>
        %dma_start3A_105 = arith.constant 0 : i32
        %dma_start3A_106 = tpu.memref_slice %arg2[%multiple_of3A_101, %dma_start3A_105] : memref<20000x128xf32, #tpu.memory_space<hbm>> -> memref<400x128xf32, #tpu.memory_space<hbm>>
        tpu.enqueue_dma source(%dma_start3A_106 : memref<400x128xf32, #tpu.memory_space<hbm>>) target(%dma_start3A_104 : memref<400x128xf32, #tpu.memory_space<vmem_shared>>) target_semaphore(%run_scoped3A : memref<!tpu.dma_semaphore, #tpu.memory_space<semaphore_mem>>)
        %dma_wait3A_107 = arith.constant 9600 : i32
        %dma_wait3A_108 = arith.constant 0 : i32
        %dma_wait3A_109 = tpu.memref_slice %arg27[%dma_wait3A_107, %dma_wait3A_108] : memref<10000x128xf32, #tpu.memory_space<vmem_shared>> -> memref<400x128xf32, #tpu.memory_space<vmem_shared>>
        %dma_wait3A_110 = arith.constant 0 : i32
        %dma_wait3A_111 = tpu.memref_slice %arg2[%multiple_of3A_101, %dma_wait3A_110] : memref<20000x128xf32, #tpu.memory_space<hbm>> -> memref<400x128xf32, #tpu.memory_space<hbm>>
        tpu.wait_dma2 semaphore(%run_scoped3A : memref<!tpu.dma_semaphore, #tpu.memory_space<semaphore_mem>>) src(%dma_wait3A_111 : memref<400x128xf32, #tpu.memory_space<hbm>>) dst(%dma_wait3A_109 : memref<400x128xf32, #tpu.memory_space<vmem_shared>>)
        tpu.yield
      }) : () -> ()
    } else {
    }
    %mul3A = arith.constant 320000 : i32
    %mul3A_6 = arith.muli %arg0, %mul3A : i32
    %mul3A_7 = arith.constant 20000 : i32
    %mul3A_8 = arith.muli %arg1, %mul3A_7 : i32
    %add3A = arith.addi %mul3A_6, %mul3A_8 : i32
    %add3A_9 = arith.constant 0 : i32
    %add3A_10 = arith.addi %add3A, %add3A_9 : i32
    %multiple_of3A = tpu.assume_multiple %add3A_10, 8 : i32
    %dma_start3A = tpu.memref_slice %arg3[%multiple_of3A] : memref<640000xi32, #tpu.memory_space<hbm>> -> memref<80xi32, #tpu.memory_space<hbm>>
    %dma_start3A_11 = tpu.memref_slice %arg3[%multiple_of3A] : memref<640000xi32, #tpu.memory_space<hbm>> -> memref<80xi32, #tpu.memory_space<hbm>>
    tpu.enqueue_dma source(%dma_start3A_11 : memref<80xi32, #tpu.memory_space<hbm>>) target(%arg6 : memref<80xi32, #tpu.memory_space<vmem>>) target_semaphore(%arg15 : memref<!tpu.dma_semaphore, #tpu.memory_space<semaphore_mem>>)
    %mul3A_12 = arith.constant 320000 : i32
    %mul3A_13 = arith.muli %arg0, %mul3A_12 : i32
    %mul3A_14 = arith.constant 20000 : i32
    %mul3A_15 = arith.muli %arg1, %mul3A_14 : i32
    %add3A_16 = arith.addi %mul3A_13, %mul3A_15 : i32
    %add3A_17 = arith.constant 80 : i32
    %add3A_18 = arith.addi %add3A_16, %add3A_17 : i32
    %multiple_of3A_19 = tpu.assume_multiple %add3A_18, 8 : i32
    %dma_start3A_20 = tpu.memref_slice %arg3[%multiple_of3A_19] : memref<640000xi32, #tpu.memory_space<hbm>> -> memref<80xi32, #tpu.memory_space<hbm>>
    %dma_start3A_21 = tpu.memref_slice %arg3[%multiple_of3A_19] : memref<640000xi32, #tpu.memory_space<hbm>> -> memref<80xi32, #tpu.memory_space<hbm>>
    tpu.enqueue_dma source(%dma_start3A_21 : memref<80xi32, #tpu.memory_space<hbm>>) target(%arg7 : memref<80xi32, #tpu.memory_space<vmem>>) target_semaphore(%arg16 : memref<!tpu.dma_semaphore, #tpu.memory_space<semaphore_mem>>)
    %mul3A_22 = arith.constant 320000 : i32
    %mul3A_23 = arith.muli %arg0, %mul3A_22 : i32
    %mul3A_24 = arith.constant 20000 : i32
    %mul3A_25 = arith.muli %arg1, %mul3A_24 : i32
    %add3A_26 = arith.addi %mul3A_23, %mul3A_25 : i32
    %add3A_27 = arith.constant 160 : i32
    %add3A_28 = arith.addi %add3A_26, %add3A_27 : i32
    %multiple_of3A_29 = tpu.assume_multiple %add3A_28, 8 : i32
    %dma_start3A_30 = tpu.memref_slice %arg3[%multiple_of3A_29] : memref<640000xi32, #tpu.memory_space<hbm>> -> memref<80xi32, #tpu.memory_space<hbm>>
    %dma_start3A_31 = tpu.memref_slice %arg3[%multiple_of3A_29] : memref<640000xi32, #tpu.memory_space<hbm>> -> memref<80xi32, #tpu.memory_space<hbm>>
    tpu.enqueue_dma source(%dma_start3A_31 : memref<80xi32, #tpu.memory_space<hbm>>) target(%arg8 : memref<80xi32, #tpu.memory_space<vmem>>) target_semaphore(%arg17 : memref<!tpu.dma_semaphore, #tpu.memory_space<semaphore_mem>>)
    %mul3A_32 = arith.constant 20000 : i32
    %mul3A_33 = arith.muli %arg1, %mul3A_32 : i32
    %add3A_34 = arith.constant 0 : i32
    %add3A_35 = arith.addi %mul3A_33, %add3A_34 : i32
    %dma_start3A_36 = tpu.memref_slice %arg4[%add3A_35] : memref<320000xi32, #tpu.memory_space<hbm>> -> memref<80xi32, #tpu.memory_space<hbm>>
    %dma_start3A_37 = tpu.memref_slice %arg4[%add3A_35] : memref<320000xi32, #tpu.memory_space<hbm>> -> memref<80xi32, #tpu.memory_space<hbm>>
    tpu.enqueue_dma source(%dma_start3A_37 : memref<80xi32, #tpu.memory_space<hbm>>) target(%arg9 : memref<80xi32, #tpu.memory_space<vmem>>) target_semaphore(%arg18 : memref<!tpu.dma_semaphore, #tpu.memory_space<semaphore_mem>>)
    %mul3A_38 = arith.constant 20000 : i32
    %mul3A_39 = arith.muli %arg1, %mul3A_38 : i32
    %add3A_40 = arith.constant 80 : i32
    %add3A_41 = arith.addi %mul3A_39, %add3A_40 : i32
    %dma_start3A_42 = tpu.memref_slice %arg4[%add3A_41] : memref<320000xi32, #tpu.memory_space<hbm>> -> memref<80xi32, #tpu.memory_space<hbm>>
    %dma_start3A_43 = tpu.memref_slice %arg4[%add3A_41] : memref<320000xi32, #tpu.memory_space<hbm>> -> memref<80xi32, #tpu.memory_space<hbm>>
    tpu.enqueue_dma source(%dma_start3A_43 : memref<80xi32, #tpu.memory_space<hbm>>) target(%arg10 : memref<80xi32, #tpu.memory_space<vmem>>) target_semaphore(%arg19 : memref<!tpu.dma_semaphore, #tpu.memory_space<semaphore_mem>>)
    %mul3A_44 = arith.constant 320000 : i32
    %mul3A_45 = arith.muli %arg0, %mul3A_44 : i32
    %mul3A_46 = arith.constant 20000 : i32
    %mul3A_47 = arith.muli %arg1, %mul3A_46 : i32
    %add3A_48 = arith.addi %mul3A_45, %mul3A_47 : i32
    %add3A_49 = arith.constant 0 : i32
    %add3A_50 = arith.addi %add3A_48, %add3A_49 : i32
    %multiple_of3A_51 = tpu.assume_multiple %add3A_50, 8 : i32
    %dma_wait3A = tpu.memref_slice %arg3[%multiple_of3A_51] : memref<640000xi32, #tpu.memory_space<hbm>> -> memref<80xi32, #tpu.memory_space<hbm>>
    %dma_wait3A_52 = tpu.memref_slice %arg3[%multiple_of3A_51] : memref<640000xi32, #tpu.memory_space<hbm>> -> memref<80xi32, #tpu.memory_space<hbm>>
    tpu.wait_dma2 semaphore(%arg15 : memref<!tpu.dma_semaphore, #tpu.memory_space<semaphore_mem>>) src(%dma_wait3A_52 : memref<80xi32, #tpu.memory_space<hbm>>) dst(%arg6 : memref<80xi32, #tpu.memory_space<vmem>>)
    %dma_start3A_53 = arith.constant 0 : i32
    %dma_start3A_54 = arith.constant 0 : i32
    %dma_start3A_55 = tpu.memref_slice %arg2[%dma_start3A_53, %dma_start3A_54] : memref<20000x128xf32, #tpu.memory_space<hbm>> -> memref<20000x128xf32, #tpu.memory_space<hbm>>
    tpu.enqueue_indirect_dma source(%dma_start3A_55 : memref<20000x128xf32, #tpu.memory_space<hbm>>) target(%arg12 : memref<80x128xf32, #tpu.memory_space<vmem>>) offsets(%arg6 : memref<80xi32, #tpu.memory_space<vmem>>) semaphore(%arg21 : memref<!tpu.dma_semaphore, #tpu.memory_space<semaphore_mem>>)
    %mul3A_56 = arith.constant 320000 : i32
    %mul3A_57 = arith.muli %arg0, %mul3A_56 : i32
    %mul3A_58 = arith.constant 20000 : i32
    %mul3A_59 = arith.muli %arg1, %mul3A_58 : i32
    %add3A_60 = arith.addi %mul3A_57, %mul3A_59 : i32
    %add3A_61 = arith.constant 80 : i32
    %add3A_62 = arith.addi %add3A_60, %add3A_61 : i32
    %multiple_of3A_63 = tpu.assume_multiple %add3A_62, 8 : i32
    %dma_wait3A_64 = tpu.memref_slice %arg3[%multiple_of3A_63] : memref<640000xi32, #tpu.memory_space<hbm>> -> memref<80xi32, #tpu.memory_space<hbm>>
    %dma_wait3A_65 = tpu.memref_slice %arg3[%multiple_of3A_63] : memref<640000xi32, #tpu.memory_space<hbm>> -> memref<80xi32, #tpu.memory_space<hbm>>
    tpu.wait_dma2 semaphore(%arg16 : memref<!tpu.dma_semaphore, #tpu.memory_space<semaphore_mem>>) src(%dma_wait3A_65 : memref<80xi32, #tpu.memory_space<hbm>>) dst(%arg7 : memref<80xi32, #tpu.memory_space<vmem>>)
    %dma_start3A_66 = arith.constant 0 : i32
    %dma_start3A_67 = arith.constant 0 : i32
    %dma_start3A_68 = tpu.memref_slice %arg2[%dma_start3A_66, %dma_start3A_67] : memref<20000x128xf32, #tpu.memory_space<hbm>> -> memref<20000x128xf32, #tpu.memory_space<hbm>>
    tpu.enqueue_indirect_dma source(%dma_start3A_68 : memref<20000x128xf32, #tpu.memory_space<hbm>>) target(%arg13 : memref<80x128xf32, #tpu.memory_space<vmem>>) offsets(%arg7 : memref<80xi32, #tpu.memory_space<vmem>>) semaphore(%arg22 : memref<!tpu.dma_semaphore, #tpu.memory_space<semaphore_mem>>)
    %scan3A = arith.constant 0 : i32
    %scan3A_69 = arith.constant 0 : i32
    %scan3A_70 = arith.constant 83 : i32
    %scan3A_71 = arith.addi %scan3A_69, %scan3A_70 : i32
    %scan3A_72 = arith.constant 1 : i32
    %scan3A_73 = scf.for %scan3A_97 = %scan3A_69 to %scan3A_71 step %scan3A_72 iter_args(%scan3A_98 = %scan3A) -> (i32)  : i32 {
      %mul3A_99 = arith.constant 3 : i32
      %mul3A_100 = arith.muli %mul3A_99, %scan3A_97 : i32
      %add3A_101 = arith.constant 0 : i32
      %add3A_102 = arith.addi %mul3A_100, %add3A_101 : i32
      %dma_wait3A_103 = arith.constant 0 : i32
      %dma_wait3A_104 = arith.constant 0 : i32
      %dma_wait3A_105 = tpu.memref_slice %arg2[%dma_wait3A_103, %dma_wait3A_104] : memref<20000x128xf32, #tpu.memory_space<hbm>> -> memref<20000x128xf32, #tpu.memory_space<hbm>>
      tpu.wait_indirect_dma semaphore(%arg21 : memref<!tpu.dma_semaphore, #tpu.memory_space<semaphore_mem>>) src(%dma_wait3A_105 : memref<20000x128xf32, #tpu.memory_space<hbm>>) dst(%arg12 : memref<80x128xf32, #tpu.memory_space<vmem>>)
      %add3A_106 = arith.constant 3 : i32
      %add3A_107 = arith.addi %add3A_102, %add3A_106 : i32
      %mul3A_108 = arith.constant 320000 : i32
      %mul3A_109 = arith.muli %arg0, %mul3A_108 : i32
      %mul3A_110 = arith.constant 20000 : i32
      %mul3A_111 = arith.muli %arg1, %mul3A_110 : i32
      %add3A_112 = arith.addi %mul3A_109, %mul3A_111 : i32
      %mul3A_113 = arith.constant 80 : i32
      %mul3A_114 = arith.muli %add3A_107, %mul3A_113 : i32
      %add3A_115 = arith.addi %add3A_112, %mul3A_114 : i32
      %multiple_of3A_116 = tpu.assume_multiple %add3A_115, 8 : i32
      %dma_start3A_117 = tpu.memref_slice %arg3[%multiple_of3A_116] : memref<640000xi32, #tpu.memory_space<hbm>> -> memref<80xi32, #tpu.memory_space<hbm>>
      %dma_start3A_118 = tpu.memref_slice %arg3[%multiple_of3A_116] : memref<640000xi32, #tpu.memory_space<hbm>> -> memref<80xi32, #tpu.memory_space<hbm>>
      tpu.enqueue_dma source(%dma_start3A_118 : memref<80xi32, #tpu.memory_space<hbm>>) target(%arg6 : memref<80xi32, #tpu.memory_space<vmem>>) target_semaphore(%arg15 : memref<!tpu.dma_semaphore, #tpu.memory_space<semaphore_mem>>)
      %mul3A_119 = arith.constant 20000 : i32
      %mul3A_120 = arith.muli %arg1, %mul3A_119 : i32
      %mul3A_121 = arith.constant 80 : i32
      %mul3A_122 = arith.muli %add3A_102, %mul3A_121 : i32
      %add3A_123 = arith.addi %mul3A_120, %mul3A_122 : i32
      %dma_wait3A_124 = tpu.memref_slice %arg4[%add3A_123] : memref<320000xi32, #tpu.memory_space<hbm>> -> memref<80xi32, #tpu.memory_space<hbm>>
      %dma_wait3A_125 = tpu.memref_slice %arg4[%add3A_123] : memref<320000xi32, #tpu.memory_space<hbm>> -> memref<80xi32, #tpu.memory_space<hbm>>
      tpu.wait_dma2 semaphore(%arg18 : memref<!tpu.dma_semaphore, #tpu.memory_space<semaphore_mem>>) src(%dma_wait3A_125 : memref<80xi32, #tpu.memory_space<hbm>>) dst(%arg9 : memref<80xi32, #tpu.memory_space<vmem>>)
      %dma_start3A_126 = arith.constant 0 : i32
      %dma_start3A_127 = arith.constant 0 : i32
      %dma_start3A_128 = tpu.memref_slice %arg27[%dma_start3A_126, %dma_start3A_127] : memref<10000x128xf32, #tpu.memory_space<vmem_shared>> -> memref<10000x128xf32, #tpu.memory_space<vmem_shared>>
      tpu.enqueue_indirect_dma source(%arg12 : memref<80x128xf32, #tpu.memory_space<vmem>>) target(%dma_start3A_128 : memref<10000x128xf32, #tpu.memory_space<vmem_shared>>) offsets(%arg9 : memref<80xi32, #tpu.memory_space<vmem>>) semaphore(%arg24 : memref<!tpu.dma_semaphore, #tpu.memory_space<semaphore_mem>>) {add = true}
      %gt3A = arith.constant 0 : i32
      %gt3A_129 = arith.cmpi sgt, %scan3A_97, %gt3A : i32
      %convert_element_type3A_130 = arith.extui %gt3A_129 : i1 to i32
      %cond3A_131 = arith.constant 0 : i32
      %cond3A_132 = arith.cmpi ne, %convert_element_type3A_130, %cond3A_131 : i32
      scf.if %cond3A_132 {
        %dma_wait3A_239 = arith.constant 0 : i32
        %dma_wait3A_240 = arith.constant 0 : i32
        %dma_wait3A_241 = tpu.memref_slice %arg27[%dma_wait3A_239, %dma_wait3A_240] : memref<10000x128xf32, #tpu.memory_space<vmem_shared>> -> memref<10000x128xf32, #tpu.memory_space<vmem_shared>>
        tpu.wait_indirect_dma semaphore(%arg26 : memref<!tpu.dma_semaphore, #tpu.memory_space<semaphore_mem>>) src(%arg14 : memref<80x128xf32, #tpu.memory_space<vmem>>) dst(%dma_wait3A_241 : memref<10000x128xf32, #tpu.memory_space<vmem_shared>>)
      } else {
      }
      %add3A_133 = arith.constant 2 : i32
      %add3A_134 = arith.addi %add3A_102, %add3A_133 : i32
      %mul3A_135 = arith.constant 20000 : i32
      %mul3A_136 = arith.muli %arg1, %mul3A_135 : i32
      %mul3A_137 = arith.constant 80 : i32
      %mul3A_138 = arith.muli %add3A_134, %mul3A_137 : i32
      %add3A_139 = arith.addi %mul3A_136, %mul3A_138 : i32
      %dma_start3A_140 = tpu.memref_slice %arg4[%add3A_139] : memref<320000xi32, #tpu.memory_space<hbm>> -> memref<80xi32, #tpu.memory_space<hbm>>
      %dma_start3A_141 = tpu.memref_slice %arg4[%add3A_139] : memref<320000xi32, #tpu.memory_space<hbm>> -> memref<80xi32, #tpu.memory_space<hbm>>
      tpu.enqueue_dma source(%dma_start3A_141 : memref<80xi32, #tpu.memory_space<hbm>>) target(%arg11 : memref<80xi32, #tpu.memory_space<vmem>>) target_semaphore(%arg20 : memref<!tpu.dma_semaphore, #tpu.memory_space<semaphore_mem>>)
      %add3A_142 = arith.constant 2 : i32
      %add3A_143 = arith.addi %add3A_102, %add3A_142 : i32
      %mul3A_144 = arith.constant 320000 : i32
      %mul3A_145 = arith.muli %arg0, %mul3A_144 : i32
      %mul3A_146 = arith.constant 20000 : i32
      %mul3A_147 = arith.muli %arg1, %mul3A_146 : i32
      %add3A_148 = arith.addi %mul3A_145, %mul3A_147 : i32
      %mul3A_149 = arith.constant 80 : i32
      %mul3A_150 = arith.muli %add3A_143, %mul3A_149 : i32
      %add3A_151 = arith.addi %add3A_148, %mul3A_150 : i32
      %multiple_of3A_152 = tpu.assume_multiple %add3A_151, 8 : i32
      %dma_wait3A_153 = tpu.memref_slice %arg3[%multiple_of3A_152] : memref<640000xi32, #tpu.memory_space<hbm>> -> memref<80xi32, #tpu.memory_space<hbm>>
      %dma_wait3A_154 = tpu.memref_slice %arg3[%multiple_of3A_152] : memref<640000xi32, #tpu.memory_space<hbm>> -> memref<80xi32, #tpu.memory_space<hbm>>
      tpu.wait_dma2 semaphore(%arg17 : memref<!tpu.dma_semaphore, #tpu.memory_space<semaphore_mem>>) src(%dma_wait3A_154 : memref<80xi32, #tpu.memory_space<hbm>>) dst(%arg8 : memref<80xi32, #tpu.memory_space<vmem>>)
      %dma_start3A_155 = arith.constant 0 : i32
      %dma_start3A_156 = arith.constant 0 : i32
      %dma_start3A_157 = tpu.memref_slice %arg2[%dma_start3A_155, %dma_start3A_156] : memref<20000x128xf32, #tpu.memory_space<hbm>> -> memref<20000x128xf32, #tpu.memory_space<hbm>>
      tpu.enqueue_indirect_dma source(%dma_start3A_157 : memref<20000x128xf32, #tpu.memory_space<hbm>>) target(%arg14 : memref<80x128xf32, #tpu.memory_space<vmem>>) offsets(%arg8 : memref<80xi32, #tpu.memory_space<vmem>>) semaphore(%arg23 : memref<!tpu.dma_semaphore, #tpu.memory_space<semaphore_mem>>)
      %mul3A_158 = arith.constant 3 : i32
      %mul3A_159 = arith.muli %mul3A_158, %scan3A_97 : i32
      %add3A_160 = arith.constant 1 : i32
      %add3A_161 = arith.addi %mul3A_159, %add3A_160 : i32
      %dma_wait3A_162 = arith.constant 0 : i32
      %dma_wait3A_163 = arith.constant 0 : i32
      %dma_wait3A_164 = tpu.memref_slice %arg2[%dma_wait3A_162, %dma_wait3A_163] : memref<20000x128xf32, #tpu.memory_space<hbm>> -> memref<20000x128xf32, #tpu.memory_space<hbm>>
      tpu.wait_indirect_dma semaphore(%arg22 : memref<!tpu.dma_semaphore, #tpu.memory_space<semaphore_mem>>) src(%dma_wait3A_164 : memref<20000x128xf32, #tpu.memory_space<hbm>>) dst(%arg13 : memref<80x128xf32, #tpu.memory_space<vmem>>)
      %lt3A_165 = arith.constant 82 : i32
      %lt3A_166 = arith.cmpi slt, %scan3A_97, %lt3A_165 : i32
      %convert_element_type3A_167 = arith.extui %lt3A_166 : i1 to i32
      %cond3A_168 = arith.constant 0 : i32
      %cond3A_169 = arith.cmpi ne, %convert_element_type3A_167, %cond3A_168 : i32
      scf.if %cond3A_169 {
        %add3A_239 = arith.constant 3 : i32
        %add3A_240 = arith.addi %add3A_161, %add3A_239 : i32
        %mul3A_241 = arith.constant 320000 : i32
        %mul3A_242 = arith.muli %arg0, %mul3A_241 : i32
        %mul3A_243 = arith.constant 20000 : i32
        %mul3A_244 = arith.muli %arg1, %mul3A_243 : i32
        %add3A_245 = arith.addi %mul3A_242, %mul3A_244 : i32
        %mul3A_246 = arith.constant 80 : i32
        %mul3A_247 = arith.muli %add3A_240, %mul3A_246 : i32
        %add3A_248 = arith.addi %add3A_245, %mul3A_247 : i32
        %multiple_of3A_249 = tpu.assume_multiple %add3A_248, 8 : i32
        %dma_start3A_250 = tpu.memref_slice %arg3[%multiple_of3A_249] : memref<640000xi32, #tpu.memory_space<hbm>> -> memref<80xi32, #tpu.memory_space<hbm>>
        %dma_start3A_251 = tpu.memref_slice %arg3[%multiple_of3A_249] : memref<640000xi32, #tpu.memory_space<hbm>> -> memref<80xi32, #tpu.memory_space<hbm>>
        tpu.enqueue_dma source(%dma_start3A_251 : memref<80xi32, #tpu.memory_space<hbm>>) target(%arg7 : memref<80xi32, #tpu.memory_space<vmem>>) target_semaphore(%arg16 : memref<!tpu.dma_semaphore, #tpu.memory_space<semaphore_mem>>)
      } else {
      }
      %mul3A_170 = arith.constant 20000 : i32
      %mul3A_171 = arith.muli %arg1, %mul3A_170 : i32
      %mul3A_172 = arith.constant 80 : i32
      %mul3A_173 = arith.muli %add3A_161, %mul3A_172 : i32
      %add3A_174 = arith.addi %mul3A_171, %mul3A_173 : i32
      %dma_wait3A_175 = tpu.memref_slice %arg4[%add3A_174] : memref<320000xi32, #tpu.memory_space<hbm>> -> memref<80xi32, #tpu.memory_space<hbm>>
      %dma_wait3A_176 = tpu.memref_slice %arg4[%add3A_174] : memref<320000xi32, #tpu.memory_space<hbm>> -> memref<80xi32, #tpu.memory_space<hbm>>
      tpu.wait_dma2 semaphore(%arg19 : memref<!tpu.dma_semaphore, #tpu.memory_space<semaphore_mem>>) src(%dma_wait3A_176 : memref<80xi32, #tpu.memory_space<hbm>>) dst(%arg10 : memref<80xi32, #tpu.memory_space<vmem>>)
      %dma_start3A_177 = arith.constant 0 : i32
      %dma_start3A_178 = arith.constant 0 : i32
      %dma_start3A_179 = tpu.memref_slice %arg27[%dma_start3A_177, %dma_start3A_178] : memref<10000x128xf32, #tpu.memory_space<vmem_shared>> -> memref<10000x128xf32, #tpu.memory_space<vmem_shared>>
      tpu.enqueue_indirect_dma source(%arg13 : memref<80x128xf32, #tpu.memory_space<vmem>>) target(%dma_start3A_179 : memref<10000x128xf32, #tpu.memory_space<vmem_shared>>) offsets(%arg10 : memref<80xi32, #tpu.memory_space<vmem>>) semaphore(%arg25 : memref<!tpu.dma_semaphore, #tpu.memory_space<semaphore_mem>>) {add = true}
      %dma_wait3A_180 = arith.constant 0 : i32
      %dma_wait3A_181 = arith.constant 0 : i32
      %dma_wait3A_182 = tpu.memref_slice %arg27[%dma_wait3A_180, %dma_wait3A_181] : memref<10000x128xf32, #tpu.memory_space<vmem_shared>> -> memref<10000x128xf32, #tpu.memory_space<vmem_shared>>
      tpu.wait_indirect_dma semaphore(%arg24 : memref<!tpu.dma_semaphore, #tpu.memory_space<semaphore_mem>>) src(%arg12 : memref<80x128xf32, #tpu.memory_space<vmem>>) dst(%dma_wait3A_182 : memref<10000x128xf32, #tpu.memory_space<vmem_shared>>)
      %add3A_183 = arith.constant 2 : i32
      %add3A_184 = arith.addi %add3A_161, %add3A_183 : i32
      %mul3A_185 = arith.constant 20000 : i32
      %mul3A_186 = arith.muli %arg1, %mul3A_185 : i32
      %mul3A_187 = arith.constant 80 : i32
      %mul3A_188 = arith.muli %add3A_184, %mul3A_187 : i32
      %add3A_189 = arith.addi %mul3A_186, %mul3A_188 : i32
      %dma_start3A_190 = tpu.memref_slice %arg4[%add3A_189] : memref<320000xi32, #tpu.memory_space<hbm>> -> memref<80xi32, #tpu.memory_space<hbm>>
      %dma_start3A_191 = tpu.memref_slice %arg4[%add3A_189] : memref<320000xi32, #tpu.memory_space<hbm>> -> memref<80xi32, #tpu.memory_space<hbm>>
      tpu.enqueue_dma source(%dma_start3A_191 : memref<80xi32, #tpu.memory_space<hbm>>) target(%arg9 : memref<80xi32, #tpu.memory_space<vmem>>) target_semaphore(%arg18 : memref<!tpu.dma_semaphore, #tpu.memory_space<semaphore_mem>>)
      %add3A_192 = arith.constant 2 : i32
      %add3A_193 = arith.addi %add3A_161, %add3A_192 : i32
      %mul3A_194 = arith.constant 320000 : i32
      %mul3A_195 = arith.muli %arg0, %mul3A_194 : i32
      %mul3A_196 = arith.constant 20000 : i32
      %mul3A_197 = arith.muli %arg1, %mul3A_196 : i32
      %add3A_198 = arith.addi %mul3A_195, %mul3A_197 : i32
      %mul3A_199 = arith.constant 80 : i32
      %mul3A_200 = arith.muli %add3A_193, %mul3A_199 : i32
      %add3A_201 = arith.addi %add3A_198, %mul3A_200 : i32
      %multiple_of3A_202 = tpu.assume_multiple %add3A_201, 8 : i32
      %dma_wait3A_203 = tpu.memref_slice %arg3[%multiple_of3A_202] : memref<640000xi32, #tpu.memory_space<hbm>> -> memref<80xi32, #tpu.memory_space<hbm>>
      %dma_wait3A_204 = tpu.memref_slice %arg3[%multiple_of3A_202] : memref<640000xi32, #tpu.memory_space<hbm>> -> memref<80xi32, #tpu.memory_space<hbm>>
      tpu.wait_dma2 semaphore(%arg15 : memref<!tpu.dma_semaphore, #tpu.memory_space<semaphore_mem>>) src(%dma_wait3A_204 : memref<80xi32, #tpu.memory_space<hbm>>) dst(%arg6 : memref<80xi32, #tpu.memory_space<vmem>>)
      %dma_start3A_205 = arith.constant 0 : i32
      %dma_start3A_206 = arith.constant 0 : i32
      %dma_start3A_207 = tpu.memref_slice %arg2[%dma_start3A_205, %dma_start3A_206] : memref<20000x128xf32, #tpu.memory_space<hbm>> -> memref<20000x128xf32, #tpu.memory_space<hbm>>
      tpu.enqueue_indirect_dma source(%dma_start3A_207 : memref<20000x128xf32, #tpu.memory_space<hbm>>) target(%arg12 : memref<80x128xf32, #tpu.memory_space<vmem>>) offsets(%arg6 : memref<80xi32, #tpu.memory_space<vmem>>) semaphore(%arg21 : memref<!tpu.dma_semaphore, #tpu.memory_space<semaphore_mem>>)
      %mul3A_208 = arith.constant 3 : i32
      %mul3A_209 = arith.muli %mul3A_208, %scan3A_97 : i32
      %add3A_210 = arith.constant 2 : i32
      %add3A_211 = arith.addi %mul3A_209, %add3A_210 : i32
      %dma_wait3A_212 = arith.constant 0 : i32
      %dma_wait3A_213 = arith.constant 0 : i32
      %dma_wait3A_214 = tpu.memref_slice %arg2[%dma_wait3A_212, %dma_wait3A_213] : memref<20000x128xf32, #tpu.memory_space<hbm>> -> memref<20000x128xf32, #tpu.memory_space<hbm>>
      tpu.wait_indirect_dma semaphore(%arg23 : memref<!tpu.dma_semaphore, #tpu.memory_space<semaphore_mem>>) src(%dma_wait3A_214 : memref<20000x128xf32, #tpu.memory_space<hbm>>) dst(%arg14 : memref<80x128xf32, #tpu.memory_space<vmem>>)
      %lt3A_215 = arith.constant 82 : i32
      %lt3A_216 = arith.cmpi slt, %scan3A_97, %lt3A_215 : i32
      %convert_element_type3A_217 = arith.extui %lt3A_216 : i1 to i32
      %cond3A_218 = arith.constant 0 : i32
      %cond3A_219 = arith.cmpi ne, %convert_element_type3A_217, %cond3A_218 : i32
      scf.if %cond3A_219 {
        %add3A_239 = arith.constant 3 : i32
        %add3A_240 = arith.addi %add3A_211, %add3A_239 : i32
        %mul3A_241 = arith.constant 320000 : i32
        %mul3A_242 = arith.muli %arg0, %mul3A_241 : i32
        %mul3A_243 = arith.constant 20000 : i32
        %mul3A_244 = arith.muli %arg1, %mul3A_243 : i32
        %add3A_245 = arith.addi %mul3A_242, %mul3A_244 : i32
        %mul3A_246 = arith.constant 80 : i32
        %mul3A_247 = arith.muli %add3A_240, %mul3A_246 : i32
        %add3A_248 = arith.addi %add3A_245, %mul3A_247 : i32
        %multiple_of3A_249 = tpu.assume_multiple %add3A_248, 8 : i32
        %dma_start3A_250 = tpu.memref_slice %arg3[%multiple_of3A_249] : memref<640000xi32, #tpu.memory_space<hbm>> -> memref<80xi32, #tpu.memory_space<hbm>>
        %dma_start3A_251 = tpu.memref_slice %arg3[%multiple_of3A_249] : memref<640000xi32, #tpu.memory_space<hbm>> -> memref<80xi32, #tpu.memory_space<hbm>>
        tpu.enqueue_dma source(%dma_start3A_251 : memref<80xi32, #tpu.memory_space<hbm>>) target(%arg8 : memref<80xi32, #tpu.memory_space<vmem>>) target_semaphore(%arg17 : memref<!tpu.dma_semaphore, #tpu.memory_space<semaphore_mem>>)
      } else {
      }
      %mul3A_220 = arith.constant 20000 : i32
      %mul3A_221 = arith.muli %arg1, %mul3A_220 : i32
      %mul3A_222 = arith.constant 80 : i32
      %mul3A_223 = arith.muli %add3A_211, %mul3A_222 : i32
      %add3A_224 = arith.addi %mul3A_221, %mul3A_223 : i32
      %dma_wait3A_225 = tpu.memref_slice %arg4[%add3A_224] : memref<320000xi32, #tpu.memory_space<hbm>> -> memref<80xi32, #tpu.memory_space<hbm>>
      %dma_wait3A_226 = tpu.memref_slice %arg4[%add3A_224] : memref<320000xi32, #tpu.memory_space<hbm>> -> memref<80xi32, #tpu.memory_space<hbm>>
      tpu.wait_dma2 semaphore(%arg20 : memref<!tpu.dma_semaphore, #tpu.memory_space<semaphore_mem>>) src(%dma_wait3A_226 : memref<80xi32, #tpu.memory_space<hbm>>) dst(%arg11 : memref<80xi32, #tpu.memory_space<vmem>>)
      %dma_start3A_227 = arith.constant 0 : i32
      %dma_start3A_228 = arith.constant 0 : i32
      %dma_start3A_229 = tpu.memref_slice %arg27[%dma_start3A_227, %dma_start3A_228] : memref<10000x128xf32, #tpu.memory_space<vmem_shared>> -> memref<10000x128xf32, #tpu.memory_space<vmem_shared>>
      tpu.enqueue_indirect_dma source(%arg14 : memref<80x128xf32, #tpu.memory_space<vmem>>) target(%dma_start3A_229 : memref<10000x128xf32, #tpu.memory_space<vmem_shared>>) offsets(%arg11 : memref<80xi32, #tpu.memory_space<vmem>>) semaphore(%arg26 : memref<!tpu.dma_semaphore, #tpu.memory_space<semaphore_mem>>) {add = true}
      %dma_wait3A_230 = arith.constant 0 : i32
      %dma_wait3A_231 = arith.constant 0 : i32
      %dma_wait3A_232 = tpu.memref_slice %arg27[%dma_wait3A_230, %dma_wait3A_231] : memref<10000x128xf32, #tpu.memory_space<vmem_shared>> -> memref<10000x128xf32, #tpu.memory_space<vmem_shared>>
      tpu.wait_indirect_dma semaphore(%arg25 : memref<!tpu.dma_semaphore, #tpu.memory_space<semaphore_mem>>) src(%arg13 : memref<80x128xf32, #tpu.memory_space<vmem>>) dst(%dma_wait3A_232 : memref<10000x128xf32, #tpu.memory_space<vmem_shared>>)
      %lt3A_233 = arith.constant 82 : i32
      %lt3A_234 = arith.cmpi slt, %scan3A_97, %lt3A_233 : i32
      %convert_element_type3A_235 = arith.extui %lt3A_234 : i1 to i32
      %cond3A_236 = arith.constant 0 : i32
      %cond3A_237 = arith.cmpi ne, %convert_element_type3A_235, %cond3A_236 : i32
      scf.if %cond3A_237 {
        %add3A_239 = arith.constant 2 : i32
        %add3A_240 = arith.addi %add3A_211, %add3A_239 : i32
        %mul3A_241 = arith.constant 20000 : i32
        %mul3A_242 = arith.muli %arg1, %mul3A_241 : i32
        %mul3A_243 = arith.constant 80 : i32
        %mul3A_244 = arith.muli %add3A_240, %mul3A_243 : i32
        %add3A_245 = arith.addi %mul3A_242, %mul3A_244 : i32
        %dma_start3A_246 = tpu.memref_slice %arg4[%add3A_245] : memref<320000xi32, #tpu.memory_space<hbm>> -> memref<80xi32, #tpu.memory_space<hbm>>
        %dma_start3A_247 = tpu.memref_slice %arg4[%add3A_245] : memref<320000xi32, #tpu.memory_space<hbm>> -> memref<80xi32, #tpu.memory_space<hbm>>
        tpu.enqueue_dma source(%dma_start3A_247 : memref<80xi32, #tpu.memory_space<hbm>>) target(%arg10 : memref<80xi32, #tpu.memory_space<vmem>>) target_semaphore(%arg19 : memref<!tpu.dma_semaphore, #tpu.memory_space<semaphore_mem>>)
        %add3A_248 = arith.constant 2 : i32
        %add3A_249 = arith.addi %add3A_211, %add3A_248 : i32
        %mul3A_250 = arith.constant 320000 : i32
        %mul3A_251 = arith.muli %arg0, %mul3A_250 : i32
        %mul3A_252 = arith.constant 20000 : i32
        %mul3A_253 = arith.muli %arg1, %mul3A_252 : i32
        %add3A_254 = arith.addi %mul3A_251, %mul3A_253 : i32
        %mul3A_255 = arith.constant 80 : i32
        %mul3A_256 = arith.muli %add3A_249, %mul3A_255 : i32
        %add3A_257 = arith.addi %add3A_254, %mul3A_256 : i32
        %multiple_of3A_258 = tpu.assume_multiple %add3A_257, 8 : i32
        %dma_wait3A_259 = tpu.memref_slice %arg3[%multiple_of3A_258] : memref<640000xi32, #tpu.memory_space<hbm>> -> memref<80xi32, #tpu.memory_space<hbm>>
        %dma_wait3A_260 = tpu.memref_slice %arg3[%multiple_of3A_258] : memref<640000xi32, #tpu.memory_space<hbm>> -> memref<80xi32, #tpu.memory_space<hbm>>
        tpu.wait_dma2 semaphore(%arg16 : memref<!tpu.dma_semaphore, #tpu.memory_space<semaphore_mem>>) src(%dma_wait3A_260 : memref<80xi32, #tpu.memory_space<hbm>>) dst(%arg7 : memref<80xi32, #tpu.memory_space<vmem>>)
        %dma_start3A_261 = arith.constant 0 : i32
        %dma_start3A_262 = arith.constant 0 : i32
        %dma_start3A_263 = tpu.memref_slice %arg2[%dma_start3A_261, %dma_start3A_262] : memref<20000x128xf32, #tpu.memory_space<hbm>> -> memref<20000x128xf32, #tpu.memory_space<hbm>>
        tpu.enqueue_indirect_dma source(%dma_start3A_263 : memref<20000x128xf32, #tpu.memory_space<hbm>>) target(%arg13 : memref<80x128xf32, #tpu.memory_space<vmem>>) offsets(%arg7 : memref<80xi32, #tpu.memory_space<vmem>>) semaphore(%arg22 : memref<!tpu.dma_semaphore, #tpu.memory_space<semaphore_mem>>)
      } else {
      }
      %scan3A_238 = arith.constant 0 : i32
      scf.yield %scan3A_238 : i32
    }
    %scan3A_74 = arith.constant 83 : i32
    %dma_wait3A_75 = arith.constant 0 : i32
    %dma_wait3A_76 = arith.constant 0 : i32
    %dma_wait3A_77 = tpu.memref_slice %arg2[%dma_wait3A_75, %dma_wait3A_76] : memref<20000x128xf32, #tpu.memory_space<hbm>> -> memref<20000x128xf32, #tpu.memory_space<hbm>>
    tpu.wait_indirect_dma semaphore(%arg21 : memref<!tpu.dma_semaphore, #tpu.memory_space<semaphore_mem>>) src(%dma_wait3A_77 : memref<20000x128xf32, #tpu.memory_space<hbm>>) dst(%arg12 : memref<80x128xf32, #tpu.memory_space<vmem>>)
    %mul3A_78 = arith.constant 20000 : i32
    %mul3A_79 = arith.muli %arg1, %mul3A_78 : i32
    %add3A_80 = arith.constant 19920 : i32
    %add3A_81 = arith.addi %mul3A_79, %add3A_80 : i32
    %dma_wait3A_82 = tpu.memref_slice %arg4[%add3A_81] : memref<320000xi32, #tpu.memory_space<hbm>> -> memref<80xi32, #tpu.memory_space<hbm>>
    %dma_wait3A_83 = tpu.memref_slice %arg4[%add3A_81] : memref<320000xi32, #tpu.memory_space<hbm>> -> memref<80xi32, #tpu.memory_space<hbm>>
    tpu.wait_dma2 semaphore(%arg18 : memref<!tpu.dma_semaphore, #tpu.memory_space<semaphore_mem>>) src(%dma_wait3A_83 : memref<80xi32, #tpu.memory_space<hbm>>) dst(%arg9 : memref<80xi32, #tpu.memory_space<vmem>>)
    "tpu.region"() ({
      %run_scoped3A = tpu.sem_alloc : memref<!tpu.dma_semaphore, #tpu.memory_space<semaphore_mem>>
      %dma_start3A_97 = arith.constant 0 : i32
      %dma_start3A_98 = arith.constant 0 : i32
      %dma_start3A_99 = tpu.memref_slice %arg27[%dma_start3A_97, %dma_start3A_98] : memref<10000x128xf32, #tpu.memory_space<vmem_shared>> -> memref<10000x128xf32, #tpu.memory_space<vmem_shared>>
      tpu.enqueue_indirect_dma source(%arg12 : memref<80x128xf32, #tpu.memory_space<vmem>>) target(%dma_start3A_99 : memref<10000x128xf32, #tpu.memory_space<vmem_shared>>) offsets(%arg9 : memref<80xi32, #tpu.memory_space<vmem>>) semaphore(%run_scoped3A : memref<!tpu.dma_semaphore, #tpu.memory_space<semaphore_mem>>) {add = true}
      %dma_wait3A_100 = arith.constant 0 : i32
      %dma_wait3A_101 = arith.constant 0 : i32
      %dma_wait3A_102 = tpu.memref_slice %arg27[%dma_wait3A_100, %dma_wait3A_101] : memref<10000x128xf32, #tpu.memory_space<vmem_shared>> -> memref<10000x128xf32, #tpu.memory_space<vmem_shared>>
      tpu.wait_indirect_dma semaphore(%run_scoped3A : memref<!tpu.dma_semaphore, #tpu.memory_space<semaphore_mem>>) src(%arg12 : memref<80x128xf32, #tpu.memory_space<vmem>>) dst(%dma_wait3A_102 : memref<10000x128xf32, #tpu.memory_space<vmem_shared>>)
      tpu.yield
    }) : () -> ()
    %dma_wait3A_84 = arith.constant 0 : i32
    %dma_wait3A_85 = arith.constant 0 : i32
    %dma_wait3A_86 = tpu.memref_slice %arg27[%dma_wait3A_84, %dma_wait3A_85] : memref<10000x128xf32, #tpu.memory_space<vmem_shared>> -> memref<10000x128xf32, #tpu.memory_space<vmem_shared>>
    tpu.wait_indirect_dma semaphore(%arg26 : memref<!tpu.dma_semaphore, #tpu.memory_space<semaphore_mem>>) src(%arg14 : memref<80x128xf32, #tpu.memory_space<vmem>>) dst(%dma_wait3A_86 : memref<10000x128xf32, #tpu.memory_space<vmem_shared>>)
    %barrier3A = arith.constant 0 : index
    tpu.barrier barrier_id(%barrier3A)
    %lt3A_87 = arith.constant 15 : i32
    %lt3A_88 = arith.cmpi slt, %arg1, %lt3A_87 : i32
    %convert_element_type3A_89 = arith.extui %lt3A_88 : i1 to i32
    %cond3A_90 = arith.constant 0 : i32
    %cond3A_91 = arith.cmpi ne, %convert_element_type3A_89, %cond3A_90 : i32
    scf.if %cond3A_91 {
      %mul3A_97 = arith.constant 640 : i32
      %mul3A_98 = arith.muli %arg1, %mul3A_97 : i32
      %mul3A_99 = arith.constant 640 : i32
      %mul3A_100 = arith.muli %arg1, %mul3A_99 : i32
      "tpu.region"() ({
        %run_scoped3A = tpu.sem_alloc : memref<!tpu.dma_semaphore, #tpu.memory_space<semaphore_mem>>
        %dma_start3A_101 = arith.constant 0 : i32
        %dma_start3A_102 = tpu.memref_slice %arg5[%arg0, %mul3A_100, %dma_start3A_101] : memref<2x10000x128xf32, #tpu.memory_space<hbm>> -> memref<1x640x128xf32, #tpu.memory_space<hbm>>
        %dma_start3A_103 = tpu.memref_squeeze %dma_start3A_102 : memref<1x640x128xf32, #tpu.memory_space<hbm>> -> memref<640x128xf32, #tpu.memory_space<hbm>>
        %dma_start3A_104 = arith.constant 0 : i32
        %dma_start3A_105 = tpu.memref_slice %arg27[%mul3A_98, %dma_start3A_104] : memref<10000x128xf32, #tpu.memory_space<vmem_shared>> -> memref<640x128xf32, #tpu.memory_space<vmem_shared>>
        tpu.enqueue_dma source(%dma_start3A_105 : memref<640x128xf32, #tpu.memory_space<vmem_shared>>) target(%dma_start3A_103 : memref<640x128xf32, #tpu.memory_space<hbm>>) target_semaphore(%run_scoped3A : memref<!tpu.dma_semaphore, #tpu.memory_space<semaphore_mem>>)
        %dma_wait3A_106 = arith.constant 0 : i32
        %dma_wait3A_107 = tpu.memref_slice %arg5[%arg0, %mul3A_100, %dma_wait3A_106] : memref<2x10000x128xf32, #tpu.memory_space<hbm>> -> memref<1x640x128xf32, #tpu.memory_space<hbm>>
        %dma_wait3A_108 = tpu.memref_squeeze %dma_wait3A_107 : memref<1x640x128xf32, #tpu.memory_space<hbm>> -> memref<640x128xf32, #tpu.memory_space<hbm>>
        %dma_wait3A_109 = arith.constant 0 : i32
        %dma_wait3A_110 = tpu.memref_slice %arg27[%mul3A_98, %dma_wait3A_109] : memref<10000x128xf32, #tpu.memory_space<vmem_shared>> -> memref<640x128xf32, #tpu.memory_space<vmem_shared>>
        tpu.wait_dma2 semaphore(%run_scoped3A : memref<!tpu.dma_semaphore, #tpu.memory_space<semaphore_mem>>) src(%dma_wait3A_110 : memref<640x128xf32, #tpu.memory_space<vmem_shared>>) dst(%dma_wait3A_108 : memref<640x128xf32, #tpu.memory_space<hbm>>)
        tpu.yield
      }) : () -> ()
    } else {
    }
    %eq3A_92 = arith.constant 15 : i32
    %eq3A_93 = arith.cmpi eq, %arg1, %eq3A_92 : i32
    %convert_element_type3A_94 = arith.extui %eq3A_93 : i1 to i32
    %cond3A_95 = arith.constant 0 : i32
    %cond3A_96 = arith.cmpi ne, %convert_element_type3A_94, %cond3A_95 : i32
    scf.if %cond3A_96 {
      "tpu.region"() ({
        %run_scoped3A = tpu.sem_alloc : memref<!tpu.dma_semaphore, #tpu.memory_space<semaphore_mem>>
        %dma_start3A_97 = arith.constant 9600 : i32
        %dma_start3A_98 = arith.constant 0 : i32
        %dma_start3A_99 = tpu.memref_slice %arg5[%arg0, %dma_start3A_97, %dma_start3A_98] : memref<2x10000x128xf32, #tpu.memory_space<hbm>> -> memref<1x400x128xf32, #tpu.memory_space<hbm>>
        %dma_start3A_100 = tpu.memref_squeeze %dma_start3A_99 : memref<1x400x128xf32, #tpu.memory_space<hbm>> -> memref<400x128xf32, #tpu.memory_space<hbm>>
        %dma_start3A_101 = arith.constant 9600 : i32
        %dma_start3A_102 = arith.constant 0 : i32
        %dma_start3A_103 = tpu.memref_slice %arg27[%dma_start3A_101, %dma_start3A_102] : memref<10000x128xf32, #tpu.memory_space<vmem_shared>> -> memref<400x128xf32, #tpu.memory_space<vmem_shared>>
        tpu.enqueue_dma source(%dma_start3A_103 : memref<400x128xf32, #tpu.memory_space<vmem_shared>>) target(%dma_start3A_100 : memref<400x128xf32, #tpu.memory_space<hbm>>) target_semaphore(%run_scoped3A : memref<!tpu.dma_semaphore, #tpu.memory_space<semaphore_mem>>)
        %dma_wait3A_104 = arith.constant 9600 : i32
        %dma_wait3A_105 = arith.constant 0 : i32
        %dma_wait3A_106 = tpu.memref_slice %arg5[%arg0, %dma_wait3A_104, %dma_wait3A_105] : memref<2x10000x128xf32, #tpu.memory_space<hbm>> -> memref<1x400x128xf32, #tpu.memory_space<hbm>>
        %dma_wait3A_107 = tpu.memref_squeeze %dma_wait3A_106 : memref<1x400x128xf32, #tpu.memory_space<hbm>> -> memref<400x128xf32, #tpu.memory_space<hbm>>
        %dma_wait3A_108 = arith.constant 9600 : i32
        %dma_wait3A_109 = arith.constant 0 : i32
        %dma_wait3A_110 = tpu.memref_slice %arg27[%dma_wait3A_108, %dma_wait3A_109] : memref<10000x128xf32, #tpu.memory_space<vmem_shared>> -> memref<400x128xf32, #tpu.memory_space<vmem_shared>>
        tpu.wait_dma2 semaphore(%run_scoped3A : memref<!tpu.dma_semaphore, #tpu.memory_space<semaphore_mem>>) src(%dma_wait3A_110 : memref<400x128xf32, #tpu.memory_space<vmem_shared>>) dst(%dma_wait3A_107 : memref<400x128xf32, #tpu.memory_space<hbm>>)
        tpu.yield
      }) : () -> ()
    } else {
    }
    return
  }
}

#map = affine_map<(d0, d1) -> (0, 0)>
#map1 = affine_map<(d0, d1) -> (0)>
#map2 = affine_map<(d0, d1) -> (0, 0, 0)>
module attributes {stable_mosaic.version = 14 : i64} {
  func.func @_agg_body(%arg0: i32, %arg1: i32, %arg2: memref<20000x128xf32, #tpu.memory_space<hbm>>, %arg3: memref<640000xi32, #tpu.memory_space<hbm>>, %arg4: memref<320000xi32, #tpu.memory_space<hbm>>, %arg5: memref<2x10000x128xf32, #tpu.memory_space<hbm>>, %arg6: memref<80xi32, #tpu.memory_space<vmem>>, %arg7: memref<80xi32, #tpu.memory_space<vmem>>, %arg8: memref<80xi32, #tpu.memory_space<vmem>>, %arg9: memref<80xi32, #tpu.memory_space<vmem>>, %arg10: memref<80xi32, #tpu.memory_space<vmem>>, %arg11: memref<80xi32, #tpu.memory_space<vmem>>, %arg12: memref<80x128xf32, #tpu.memory_space<vmem>>, %arg13: memref<80x128xf32, #tpu.memory_space<vmem>>, %arg14: memref<80x128xf32, #tpu.memory_space<vmem>>, %arg15: memref<!tpu.dma_semaphore, #tpu.memory_space<semaphore_mem>>, %arg16: memref<!tpu.dma_semaphore, #tpu.memory_space<semaphore_mem>>, %arg17: memref<!tpu.dma_semaphore, #tpu.memory_space<semaphore_mem>>, %arg18: memref<!tpu.dma_semaphore, #tpu.memory_space<semaphore_mem>>, %arg19: memref<!tpu.dma_semaphore, #tpu.memory_space<semaphore_mem>>, %arg20: memref<!tpu.dma_semaphore, #tpu.memory_space<semaphore_mem>>, %arg21: memref<!tpu.dma_semaphore, #tpu.memory_space<semaphore_mem>>, %arg22: memref<!tpu.dma_semaphore, #tpu.memory_space<semaphore_mem>>, %arg23: memref<!tpu.dma_semaphore, #tpu.memory_space<semaphore_mem>>, %arg24: memref<!tpu.dma_semaphore, #tpu.memory_space<semaphore_mem>>, %arg25: memref<!tpu.dma_semaphore, #tpu.memory_space<semaphore_mem>>, %arg26: memref<!tpu.dma_semaphore, #tpu.memory_space<semaphore_mem>>, %arg27: memref<10000x128xf32, #tpu.memory_space<vmem_shared>>) attributes {dimension_semantics = [#tpu.dimension_semantics<core_parallel>, #tpu.dimension_semantics<subcore_parallel>], iteration_bounds = array<i64: 2, 16>, scalar_prefetch = 0 : i64, scratch_operands = 22 : i64, tpu.core_type = #tpu.core_type<sc_vector_subcore>, window_params = [{transform_indices = #map}, {transform_indices = #map1}, {transform_indices = #map1}, {transform_indices = #map2}]} {
    %lt3A = arith.constant 15 : i32
    %lt3A_0 = arith.cmpi slt, %arg1, %lt3A : i32
    %convert_element_type3A = arith.extui %lt3A_0 : i1 to i32
    %cond3A = arith.constant 0 : i32
    %cond3A_1 = arith.cmpi ne, %convert_element_type3A, %cond3A : i32
    scf.if %cond3A_1 {
      %mul3A_97 = arith.constant 10000 : i32
      %mul3A_98 = arith.muli %arg0, %mul3A_97 : i32
      %mul3A_99 = arith.constant 640 : i32
      %mul3A_100 = arith.muli %arg1, %mul3A_99 : i32
      %add3A_101 = arith.addi %mul3A_98, %mul3A_100 : i32
      %multiple_of3A_102 = tpu.assume_multiple %add3A_101, 640 : i32
      %mul3A_103 = arith.constant 640 : i32
      %mul3A_104 = arith.muli %arg1, %mul3A_103 : i32
      "tpu.region"() ({
        %run_scoped3A = tpu.sem_alloc : memref<!tpu.dma_semaphore, #tpu.memory_space<semaphore_mem>>
        %dma_start3A_105 = arith.constant 0 : i32
        %dma_start3A_106 = tpu.memref_slice %arg27[%mul3A_104, %dma_start3A_105] : memref<10000x128xf32, #tpu.memory_space<vmem_shared>> -> memref<640x128xf32, #tpu.memory_space<vmem_shared>>
        %dma_start3A_107 = arith.constant 0 : i32
        %dma_start3A_108 = tpu.memref_slice %arg2[%multiple_of3A_102, %dma_start3A_107] : memref<20000x128xf32, #tpu.memory_space<hbm>> -> memref<640x128xf32, #tpu.memory_space<hbm>>
        tpu.enqueue_dma source(%dma_start3A_108 : memref<640x128xf32, #tpu.memory_space<hbm>>) target(%dma_start3A_106 : memref<640x128xf32, #tpu.memory_space<vmem_shared>>) target_semaphore(%run_scoped3A : memref<!tpu.dma_semaphore, #tpu.memory_space<semaphore_mem>>)
        %dma_wait3A_109 = arith.constant 0 : i32
        %dma_wait3A_110 = tpu.memref_slice %arg27[%mul3A_104, %dma_wait3A_109] : memref<10000x128xf32, #tpu.memory_space<vmem_shared>> -> memref<640x128xf32, #tpu.memory_space<vmem_shared>>
        %dma_wait3A_111 = arith.constant 0 : i32
        %dma_wait3A_112 = tpu.memref_slice %arg2[%multiple_of3A_102, %dma_wait3A_111] : memref<20000x128xf32, #tpu.memory_space<hbm>> -> memref<640x128xf32, #tpu.memory_space<hbm>>
        tpu.wait_dma2 semaphore(%run_scoped3A : memref<!tpu.dma_semaphore, #tpu.memory_space<semaphore_mem>>) src(%dma_wait3A_112 : memref<640x128xf32, #tpu.memory_space<hbm>>) dst(%dma_wait3A_110 : memref<640x128xf32, #tpu.memory_space<vmem_shared>>)
        tpu.yield
      }) : () -> ()
    } else {
    }
    %eq3A = arith.constant 15 : i32
    %eq3A_2 = arith.cmpi eq, %arg1, %eq3A : i32
    %convert_element_type3A_3 = arith.extui %eq3A_2 : i1 to i32
    %cond3A_4 = arith.constant 0 : i32
    %cond3A_5 = arith.cmpi ne, %convert_element_type3A_3, %cond3A_4 : i32
    scf.if %cond3A_5 {
      %mul3A_97 = arith.constant 10000 : i32
      %mul3A_98 = arith.muli %arg0, %mul3A_97 : i32
      %add3A_99 = arith.constant 9600 : i32
      %add3A_100 = arith.addi %mul3A_98, %add3A_99 : i32
      %multiple_of3A_101 = tpu.assume_multiple %add3A_100, 16 : i32
      "tpu.region"() ({
        %run_scoped3A = tpu.sem_alloc : memref<!tpu.dma_semaphore, #tpu.memory_space<semaphore_mem>>
        %dma_start3A_102 = arith.constant 9600 : i32
        %dma_start3A_103 = arith.constant 0 : i32
        %dma_start3A_104 = tpu.memref_slice %arg27[%dma_start3A_102, %dma_start3A_103] : memref<10000x128xf32, #tpu.memory_space<vmem_shared>> -> memref<400x128xf32, #tpu.memory_space<vmem_shared>>
        %dma_start3A_105 = arith.constant 0 : i32
        %dma_start3A_106 = tpu.memref_slice %arg2[%multiple_of3A_101, %dma_start3A_105] : memref<20000x128xf32, #tpu.memory_space<hbm>> -> memref<400x128xf32, #tpu.memory_space<hbm>>
        tpu.enqueue_dma source(%dma_start3A_106 : memref<400x128xf32, #tpu.memory_space<hbm>>) target(%dma_start3A_104 : memref<400x128xf32, #tpu.memory_space<vmem_shared>>) target_semaphore(%run_scoped3A : memref<!tpu.dma_semaphore, #tpu.memory_space<semaphore_mem>>)
        %dma_wait3A_107 = arith.constant 9600 : i32
        %dma_wait3A_108 = arith.constant 0 : i32
        %dma_wait3A_109 = tpu.memref_slice %arg27[%dma_wait3A_107, %dma_wait3A_108] : memref<10000x128xf32, #tpu.memory_space<vmem_shared>> -> memref<400x128xf32, #tpu.memory_space<vmem_shared>>
        %dma_wait3A_110 = arith.constant 0 : i32
        %dma_wait3A_111 = tpu.memref_slice %arg2[%multiple_of3A_101, %dma_wait3A_110] : memref<20000x128xf32, #tpu.memory_space<hbm>> -> memref<400x128xf32, #tpu.memory_space<hbm>>
        tpu.wait_dma2 semaphore(%run_scoped3A : memref<!tpu.dma_semaphore, #tpu.memory_space<semaphore_mem>>) src(%dma_wait3A_111 : memref<400x128xf32, #tpu.memory_space<hbm>>) dst(%dma_wait3A_109 : memref<400x128xf32, #tpu.memory_space<vmem_shared>>)
        tpu.yield
      }) : () -> ()
    } else {
    }
    %mul3A = arith.constant 320000 : i32
    %mul3A_6 = arith.muli %arg0, %mul3A : i32
    %mul3A_7 = arith.constant 20000 : i32
    %mul3A_8 = arith.muli %arg1, %mul3A_7 : i32
    %add3A = arith.addi %mul3A_6, %mul3A_8 : i32
    %add3A_9 = arith.constant 0 : i32
    %add3A_10 = arith.addi %add3A, %add3A_9 : i32
    %multiple_of3A = tpu.assume_multiple %add3A_10, 8 : i32
    %dma_start3A = tpu.memref_slice %arg3[%multiple_of3A] : memref<640000xi32, #tpu.memory_space<hbm>> -> memref<80xi32, #tpu.memory_space<hbm>>
    %dma_start3A_11 = tpu.memref_slice %arg3[%multiple_of3A] : memref<640000xi32, #tpu.memory_space<hbm>> -> memref<80xi32, #tpu.memory_space<hbm>>
    tpu.enqueue_dma source(%dma_start3A_11 : memref<80xi32, #tpu.memory_space<hbm>>) target(%arg6 : memref<80xi32, #tpu.memory_space<vmem>>) target_semaphore(%arg15 : memref<!tpu.dma_semaphore, #tpu.memory_space<semaphore_mem>>)
    %mul3A_12 = arith.constant 320000 : i32
    %mul3A_13 = arith.muli %arg0, %mul3A_12 : i32
    %mul3A_14 = arith.constant 20000 : i32
    %mul3A_15 = arith.muli %arg1, %mul3A_14 : i32
    %add3A_16 = arith.addi %mul3A_13, %mul3A_15 : i32
    %add3A_17 = arith.constant 80 : i32
    %add3A_18 = arith.addi %add3A_16, %add3A_17 : i32
    %multiple_of3A_19 = tpu.assume_multiple %add3A_18, 8 : i32
    %dma_start3A_20 = tpu.memref_slice %arg3[%multiple_of3A_19] : memref<640000xi32, #tpu.memory_space<hbm>> -> memref<80xi32, #tpu.memory_space<hbm>>
    %dma_start3A_21 = tpu.memref_slice %arg3[%multiple_of3A_19] : memref<640000xi32, #tpu.memory_space<hbm>> -> memref<80xi32, #tpu.memory_space<hbm>>
    tpu.enqueue_dma source(%dma_start3A_21 : memref<80xi32, #tpu.memory_space<hbm>>) target(%arg7 : memref<80xi32, #tpu.memory_space<vmem>>) target_semaphore(%arg16 : memref<!tpu.dma_semaphore, #tpu.memory_space<semaphore_mem>>)
    %mul3A_22 = arith.constant 320000 : i32
    %mul3A_23 = arith.muli %arg0, %mul3A_22 : i32
    %mul3A_24 = arith.constant 20000 : i32
    %mul3A_25 = arith.muli %arg1, %mul3A_24 : i32
    %add3A_26 = arith.addi %mul3A_23, %mul3A_25 : i32
    %add3A_27 = arith.constant 160 : i32
    %add3A_28 = arith.addi %add3A_26, %add3A_27 : i32
    %multiple_of3A_29 = tpu.assume_multiple %add3A_28, 8 : i32
    %dma_start3A_30 = tpu.memref_slice %arg3[%multiple_of3A_29] : memref<640000xi32, #tpu.memory_space<hbm>> -> memref<80xi32, #tpu.memory_space<hbm>>
    %dma_start3A_31 = tpu.memref_slice %arg3[%multiple_of3A_29] : memref<640000xi32, #tpu.memory_space<hbm>> -> memref<80xi32, #tpu.memory_space<hbm>>
    tpu.enqueue_dma source(%dma_start3A_31 : memref<80xi32, #tpu.memory_space<hbm>>) target(%arg8 : memref<80xi32, #tpu.memory_space<vmem>>) target_semaphore(%arg17 : memref<!tpu.dma_semaphore, #tpu.memory_space<semaphore_mem>>)
    %mul3A_32 = arith.constant 20000 : i32
    %mul3A_33 = arith.muli %arg1, %mul3A_32 : i32
    %add3A_34 = arith.constant 0 : i32
    %add3A_35 = arith.addi %mul3A_33, %add3A_34 : i32
    %dma_start3A_36 = tpu.memref_slice %arg4[%add3A_35] : memref<320000xi32, #tpu.memory_space<hbm>> -> memref<80xi32, #tpu.memory_space<hbm>>
    %dma_start3A_37 = tpu.memref_slice %arg4[%add3A_35] : memref<320000xi32, #tpu.memory_space<hbm>> -> memref<80xi32, #tpu.memory_space<hbm>>
    tpu.enqueue_dma source(%dma_start3A_37 : memref<80xi32, #tpu.memory_space<hbm>>) target(%arg9 : memref<80xi32, #tpu.memory_space<vmem>>) target_semaphore(%arg18 : memref<!tpu.dma_semaphore, #tpu.memory_space<semaphore_mem>>)
    %mul3A_38 = arith.constant 20000 : i32
    %mul3A_39 = arith.muli %arg1, %mul3A_38 : i32
    %add3A_40 = arith.constant 80 : i32
    %add3A_41 = arith.addi %mul3A_39, %add3A_40 : i32
    %dma_start3A_42 = tpu.memref_slice %arg4[%add3A_41] : memref<320000xi32, #tpu.memory_space<hbm>> -> memref<80xi32, #tpu.memory_space<hbm>>
    %dma_start3A_43 = tpu.memref_slice %arg4[%add3A_41] : memref<320000xi32, #tpu.memory_space<hbm>> -> memref<80xi32, #tpu.memory_space<hbm>>
    tpu.enqueue_dma source(%dma_start3A_43 : memref<80xi32, #tpu.memory_space<hbm>>) target(%arg10 : memref<80xi32, #tpu.memory_space<vmem>>) target_semaphore(%arg19 : memref<!tpu.dma_semaphore, #tpu.memory_space<semaphore_mem>>)
    %mul3A_44 = arith.constant 320000 : i32
    %mul3A_45 = arith.muli %arg0, %mul3A_44 : i32
    %mul3A_46 = arith.constant 20000 : i32
    %mul3A_47 = arith.muli %arg1, %mul3A_46 : i32
    %add3A_48 = arith.addi %mul3A_45, %mul3A_47 : i32
    %add3A_49 = arith.constant 0 : i32
    %add3A_50 = arith.addi %add3A_48, %add3A_49 : i32
    %multiple_of3A_51 = tpu.assume_multiple %add3A_50, 8 : i32
    %dma_wait3A = tpu.memref_slice %arg3[%multiple_of3A_51] : memref<640000xi32, #tpu.memory_space<hbm>> -> memref<80xi32, #tpu.memory_space<hbm>>
    %dma_wait3A_52 = tpu.memref_slice %arg3[%multiple_of3A_51] : memref<640000xi32, #tpu.memory_space<hbm>> -> memref<80xi32, #tpu.memory_space<hbm>>
    tpu.wait_dma2 semaphore(%arg15 : memref<!tpu.dma_semaphore, #tpu.memory_space<semaphore_mem>>) src(%dma_wait3A_52 : memref<80xi32, #tpu.memory_space<hbm>>) dst(%arg6 : memref<80xi32, #tpu.memory_space<vmem>>)
    %dma_start3A_53 = arith.constant 0 : i32
    %dma_start3A_54 = arith.constant 0 : i32
    %dma_start3A_55 = tpu.memref_slice %arg2[%dma_start3A_53, %dma_start3A_54] : memref<20000x128xf32, #tpu.memory_space<hbm>> -> memref<20000x128xf32, #tpu.memory_space<hbm>>
    tpu.enqueue_indirect_dma source(%dma_start3A_55 : memref<20000x128xf32, #tpu.memory_space<hbm>>) target(%arg12 : memref<80x128xf32, #tpu.memory_space<vmem>>) offsets(%arg6 : memref<80xi32, #tpu.memory_space<vmem>>) semaphore(%arg21 : memref<!tpu.dma_semaphore, #tpu.memory_space<semaphore_mem>>)
    %mul3A_56 = arith.constant 320000 : i32
    %mul3A_57 = arith.muli %arg0, %mul3A_56 : i32
    %mul3A_58 = arith.constant 20000 : i32
    %mul3A_59 = arith.muli %arg1, %mul3A_58 : i32
    %add3A_60 = arith.addi %mul3A_57, %mul3A_59 : i32
    %add3A_61 = arith.constant 80 : i32
    %add3A_62 = arith.addi %add3A_60, %add3A_61 : i32
    %multiple_of3A_63 = tpu.assume_multiple %add3A_62, 8 : i32
    %dma_wait3A_64 = tpu.memref_slice %arg3[%multiple_of3A_63] : memref<640000xi32, #tpu.memory_space<hbm>> -> memref<80xi32, #tpu.memory_space<hbm>>
    %dma_wait3A_65 = tpu.memref_slice %arg3[%multiple_of3A_63] : memref<640000xi32, #tpu.memory_space<hbm>> -> memref<80xi32, #tpu.memory_space<hbm>>
    tpu.wait_dma2 semaphore(%arg16 : memref<!tpu.dma_semaphore, #tpu.memory_space<semaphore_mem>>) src(%dma_wait3A_65 : memref<80xi32, #tpu.memory_space<hbm>>) dst(%arg7 : memref<80xi32, #tpu.memory_space<vmem>>)
    %dma_start3A_66 = arith.constant 0 : i32
    %dma_start3A_67 = arith.constant 0 : i32
    %dma_start3A_68 = tpu.memref_slice %arg2[%dma_start3A_66, %dma_start3A_67] : memref<20000x128xf32, #tpu.memory_space<hbm>> -> memref<20000x128xf32, #tpu.memory_space<hbm>>
    tpu.enqueue_indirect_dma source(%dma_start3A_68 : memref<20000x128xf32, #tpu.memory_space<hbm>>) target(%arg13 : memref<80x128xf32, #tpu.memory_space<vmem>>) offsets(%arg7 : memref<80xi32, #tpu.memory_space<vmem>>) semaphore(%arg22 : memref<!tpu.dma_semaphore, #tpu.memory_space<semaphore_mem>>)
    %scan3A = arith.constant 0 : i32
    %scan3A_69 = arith.constant 0 : i32
    %scan3A_70 = arith.constant 83 : i32
    %scan3A_71 = arith.addi %scan3A_69, %scan3A_70 : i32
    %scan3A_72 = arith.constant 1 : i32
    %scan3A_73 = scf.for %scan3A_97 = %scan3A_69 to %scan3A_71 step %scan3A_72 iter_args(%scan3A_98 = %scan3A) -> (i32)  : i32 {
      %mul3A_99 = arith.constant 3 : i32
      %mul3A_100 = arith.muli %mul3A_99, %scan3A_97 : i32
      %add3A_101 = arith.constant 0 : i32
      %add3A_102 = arith.addi %mul3A_100, %add3A_101 : i32
      %dma_wait3A_103 = arith.constant 0 : i32
      %dma_wait3A_104 = arith.constant 0 : i32
      %dma_wait3A_105 = tpu.memref_slice %arg2[%dma_wait3A_103, %dma_wait3A_104] : memref<20000x128xf32, #tpu.memory_space<hbm>> -> memref<20000x128xf32, #tpu.memory_space<hbm>>
      tpu.wait_indirect_dma semaphore(%arg21 : memref<!tpu.dma_semaphore, #tpu.memory_space<semaphore_mem>>) src(%dma_wait3A_105 : memref<20000x128xf32, #tpu.memory_space<hbm>>) dst(%arg12 : memref<80x128xf32, #tpu.memory_space<vmem>>)
      %add3A_106 = arith.constant 3 : i32
      %add3A_107 = arith.addi %add3A_102, %add3A_106 : i32
      %mul3A_108 = arith.constant 320000 : i32
      %mul3A_109 = arith.muli %arg0, %mul3A_108 : i32
      %mul3A_110 = arith.constant 20000 : i32
      %mul3A_111 = arith.muli %arg1, %mul3A_110 : i32
      %add3A_112 = arith.addi %mul3A_109, %mul3A_111 : i32
      %mul3A_113 = arith.constant 80 : i32
      %mul3A_114 = arith.muli %add3A_107, %mul3A_113 : i32
      %add3A_115 = arith.addi %add3A_112, %mul3A_114 : i32
      %multiple_of3A_116 = tpu.assume_multiple %add3A_115, 8 : i32
      %dma_start3A_117 = tpu.memref_slice %arg3[%multiple_of3A_116] : memref<640000xi32, #tpu.memory_space<hbm>> -> memref<80xi32, #tpu.memory_space<hbm>>
      %dma_start3A_118 = tpu.memref_slice %arg3[%multiple_of3A_116] : memref<640000xi32, #tpu.memory_space<hbm>> -> memref<80xi32, #tpu.memory_space<hbm>>
      tpu.enqueue_dma source(%dma_start3A_118 : memref<80xi32, #tpu.memory_space<hbm>>) target(%arg6 : memref<80xi32, #tpu.memory_space<vmem>>) target_semaphore(%arg15 : memref<!tpu.dma_semaphore, #tpu.memory_space<semaphore_mem>>)
      %mul3A_119 = arith.constant 20000 : i32
      %mul3A_120 = arith.muli %arg1, %mul3A_119 : i32
      %mul3A_121 = arith.constant 80 : i32
      %mul3A_122 = arith.muli %add3A_102, %mul3A_121 : i32
      %add3A_123 = arith.addi %mul3A_120, %mul3A_122 : i32
      %dma_wait3A_124 = tpu.memref_slice %arg4[%add3A_123] : memref<320000xi32, #tpu.memory_space<hbm>> -> memref<80xi32, #tpu.memory_space<hbm>>
      %dma_wait3A_125 = tpu.memref_slice %arg4[%add3A_123] : memref<320000xi32, #tpu.memory_space<hbm>> -> memref<80xi32, #tpu.memory_space<hbm>>
      tpu.wait_dma2 semaphore(%arg18 : memref<!tpu.dma_semaphore, #tpu.memory_space<semaphore_mem>>) src(%dma_wait3A_125 : memref<80xi32, #tpu.memory_space<hbm>>) dst(%arg9 : memref<80xi32, #tpu.memory_space<vmem>>)
      %dma_start3A_126 = arith.constant 0 : i32
      %dma_start3A_127 = arith.constant 0 : i32
      %dma_start3A_128 = tpu.memref_slice %arg27[%dma_start3A_126, %dma_start3A_127] : memref<10000x128xf32, #tpu.memory_space<vmem_shared>> -> memref<10000x128xf32, #tpu.memory_space<vmem_shared>>
      tpu.enqueue_indirect_dma source(%arg12 : memref<80x128xf32, #tpu.memory_space<vmem>>) target(%dma_start3A_128 : memref<10000x128xf32, #tpu.memory_space<vmem_shared>>) offsets(%arg9 : memref<80xi32, #tpu.memory_space<vmem>>) semaphore(%arg24 : memref<!tpu.dma_semaphore, #tpu.memory_space<semaphore_mem>>) {add = true}
      %gt3A = arith.constant 0 : i32
      %gt3A_129 = arith.cmpi sgt, %scan3A_97, %gt3A : i32
      %convert_element_type3A_130 = arith.extui %gt3A_129 : i1 to i32
      %cond3A_131 = arith.constant 0 : i32
      %cond3A_132 = arith.cmpi ne, %convert_element_type3A_130, %cond3A_131 : i32
      scf.if %cond3A_132 {
        %dma_wait3A_239 = arith.constant 0 : i32
        %dma_wait3A_240 = arith.constant 0 : i32
        %dma_wait3A_241 = tpu.memref_slice %arg27[%dma_wait3A_239, %dma_wait3A_240] : memref<10000x128xf32, #tpu.memory_space<vmem_shared>> -> memref<10000x128xf32, #tpu.memory_space<vmem_shared>>
        tpu.wait_indirect_dma semaphore(%arg26 : memref<!tpu.dma_semaphore, #tpu.memory_space<semaphore_mem>>) src(%arg14 : memref<80x128xf32, #tpu.memory_space<vmem>>) dst(%dma_wait3A_241 : memref<10000x128xf32, #tpu.memory_space<vmem_shared>>)
      } else {
      }
      %add3A_133 = arith.constant 2 : i32
      %add3A_134 = arith.addi %add3A_102, %add3A_133 : i32
      %mul3A_135 = arith.constant 20000 : i32
      %mul3A_136 = arith.muli %arg1, %mul3A_135 : i32
      %mul3A_137 = arith.constant 80 : i32
      %mul3A_138 = arith.muli %add3A_134, %mul3A_137 : i32
      %add3A_139 = arith.addi %mul3A_136, %mul3A_138 : i32
      %dma_start3A_140 = tpu.memref_slice %arg4[%add3A_139] : memref<320000xi32, #tpu.memory_space<hbm>> -> memref<80xi32, #tpu.memory_space<hbm>>
      %dma_start3A_141 = tpu.memref_slice %arg4[%add3A_139] : memref<320000xi32, #tpu.memory_space<hbm>> -> memref<80xi32, #tpu.memory_space<hbm>>
      tpu.enqueue_dma source(%dma_start3A_141 : memref<80xi32, #tpu.memory_space<hbm>>) target(%arg11 : memref<80xi32, #tpu.memory_space<vmem>>) target_semaphore(%arg20 : memref<!tpu.dma_semaphore, #tpu.memory_space<semaphore_mem>>)
      %add3A_142 = arith.constant 2 : i32
      %add3A_143 = arith.addi %add3A_102, %add3A_142 : i32
      %mul3A_144 = arith.constant 320000 : i32
      %mul3A_145 = arith.muli %arg0, %mul3A_144 : i32
      %mul3A_146 = arith.constant 20000 : i32
      %mul3A_147 = arith.muli %arg1, %mul3A_146 : i32
      %add3A_148 = arith.addi %mul3A_145, %mul3A_147 : i32
      %mul3A_149 = arith.constant 80 : i32
      %mul3A_150 = arith.muli %add3A_143, %mul3A_149 : i32
      %add3A_151 = arith.addi %add3A_148, %mul3A_150 : i32
      %multiple_of3A_152 = tpu.assume_multiple %add3A_151, 8 : i32
      %dma_wait3A_153 = tpu.memref_slice %arg3[%multiple_of3A_152] : memref<640000xi32, #tpu.memory_space<hbm>> -> memref<80xi32, #tpu.memory_space<hbm>>
      %dma_wait3A_154 = tpu.memref_slice %arg3[%multiple_of3A_152] : memref<640000xi32, #tpu.memory_space<hbm>> -> memref<80xi32, #tpu.memory_space<hbm>>
      tpu.wait_dma2 semaphore(%arg17 : memref<!tpu.dma_semaphore, #tpu.memory_space<semaphore_mem>>) src(%dma_wait3A_154 : memref<80xi32, #tpu.memory_space<hbm>>) dst(%arg8 : memref<80xi32, #tpu.memory_space<vmem>>)
      %dma_start3A_155 = arith.constant 0 : i32
      %dma_start3A_156 = arith.constant 0 : i32
      %dma_start3A_157 = tpu.memref_slice %arg2[%dma_start3A_155, %dma_start3A_156] : memref<20000x128xf32, #tpu.memory_space<hbm>> -> memref<20000x128xf32, #tpu.memory_space<hbm>>
      tpu.enqueue_indirect_dma source(%dma_start3A_157 : memref<20000x128xf32, #tpu.memory_space<hbm>>) target(%arg14 : memref<80x128xf32, #tpu.memory_space<vmem>>) offsets(%arg8 : memref<80xi32, #tpu.memory_space<vmem>>) semaphore(%arg23 : memref<!tpu.dma_semaphore, #tpu.memory_space<semaphore_mem>>)
      %mul3A_158 = arith.constant 3 : i32
      %mul3A_159 = arith.muli %mul3A_158, %scan3A_97 : i32
      %add3A_160 = arith.constant 1 : i32
      %add3A_161 = arith.addi %mul3A_159, %add3A_160 : i32
      %dma_wait3A_162 = arith.constant 0 : i32
      %dma_wait3A_163 = arith.constant 0 : i32
      %dma_wait3A_164 = tpu.memref_slice %arg2[%dma_wait3A_162, %dma_wait3A_163] : memref<20000x128xf32, #tpu.memory_space<hbm>> -> memref<20000x128xf32, #tpu.memory_space<hbm>>
      tpu.wait_indirect_dma semaphore(%arg22 : memref<!tpu.dma_semaphore, #tpu.memory_space<semaphore_mem>>) src(%dma_wait3A_164 : memref<20000x128xf32, #tpu.memory_space<hbm>>) dst(%arg13 : memref<80x128xf32, #tpu.memory_space<vmem>>)
      %lt3A_165 = arith.constant 82 : i32
      %lt3A_166 = arith.cmpi slt, %scan3A_97, %lt3A_165 : i32
      %convert_element_type3A_167 = arith.extui %lt3A_166 : i1 to i32
      %cond3A_168 = arith.constant 0 : i32
      %cond3A_169 = arith.cmpi ne, %convert_element_type3A_167, %cond3A_168 : i32
      scf.if %cond3A_169 {
        %add3A_239 = arith.constant 3 : i32
        %add3A_240 = arith.addi %add3A_161, %add3A_239 : i32
        %mul3A_241 = arith.constant 320000 : i32
        %mul3A_242 = arith.muli %arg0, %mul3A_241 : i32
        %mul3A_243 = arith.constant 20000 : i32
        %mul3A_244 = arith.muli %arg1, %mul3A_243 : i32
        %add3A_245 = arith.addi %mul3A_242, %mul3A_244 : i32
        %mul3A_246 = arith.constant 80 : i32
        %mul3A_247 = arith.muli %add3A_240, %mul3A_246 : i32
        %add3A_248 = arith.addi %add3A_245, %mul3A_247 : i32
        %multiple_of3A_249 = tpu.assume_multiple %add3A_248, 8 : i32
        %dma_start3A_250 = tpu.memref_slice %arg3[%multiple_of3A_249] : memref<640000xi32, #tpu.memory_space<hbm>> -> memref<80xi32, #tpu.memory_space<hbm>>
        %dma_start3A_251 = tpu.memref_slice %arg3[%multiple_of3A_249] : memref<640000xi32, #tpu.memory_space<hbm>> -> memref<80xi32, #tpu.memory_space<hbm>>
        tpu.enqueue_dma source(%dma_start3A_251 : memref<80xi32, #tpu.memory_space<hbm>>) target(%arg7 : memref<80xi32, #tpu.memory_space<vmem>>) target_semaphore(%arg16 : memref<!tpu.dma_semaphore, #tpu.memory_space<semaphore_mem>>)
      } else {
      }
      %mul3A_170 = arith.constant 20000 : i32
      %mul3A_171 = arith.muli %arg1, %mul3A_170 : i32
      %mul3A_172 = arith.constant 80 : i32
      %mul3A_173 = arith.muli %add3A_161, %mul3A_172 : i32
      %add3A_174 = arith.addi %mul3A_171, %mul3A_173 : i32
      %dma_wait3A_175 = tpu.memref_slice %arg4[%add3A_174] : memref<320000xi32, #tpu.memory_space<hbm>> -> memref<80xi32, #tpu.memory_space<hbm>>
      %dma_wait3A_176 = tpu.memref_slice %arg4[%add3A_174] : memref<320000xi32, #tpu.memory_space<hbm>> -> memref<80xi32, #tpu.memory_space<hbm>>
      tpu.wait_dma2 semaphore(%arg19 : memref<!tpu.dma_semaphore, #tpu.memory_space<semaphore_mem>>) src(%dma_wait3A_176 : memref<80xi32, #tpu.memory_space<hbm>>) dst(%arg10 : memref<80xi32, #tpu.memory_space<vmem>>)
      %dma_start3A_177 = arith.constant 0 : i32
      %dma_start3A_178 = arith.constant 0 : i32
      %dma_start3A_179 = tpu.memref_slice %arg27[%dma_start3A_177, %dma_start3A_178] : memref<10000x128xf32, #tpu.memory_space<vmem_shared>> -> memref<10000x128xf32, #tpu.memory_space<vmem_shared>>
      tpu.enqueue_indirect_dma source(%arg13 : memref<80x128xf32, #tpu.memory_space<vmem>>) target(%dma_start3A_179 : memref<10000x128xf32, #tpu.memory_space<vmem_shared>>) offsets(%arg10 : memref<80xi32, #tpu.memory_space<vmem>>) semaphore(%arg25 : memref<!tpu.dma_semaphore, #tpu.memory_space<semaphore_mem>>) {add = true}
      %dma_wait3A_180 = arith.constant 0 : i32
      %dma_wait3A_181 = arith.constant 0 : i32
      %dma_wait3A_182 = tpu.memref_slice %arg27[%dma_wait3A_180, %dma_wait3A_181] : memref<10000x128xf32, #tpu.memory_space<vmem_shared>> -> memref<10000x128xf32, #tpu.memory_space<vmem_shared>>
      tpu.wait_indirect_dma semaphore(%arg24 : memref<!tpu.dma_semaphore, #tpu.memory_space<semaphore_mem>>) src(%arg12 : memref<80x128xf32, #tpu.memory_space<vmem>>) dst(%dma_wait3A_182 : memref<10000x128xf32, #tpu.memory_space<vmem_shared>>)
      %add3A_183 = arith.constant 2 : i32
      %add3A_184 = arith.addi %add3A_161, %add3A_183 : i32
      %mul3A_185 = arith.constant 20000 : i32
      %mul3A_186 = arith.muli %arg1, %mul3A_185 : i32
      %mul3A_187 = arith.constant 80 : i32
      %mul3A_188 = arith.muli %add3A_184, %mul3A_187 : i32
      %add3A_189 = arith.addi %mul3A_186, %mul3A_188 : i32
      %dma_start3A_190 = tpu.memref_slice %arg4[%add3A_189] : memref<320000xi32, #tpu.memory_space<hbm>> -> memref<80xi32, #tpu.memory_space<hbm>>
      %dma_start3A_191 = tpu.memref_slice %arg4[%add3A_189] : memref<320000xi32, #tpu.memory_space<hbm>> -> memref<80xi32, #tpu.memory_space<hbm>>
      tpu.enqueue_dma source(%dma_start3A_191 : memref<80xi32, #tpu.memory_space<hbm>>) target(%arg9 : memref<80xi32, #tpu.memory_space<vmem>>) target_semaphore(%arg18 : memref<!tpu.dma_semaphore, #tpu.memory_space<semaphore_mem>>)
      %add3A_192 = arith.constant 2 : i32
      %add3A_193 = arith.addi %add3A_161, %add3A_192 : i32
      %mul3A_194 = arith.constant 320000 : i32
      %mul3A_195 = arith.muli %arg0, %mul3A_194 : i32
      %mul3A_196 = arith.constant 20000 : i32
      %mul3A_197 = arith.muli %arg1, %mul3A_196 : i32
      %add3A_198 = arith.addi %mul3A_195, %mul3A_197 : i32
      %mul3A_199 = arith.constant 80 : i32
      %mul3A_200 = arith.muli %add3A_193, %mul3A_199 : i32
      %add3A_201 = arith.addi %add3A_198, %mul3A_200 : i32
      %multiple_of3A_202 = tpu.assume_multiple %add3A_201, 8 : i32
      %dma_wait3A_203 = tpu.memref_slice %arg3[%multiple_of3A_202] : memref<640000xi32, #tpu.memory_space<hbm>> -> memref<80xi32, #tpu.memory_space<hbm>>
      %dma_wait3A_204 = tpu.memref_slice %arg3[%multiple_of3A_202] : memref<640000xi32, #tpu.memory_space<hbm>> -> memref<80xi32, #tpu.memory_space<hbm>>
      tpu.wait_dma2 semaphore(%arg15 : memref<!tpu.dma_semaphore, #tpu.memory_space<semaphore_mem>>) src(%dma_wait3A_204 : memref<80xi32, #tpu.memory_space<hbm>>) dst(%arg6 : memref<80xi32, #tpu.memory_space<vmem>>)
      %dma_start3A_205 = arith.constant 0 : i32
      %dma_start3A_206 = arith.constant 0 : i32
      %dma_start3A_207 = tpu.memref_slice %arg2[%dma_start3A_205, %dma_start3A_206] : memref<20000x128xf32, #tpu.memory_space<hbm>> -> memref<20000x128xf32, #tpu.memory_space<hbm>>
      tpu.enqueue_indirect_dma source(%dma_start3A_207 : memref<20000x128xf32, #tpu.memory_space<hbm>>) target(%arg12 : memref<80x128xf32, #tpu.memory_space<vmem>>) offsets(%arg6 : memref<80xi32, #tpu.memory_space<vmem>>) semaphore(%arg21 : memref<!tpu.dma_semaphore, #tpu.memory_space<semaphore_mem>>)
      %mul3A_208 = arith.constant 3 : i32
      %mul3A_209 = arith.muli %mul3A_208, %scan3A_97 : i32
      %add3A_210 = arith.constant 2 : i32
      %add3A_211 = arith.addi %mul3A_209, %add3A_210 : i32
      %dma_wait3A_212 = arith.constant 0 : i32
      %dma_wait3A_213 = arith.constant 0 : i32
      %dma_wait3A_214 = tpu.memref_slice %arg2[%dma_wait3A_212, %dma_wait3A_213] : memref<20000x128xf32, #tpu.memory_space<hbm>> -> memref<20000x128xf32, #tpu.memory_space<hbm>>
      tpu.wait_indirect_dma semaphore(%arg23 : memref<!tpu.dma_semaphore, #tpu.memory_space<semaphore_mem>>) src(%dma_wait3A_214 : memref<20000x128xf32, #tpu.memory_space<hbm>>) dst(%arg14 : memref<80x128xf32, #tpu.memory_space<vmem>>)
      %lt3A_215 = arith.constant 82 : i32
      %lt3A_216 = arith.cmpi slt, %scan3A_97, %lt3A_215 : i32
      %convert_element_type3A_217 = arith.extui %lt3A_216 : i1 to i32
      %cond3A_218 = arith.constant 0 : i32
      %cond3A_219 = arith.cmpi ne, %convert_element_type3A_217, %cond3A_218 : i32
      scf.if %cond3A_219 {
        %add3A_239 = arith.constant 3 : i32
        %add3A_240 = arith.addi %add3A_211, %add3A_239 : i32
        %mul3A_241 = arith.constant 320000 : i32
        %mul3A_242 = arith.muli %arg0, %mul3A_241 : i32
        %mul3A_243 = arith.constant 20000 : i32
        %mul3A_244 = arith.muli %arg1, %mul3A_243 : i32
        %add3A_245 = arith.addi %mul3A_242, %mul3A_244 : i32
        %mul3A_246 = arith.constant 80 : i32
        %mul3A_247 = arith.muli %add3A_240, %mul3A_246 : i32
        %add3A_248 = arith.addi %add3A_245, %mul3A_247 : i32
        %multiple_of3A_249 = tpu.assume_multiple %add3A_248, 8 : i32
        %dma_start3A_250 = tpu.memref_slice %arg3[%multiple_of3A_249] : memref<640000xi32, #tpu.memory_space<hbm>> -> memref<80xi32, #tpu.memory_space<hbm>>
        %dma_start3A_251 = tpu.memref_slice %arg3[%multiple_of3A_249] : memref<640000xi32, #tpu.memory_space<hbm>> -> memref<80xi32, #tpu.memory_space<hbm>>
        tpu.enqueue_dma source(%dma_start3A_251 : memref<80xi32, #tpu.memory_space<hbm>>) target(%arg8 : memref<80xi32, #tpu.memory_space<vmem>>) target_semaphore(%arg17 : memref<!tpu.dma_semaphore, #tpu.memory_space<semaphore_mem>>)
      } else {
      }
      %mul3A_220 = arith.constant 20000 : i32
      %mul3A_221 = arith.muli %arg1, %mul3A_220 : i32
      %mul3A_222 = arith.constant 80 : i32
      %mul3A_223 = arith.muli %add3A_211, %mul3A_222 : i32
      %add3A_224 = arith.addi %mul3A_221, %mul3A_223 : i32
      %dma_wait3A_225 = tpu.memref_slice %arg4[%add3A_224] : memref<320000xi32, #tpu.memory_space<hbm>> -> memref<80xi32, #tpu.memory_space<hbm>>
      %dma_wait3A_226 = tpu.memref_slice %arg4[%add3A_224] : memref<320000xi32, #tpu.memory_space<hbm>> -> memref<80xi32, #tpu.memory_space<hbm>>
      tpu.wait_dma2 semaphore(%arg20 : memref<!tpu.dma_semaphore, #tpu.memory_space<semaphore_mem>>) src(%dma_wait3A_226 : memref<80xi32, #tpu.memory_space<hbm>>) dst(%arg11 : memref<80xi32, #tpu.memory_space<vmem>>)
      %dma_start3A_227 = arith.constant 0 : i32
      %dma_start3A_228 = arith.constant 0 : i32
      %dma_start3A_229 = tpu.memref_slice %arg27[%dma_start3A_227, %dma_start3A_228] : memref<10000x128xf32, #tpu.memory_space<vmem_shared>> -> memref<10000x128xf32, #tpu.memory_space<vmem_shared>>
      tpu.enqueue_indirect_dma source(%arg14 : memref<80x128xf32, #tpu.memory_space<vmem>>) target(%dma_start3A_229 : memref<10000x128xf32, #tpu.memory_space<vmem_shared>>) offsets(%arg11 : memref<80xi32, #tpu.memory_space<vmem>>) semaphore(%arg26 : memref<!tpu.dma_semaphore, #tpu.memory_space<semaphore_mem>>) {add = true}
      %dma_wait3A_230 = arith.constant 0 : i32
      %dma_wait3A_231 = arith.constant 0 : i32
      %dma_wait3A_232 = tpu.memref_slice %arg27[%dma_wait3A_230, %dma_wait3A_231] : memref<10000x128xf32, #tpu.memory_space<vmem_shared>> -> memref<10000x128xf32, #tpu.memory_space<vmem_shared>>
      tpu.wait_indirect_dma semaphore(%arg25 : memref<!tpu.dma_semaphore, #tpu.memory_space<semaphore_mem>>) src(%arg13 : memref<80x128xf32, #tpu.memory_space<vmem>>) dst(%dma_wait3A_232 : memref<10000x128xf32, #tpu.memory_space<vmem_shared>>)
      %lt3A_233 = arith.constant 82 : i32
      %lt3A_234 = arith.cmpi slt, %scan3A_97, %lt3A_233 : i32
      %convert_element_type3A_235 = arith.extui %lt3A_234 : i1 to i32
      %cond3A_236 = arith.constant 0 : i32
      %cond3A_237 = arith.cmpi ne, %convert_element_type3A_235, %cond3A_236 : i32
      scf.if %cond3A_237 {
        %add3A_239 = arith.constant 2 : i32
        %add3A_240 = arith.addi %add3A_211, %add3A_239 : i32
        %mul3A_241 = arith.constant 20000 : i32
        %mul3A_242 = arith.muli %arg1, %mul3A_241 : i32
        %mul3A_243 = arith.constant 80 : i32
        %mul3A_244 = arith.muli %add3A_240, %mul3A_243 : i32
        %add3A_245 = arith.addi %mul3A_242, %mul3A_244 : i32
        %dma_start3A_246 = tpu.memref_slice %arg4[%add3A_245] : memref<320000xi32, #tpu.memory_space<hbm>> -> memref<80xi32, #tpu.memory_space<hbm>>
        %dma_start3A_247 = tpu.memref_slice %arg4[%add3A_245] : memref<320000xi32, #tpu.memory_space<hbm>> -> memref<80xi32, #tpu.memory_space<hbm>>
        tpu.enqueue_dma source(%dma_start3A_247 : memref<80xi32, #tpu.memory_space<hbm>>) target(%arg10 : memref<80xi32, #tpu.memory_space<vmem>>) target_semaphore(%arg19 : memref<!tpu.dma_semaphore, #tpu.memory_space<semaphore_mem>>)
        %add3A_248 = arith.constant 2 : i32
        %add3A_249 = arith.addi %add3A_211, %add3A_248 : i32
        %mul3A_250 = arith.constant 320000 : i32
        %mul3A_251 = arith.muli %arg0, %mul3A_250 : i32
        %mul3A_252 = arith.constant 20000 : i32
        %mul3A_253 = arith.muli %arg1, %mul3A_252 : i32
        %add3A_254 = arith.addi %mul3A_251, %mul3A_253 : i32
        %mul3A_255 = arith.constant 80 : i32
        %mul3A_256 = arith.muli %add3A_249, %mul3A_255 : i32
        %add3A_257 = arith.addi %add3A_254, %mul3A_256 : i32
        %multiple_of3A_258 = tpu.assume_multiple %add3A_257, 8 : i32
        %dma_wait3A_259 = tpu.memref_slice %arg3[%multiple_of3A_258] : memref<640000xi32, #tpu.memory_space<hbm>> -> memref<80xi32, #tpu.memory_space<hbm>>
        %dma_wait3A_260 = tpu.memref_slice %arg3[%multiple_of3A_258] : memref<640000xi32, #tpu.memory_space<hbm>> -> memref<80xi32, #tpu.memory_space<hbm>>
        tpu.wait_dma2 semaphore(%arg16 : memref<!tpu.dma_semaphore, #tpu.memory_space<semaphore_mem>>) src(%dma_wait3A_260 : memref<80xi32, #tpu.memory_space<hbm>>) dst(%arg7 : memref<80xi32, #tpu.memory_space<vmem>>)
        %dma_start3A_261 = arith.constant 0 : i32
        %dma_start3A_262 = arith.constant 0 : i32
        %dma_start3A_263 = tpu.memref_slice %arg2[%dma_start3A_261, %dma_start3A_262] : memref<20000x128xf32, #tpu.memory_space<hbm>> -> memref<20000x128xf32, #tpu.memory_space<hbm>>
        tpu.enqueue_indirect_dma source(%dma_start3A_263 : memref<20000x128xf32, #tpu.memory_space<hbm>>) target(%arg13 : memref<80x128xf32, #tpu.memory_space<vmem>>) offsets(%arg7 : memref<80xi32, #tpu.memory_space<vmem>>) semaphore(%arg22 : memref<!tpu.dma_semaphore, #tpu.memory_space<semaphore_mem>>)
      } else {
      }
      %scan3A_238 = arith.constant 0 : i32
      scf.yield %scan3A_238 : i32
    }
    %scan3A_74 = arith.constant 83 : i32
    %dma_wait3A_75 = arith.constant 0 : i32
    %dma_wait3A_76 = arith.constant 0 : i32
    %dma_wait3A_77 = tpu.memref_slice %arg2[%dma_wait3A_75, %dma_wait3A_76] : memref<20000x128xf32, #tpu.memory_space<hbm>> -> memref<20000x128xf32, #tpu.memory_space<hbm>>
    tpu.wait_indirect_dma semaphore(%arg21 : memref<!tpu.dma_semaphore, #tpu.memory_space<semaphore_mem>>) src(%dma_wait3A_77 : memref<20000x128xf32, #tpu.memory_space<hbm>>) dst(%arg12 : memref<80x128xf32, #tpu.memory_space<vmem>>)
    %mul3A_78 = arith.constant 20000 : i32
    %mul3A_79 = arith.muli %arg1, %mul3A_78 : i32
    %add3A_80 = arith.constant 19920 : i32
    %add3A_81 = arith.addi %mul3A_79, %add3A_80 : i32
    %dma_wait3A_82 = tpu.memref_slice %arg4[%add3A_81] : memref<320000xi32, #tpu.memory_space<hbm>> -> memref<80xi32, #tpu.memory_space<hbm>>
    %dma_wait3A_83 = tpu.memref_slice %arg4[%add3A_81] : memref<320000xi32, #tpu.memory_space<hbm>> -> memref<80xi32, #tpu.memory_space<hbm>>
    tpu.wait_dma2 semaphore(%arg18 : memref<!tpu.dma_semaphore, #tpu.memory_space<semaphore_mem>>) src(%dma_wait3A_83 : memref<80xi32, #tpu.memory_space<hbm>>) dst(%arg9 : memref<80xi32, #tpu.memory_space<vmem>>)
    "tpu.region"() ({
      %run_scoped3A = tpu.sem_alloc : memref<!tpu.dma_semaphore, #tpu.memory_space<semaphore_mem>>
      %dma_start3A_97 = arith.constant 0 : i32
      %dma_start3A_98 = arith.constant 0 : i32
      %dma_start3A_99 = tpu.memref_slice %arg27[%dma_start3A_97, %dma_start3A_98] : memref<10000x128xf32, #tpu.memory_space<vmem_shared>> -> memref<10000x128xf32, #tpu.memory_space<vmem_shared>>
      tpu.enqueue_indirect_dma source(%arg12 : memref<80x128xf32, #tpu.memory_space<vmem>>) target(%dma_start3A_99 : memref<10000x128xf32, #tpu.memory_space<vmem_shared>>) offsets(%arg9 : memref<80xi32, #tpu.memory_space<vmem>>) semaphore(%run_scoped3A : memref<!tpu.dma_semaphore, #tpu.memory_space<semaphore_mem>>) {add = true}
      %dma_wait3A_100 = arith.constant 0 : i32
      %dma_wait3A_101 = arith.constant 0 : i32
      %dma_wait3A_102 = tpu.memref_slice %arg27[%dma_wait3A_100, %dma_wait3A_101] : memref<10000x128xf32, #tpu.memory_space<vmem_shared>> -> memref<10000x128xf32, #tpu.memory_space<vmem_shared>>
      tpu.wait_indirect_dma semaphore(%run_scoped3A : memref<!tpu.dma_semaphore, #tpu.memory_space<semaphore_mem>>) src(%arg12 : memref<80x128xf32, #tpu.memory_space<vmem>>) dst(%dma_wait3A_102 : memref<10000x128xf32, #tpu.memory_space<vmem_shared>>)
      tpu.yield
    }) : () -> ()
    %dma_wait3A_84 = arith.constant 0 : i32
    %dma_wait3A_85 = arith.constant 0 : i32
    %dma_wait3A_86 = tpu.memref_slice %arg27[%dma_wait3A_84, %dma_wait3A_85] : memref<10000x128xf32, #tpu.memory_space<vmem_shared>> -> memref<10000x128xf32, #tpu.memory_space<vmem_shared>>
    tpu.wait_indirect_dma semaphore(%arg26 : memref<!tpu.dma_semaphore, #tpu.memory_space<semaphore_mem>>) src(%arg14 : memref<80x128xf32, #tpu.memory_space<vmem>>) dst(%dma_wait3A_86 : memref<10000x128xf32, #tpu.memory_space<vmem_shared>>)
    %barrier3A = arith.constant 0 : index
    tpu.barrier barrier_id(%barrier3A)
    %lt3A_87 = arith.constant 15 : i32
    %lt3A_88 = arith.cmpi slt, %arg1, %lt3A_87 : i32
    %convert_element_type3A_89 = arith.extui %lt3A_88 : i1 to i32
    %cond3A_90 = arith.constant 0 : i32
    %cond3A_91 = arith.cmpi ne, %convert_element_type3A_89, %cond3A_90 : i32
    scf.if %cond3A_91 {
      %mul3A_97 = arith.constant 640 : i32
      %mul3A_98 = arith.muli %arg1, %mul3A_97 : i32
      %mul3A_99 = arith.constant 640 : i32
      %mul3A_100 = arith.muli %arg1, %mul3A_99 : i32
      "tpu.region"() ({
        %run_scoped3A = tpu.sem_alloc : memref<!tpu.dma_semaphore, #tpu.memory_space<semaphore_mem>>
        %dma_start3A_101 = arith.constant 0 : i32
        %dma_start3A_102 = tpu.memref_slice %arg5[%arg0, %mul3A_100, %dma_start3A_101] : memref<2x10000x128xf32, #tpu.memory_space<hbm>> -> memref<1x640x128xf32, #tpu.memory_space<hbm>>
        %dma_start3A_103 = tpu.memref_squeeze %dma_start3A_102 : memref<1x640x128xf32, #tpu.memory_space<hbm>> -> memref<640x128xf32, #tpu.memory_space<hbm>>
        %dma_start3A_104 = arith.constant 0 : i32
        %dma_start3A_105 = tpu.memref_slice %arg27[%mul3A_98, %dma_start3A_104] : memref<10000x128xf32, #tpu.memory_space<vmem_shared>> -> memref<640x128xf32, #tpu.memory_space<vmem_shared>>
        tpu.enqueue_dma source(%dma_start3A_105 : memref<640x128xf32, #tpu.memory_space<vmem_shared>>) target(%dma_start3A_103 : memref<640x128xf32, #tpu.memory_space<hbm>>) target_semaphore(%run_scoped3A : memref<!tpu.dma_semaphore, #tpu.memory_space<semaphore_mem>>)
        %dma_wait3A_106 = arith.constant 0 : i32
        %dma_wait3A_107 = tpu.memref_slice %arg5[%arg0, %mul3A_100, %dma_wait3A_106] : memref<2x10000x128xf32, #tpu.memory_space<hbm>> -> memref<1x640x128xf32, #tpu.memory_space<hbm>>
        %dma_wait3A_108 = tpu.memref_squeeze %dma_wait3A_107 : memref<1x640x128xf32, #tpu.memory_space<hbm>> -> memref<640x128xf32, #tpu.memory_space<hbm>>
        %dma_wait3A_109 = arith.constant 0 : i32
        %dma_wait3A_110 = tpu.memref_slice %arg27[%mul3A_98, %dma_wait3A_109] : memref<10000x128xf32, #tpu.memory_space<vmem_shared>> -> memref<640x128xf32, #tpu.memory_space<vmem_shared>>
        tpu.wait_dma2 semaphore(%run_scoped3A : memref<!tpu.dma_semaphore, #tpu.memory_space<semaphore_mem>>) src(%dma_wait3A_110 : memref<640x128xf32, #tpu.memory_space<vmem_shared>>) dst(%dma_wait3A_108 : memref<640x128xf32, #tpu.memory_space<hbm>>)
        tpu.yield
      }) : () -> ()
    } else {
    }
    %eq3A_92 = arith.constant 15 : i32
    %eq3A_93 = arith.cmpi eq, %arg1, %eq3A_92 : i32
    %convert_element_type3A_94 = arith.extui %eq3A_93 : i1 to i32
    %cond3A_95 = arith.constant 0 : i32
    %cond3A_96 = arith.cmpi ne, %convert_element_type3A_94, %cond3A_95 : i32
    scf.if %cond3A_96 {
      "tpu.region"() ({
        %run_scoped3A = tpu.sem_alloc : memref<!tpu.dma_semaphore, #tpu.memory_space<semaphore_mem>>
        %dma_start3A_97 = arith.constant 9600 : i32
        %dma_start3A_98 = arith.constant 0 : i32
        %dma_start3A_99 = tpu.memref_slice %arg5[%arg0, %dma_start3A_97, %dma_start3A_98] : memref<2x10000x128xf32, #tpu.memory_space<hbm>> -> memref<1x400x128xf32, #tpu.memory_space<hbm>>
        %dma_start3A_100 = tpu.memref_squeeze %dma_start3A_99 : memref<1x400x128xf32, #tpu.memory_space<hbm>> -> memref<400x128xf32, #tpu.memory_space<hbm>>
        %dma_start3A_101 = arith.constant 9600 : i32
        %dma_start3A_102 = arith.constant 0 : i32
        %dma_start3A_103 = tpu.memref_slice %arg27[%dma_start3A_101, %dma_start3A_102] : memref<10000x128xf32, #tpu.memory_space<vmem_shared>> -> memref<400x128xf32, #tpu.memory_space<vmem_shared>>
        tpu.enqueue_dma source(%dma_start3A_103 : memref<400x128xf32, #tpu.memory_space<vmem_shared>>) target(%dma_start3A_100 : memref<400x128xf32, #tpu.memory_space<hbm>>) target_semaphore(%run_scoped3A : memref<!tpu.dma_semaphore, #tpu.memory_space<semaphore_mem>>)
        %dma_wait3A_104 = arith.constant 9600 : i32
        %dma_wait3A_105 = arith.constant 0 : i32
        %dma_wait3A_106 = tpu.memref_slice %arg5[%arg0, %dma_wait3A_104, %dma_wait3A_105] : memref<2x10000x128xf32, #tpu.memory_space<hbm>> -> memref<1x400x128xf32, #tpu.memory_space<hbm>>
        %dma_wait3A_107 = tpu.memref_squeeze %dma_wait3A_106 : memref<1x400x128xf32, #tpu.memory_space<hbm>> -> memref<400x128xf32, #tpu.memory_space<hbm>>
        %dma_wait3A_108 = arith.constant 9600 : i32
        %dma_wait3A_109 = arith.constant 0 : i32
        %dma_wait3A_110 = tpu.memref_slice %arg27[%dma_wait3A_108, %dma_wait3A_109] : memref<10000x128xf32, #tpu.memory_space<vmem_shared>> -> memref<400x128xf32, #tpu.memory_space<vmem_shared>>
        tpu.wait_dma2 semaphore(%run_scoped3A : memref<!tpu.dma_semaphore, #tpu.memory_space<semaphore_mem>>) src(%dma_wait3A_110 : memref<400x128xf32, #tpu.memory_space<vmem_shared>>) dst(%dma_wait3A_107 : memref<400x128xf32, #tpu.memory_space<hbm>>)
        tpu.yield
      }) : () -> ()
    } else {
    }
    return
  }
}

module attributes {stable_mosaic.version = 14 : i64} {
  func.func @_layer0_body(%arg0: i32, %arg1: memref<1000x128xf32, #tpu.memory_space<vmem>>, %arg2: memref<2x1000x16xf32, #tpu.memory_space<vmem>>, %arg3: memref<128x256xf32, #tpu.memory_space<vmem>>, %arg4: memref<2x1000x128xf32, #tpu.memory_space<vmem>>) attributes {dimension_semantics = [#tpu.dimension_semantics<arbitrary>], iteration_bounds = array<i64: 10>, scalar_prefetch = 0 : i64, scratch_operands = 0 : i64, tpu.core_type = #tpu.core_type<tc>, window_params = [{transform_indices = @transform_0, window_bounds = array<i64: 1000, 128>}, {transform_indices = @transform_1, window_bounds = array<i64: 2, 1000, 16>}, {pipeline_mode = #tpu.pipeline_mode<synchronous>, transform_indices = @transform_2, window_bounds = array<i64: 128, 256>}, {transform_indices = @transform_3, window_bounds = array<i64: 2, 1000, 128>}]} {
    %get3A = arith.constant 0 : index
    %get3A_0 = arith.constant 0 : index
    %get3A_1 = arith.constant 0 : index
    %get3A_2 = vector.load %arg2[%get3A, %get3A_0, %get3A_1] : memref<2x1000x16xf32, #tpu.memory_space<vmem>>, vector<1x1000x1xf32>
    %get3A_3 = vector.shape_cast %get3A_2 : vector<1x1000x1xf32> to vector<1000x1xf32>
    %get3A_4 = arith.constant 1 : index
    %get3A_5 = arith.constant 0 : index
    %get3A_6 = arith.constant 0 : index
    %get3A_7 = vector.load %arg2[%get3A_4, %get3A_5, %get3A_6] : memref<2x1000x16xf32, #tpu.memory_space<vmem>>, vector<1x1000x1xf32>
    %get3A_8 = vector.shape_cast %get3A_7 : vector<1x1000x1xf32> to vector<1000x1xf32>
    %add3A = arith.addf %get3A_3, %get3A_8 : vector<1000x1xf32>
    %sub3A = arith.constant 1.000000e+00 : f32
    %sub3A_9 = vector.broadcast %sub3A : f32 to vector<1000x1xf32>
    %sub3A_10 = arith.subf %add3A, %sub3A_9 : vector<1000x1xf32>
    %rsqrt3A = math.rsqrt %sub3A_10 : vector<1000x1xf32>
    %get3A_11 = arith.constant 0 : index
    %get3A_12 = arith.constant 0 : index
    %get3A_13 = vector.load %arg1[%get3A_11, %get3A_12] : memref<1000x128xf32, #tpu.memory_space<vmem>>, vector<1000x128xf32>
    %get3A_14 = arith.constant 0 : index
    %get3A_15 = arith.constant 0 : index
    %get3A_16 = vector.load %arg3[%get3A_14, %get3A_15] : memref<128x256xf32, #tpu.memory_space<vmem>>, vector<128x256xf32>
    %dot_general3A = arith.constant dense<0.000000e+00> : vector<1000x256xf32>
    %dot_general3A_17 = tpu.matmul %get3A_13, %get3A_16, %dot_general3A {dimension_numbers = #tpu.dot_dimension_numbers<[1], [0], [0], [1], [0, 0, 1, 1], [], []>, transpose_lhs_hint = false} : vector<1000x128xf32>, vector<128x256xf32>, vector<1000x256xf32> -> vector<1000x256xf32>
    %mul3A = vector.broadcast %rsqrt3A : vector<1000x1xf32> to vector<1000x256xf32>
    %mul3A_18 = arith.mulf %mul3A, %dot_general3A_17 : vector<1000x256xf32>
    %slice3A = vector.extract_strided_slice %mul3A_18 {offsets = [0, 0], sizes = [1000, 128], strides = [1, 1]} : vector<1000x256xf32> to vector<1000x128xf32>
    %swap3A = arith.constant 0 : index
    %swap3A_19 = arith.constant 0 : index
    %swap3A_20 = arith.constant 0 : index
    %swap3A_21 = vector.load %arg4[%swap3A, %swap3A_19, %swap3A_20] : memref<2x1000x128xf32, #tpu.memory_space<vmem>>, vector<1x1000x128xf32>
    %swap3A_22 = vector.shape_cast %swap3A_21 : vector<1x1000x128xf32> to vector<1000x128xf32>
    %swap3A_23 = vector.shape_cast %slice3A : vector<1000x128xf32> to vector<1x1000x128xf32>
    tpu.vector_store %arg4[%swap3A, %swap3A_19, %swap3A_20], %swap3A_23 {strides = array<i32>} : memref<2x1000x128xf32, #tpu.memory_space<vmem>>, vector<1x1000x128xf32>,
    %slice3A_24 = vector.extract_strided_slice %mul3A_18 {offsets = [0, 128], sizes = [1000, 128], strides = [1, 1]} : vector<1000x256xf32> to vector<1000x128xf32>
    %swap3A_25 = arith.constant 1 : index
    %swap3A_26 = arith.constant 0 : index
    %swap3A_27 = arith.constant 0 : index
    %swap3A_28 = vector.load %arg4[%swap3A_25, %swap3A_26, %swap3A_27] : memref<2x1000x128xf32, #tpu.memory_space<vmem>>, vector<1x1000x128xf32>
    %swap3A_29 = vector.shape_cast %swap3A_28 : vector<1x1000x128xf32> to vector<1000x128xf32>
    %swap3A_30 = vector.shape_cast %slice3A_24 : vector<1000x128xf32> to vector<1x1000x128xf32>
    tpu.vector_store %arg4[%swap3A_25, %swap3A_26, %swap3A_27], %swap3A_30 {strides = array<i32>} : memref<2x1000x128xf32, #tpu.memory_space<vmem>>, vector<1x1000x128xf32>,
    return
  }
  func.func @transform_0(%arg0: i32) -> (i32, i32) {
    %c0_i32 = arith.constant 0 : i32
    %c0_i32_0 = arith.constant 0 : i32
    return %arg0, %c0_i32 : i32, i32
  }
  func.func @transform_1(%arg0: i32) -> (i32, i32, i32) {
    %c0_i32 = arith.constant 0 : i32
    %c0_i32_0 = arith.constant 0 : i32
    %c0_i32_1 = arith.constant 0 : i32
    return %c0_i32, %arg0, %c0_i32_0 : i32, i32, i32
  }
  func.func @transform_2(%arg0: i32) -> (i32, i32) {
    %c0_i32 = arith.constant 0 : i32
    %c0_i32_0 = arith.constant 0 : i32
    %c0_i32_1 = arith.constant 0 : i32
    return %c0_i32, %c0_i32_0 : i32, i32
  }
  func.func @transform_3(%arg0: i32) -> (i32, i32, i32) {
    %c0_i32 = arith.constant 0 : i32
    %c0_i32_0 = arith.constant 0 : i32
    %c0_i32_1 = arith.constant 0 : i32
    return %c0_i32, %arg0, %c0_i32_0 : i32, i32, i32
  }
}

module attributes {stable_mosaic.version = 14 : i64} {
  func.func @_layer_body(%arg0: i32, %arg1: memref<2x1000x128xf32, #tpu.memory_space<vmem>>, %arg2: memref<2x1000x16xf32, #tpu.memory_space<vmem>>, %arg3: memref<1x256xf32, #tpu.memory_space<vmem>>, %arg4: memref<256x256xf32, #tpu.memory_space<vmem>>, %arg5: memref<2x1000x128xf32, #tpu.memory_space<vmem>>) attributes {dimension_semantics = [#tpu.dimension_semantics<arbitrary>], iteration_bounds = array<i64: 10>, scalar_prefetch = 0 : i64, scratch_operands = 0 : i64, tpu.core_type = #tpu.core_type<tc>, window_params = [{transform_indices = @transform_0, window_bounds = array<i64: 2, 1000, 128>}, {transform_indices = @transform_1, window_bounds = array<i64: 2, 1000, 16>}, {pipeline_mode = #tpu.pipeline_mode<synchronous>, transform_indices = @transform_2, window_bounds = array<i64: 1, 256>}, {pipeline_mode = #tpu.pipeline_mode<synchronous>, transform_indices = @transform_3, window_bounds = array<i64: 256, 256>}, {transform_indices = @transform_4, window_bounds = array<i64: 2, 1000, 128>}]} {
    %get3A = arith.constant 0 : index
    %get3A_0 = arith.constant 0 : index
    %get3A_1 = arith.constant 0 : index
    %get3A_2 = vector.load %arg2[%get3A, %get3A_0, %get3A_1] : memref<2x1000x16xf32, #tpu.memory_space<vmem>>, vector<1x1000x1xf32>
    %get3A_3 = vector.shape_cast %get3A_2 : vector<1x1000x1xf32> to vector<1000x1xf32>
    %get3A_4 = arith.constant 1 : index
    %get3A_5 = arith.constant 0 : index
    %get3A_6 = arith.constant 0 : index
    %get3A_7 = vector.load %arg2[%get3A_4, %get3A_5, %get3A_6] : memref<2x1000x16xf32, #tpu.memory_space<vmem>>, vector<1x1000x1xf32>
    %get3A_8 = vector.shape_cast %get3A_7 : vector<1x1000x1xf32> to vector<1000x1xf32>
    %add3A = arith.addf %get3A_3, %get3A_8 : vector<1000x1xf32>
    %sub3A = arith.constant 1.000000e+00 : f32
    %sub3A_9 = vector.broadcast %sub3A : f32 to vector<1000x1xf32>
    %sub3A_10 = arith.subf %add3A, %sub3A_9 : vector<1000x1xf32>
    %rsqrt3A = math.rsqrt %sub3A_10 : vector<1000x1xf32>
    %get3A_11 = arith.constant 0 : index
    %get3A_12 = arith.constant 0 : index
    %get3A_13 = arith.constant 0 : index
    %get3A_14 = vector.load %arg1[%get3A_11, %get3A_12, %get3A_13] : memref<2x1000x128xf32, #tpu.memory_space<vmem>>, vector<1x1000x128xf32>
    %get3A_15 = vector.shape_cast %get3A_14 : vector<1x1000x128xf32> to vector<1000x128xf32>
    %get3A_16 = arith.constant 1 : index
    %get3A_17 = arith.constant 0 : index
    %get3A_18 = arith.constant 0 : index
    %get3A_19 = vector.load %arg1[%get3A_16, %get3A_17, %get3A_18] : memref<2x1000x128xf32, #tpu.memory_space<vmem>>, vector<1x1000x128xf32>
    %get3A_20 = vector.shape_cast %get3A_19 : vector<1x1000x128xf32> to vector<1000x128xf32>
    %concatenate3A = tpu.concatenate %get3A_15, %get3A_20 in 1 : vector<1000x128xf32>, vector<1000x128xf32> -> vector<1000x256xf32>
    %mul3A = vector.broadcast %rsqrt3A : vector<1000x1xf32> to vector<1000x256xf32>
    %mul3A_21 = arith.mulf %mul3A, %concatenate3A : vector<1000x256xf32>
    %get3A_22 = arith.constant 0 : index
    %get3A_23 = arith.constant 0 : index
    %get3A_24 = vector.load %arg3[%get3A_22, %get3A_23] : memref<1x256xf32, #tpu.memory_space<vmem>>, vector<1x256xf32>
    %add3A_25 = vector.broadcast %get3A_24 : vector<1x256xf32> to vector<1000x256xf32>
    %add3A_26 = arith.addf %mul3A_21, %add3A_25 : vector<1000x256xf32>
    %max3A = arith.constant 0.000000e+00 : f32
    %max3A_27 = vector.broadcast %max3A : f32 to vector<1000x256xf32>
    %max3A_28 = arith.maximumf %add3A_26, %max3A_27 : vector<1000x256xf32>
    %get3A_29 = arith.constant 0 : index
    %get3A_30 = arith.constant 0 : index
    %get3A_31 = vector.load %arg4[%get3A_29, %get3A_30] : memref<256x256xf32, #tpu.memory_space<vmem>>, vector<256x256xf32>
    %dot_general3A = arith.constant dense<0.000000e+00> : vector<1000x256xf32>
    %dot_general3A_32 = tpu.matmul %max3A_28, %get3A_31, %dot_general3A {dimension_numbers = #tpu.dot_dimension_numbers<[1], [0], [0], [1], [0, 0, 1, 1], [], []>, transpose_lhs_hint = false} : vector<1000x256xf32>, vector<256x256xf32>, vector<1000x256xf32> -> vector<1000x256xf32>
    %mul3A_33 = vector.broadcast %rsqrt3A : vector<1000x1xf32> to vector<1000x256xf32>
    %mul3A_34 = arith.mulf %mul3A_33, %dot_general3A_32 : vector<1000x256xf32>
    %slice3A = vector.extract_strided_slice %mul3A_34 {offsets = [0, 0], sizes = [1000, 128], strides = [1, 1]} : vector<1000x256xf32> to vector<1000x128xf32>
    %swap3A = arith.constant 0 : index
    %swap3A_35 = arith.constant 0 : index
    %swap3A_36 = arith.constant 0 : index
    %swap3A_37 = vector.load %arg5[%swap3A, %swap3A_35, %swap3A_36] : memref<2x1000x128xf32, #tpu.memory_space<vmem>>, vector<1x1000x128xf32>
    %swap3A_38 = vector.shape_cast %swap3A_37 : vector<1x1000x128xf32> to vector<1000x128xf32>
    %swap3A_39 = vector.shape_cast %slice3A : vector<1000x128xf32> to vector<1x1000x128xf32>
    tpu.vector_store %arg5[%swap3A, %swap3A_35, %swap3A_36], %swap3A_39 {strides = array<i32>} : memref<2x1000x128xf32, #tpu.memory_space<vmem>>, vector<1x1000x128xf32>,
    %slice3A_40 = vector.extract_strided_slice %mul3A_34 {offsets = [0, 128], sizes = [1000, 128], strides = [1, 1]} : vector<1000x256xf32> to vector<1000x128xf32>
    %swap3A_41 = arith.constant 1 : index
    %swap3A_42 = arith.constant 0 : index
    %swap3A_43 = arith.constant 0 : index
    %swap3A_44 = vector.load %arg5[%swap3A_41, %swap3A_42, %swap3A_43] : memref<2x1000x128xf32, #tpu.memory_space<vmem>>, vector<1x1000x128xf32>
    %swap3A_45 = vector.shape_cast %swap3A_44 : vector<1x1000x128xf32> to vector<1000x128xf32>
    %swap3A_46 = vector.shape_cast %slice3A_40 : vector<1000x128xf32> to vector<1x1000x128xf32>
    tpu.vector_store %arg5[%swap3A_41, %swap3A_42, %swap3A_43], %swap3A_46 {strides = array<i32>} : memref<2x1000x128xf32, #tpu.memory_space<vmem>>, vector<1x1000x128xf32>,
    return
  }
  func.func @transform_0(%arg0: i32) -> (i32, i32, i32) {
    %c0_i32 = arith.constant 0 : i32
    %c0_i32_0 = arith.constant 0 : i32
    %c0_i32_1 = arith.constant 0 : i32
    return %c0_i32, %arg0, %c0_i32_0 : i32, i32, i32
  }
  func.func @transform_1(%arg0: i32) -> (i32, i32, i32) {
    %c0_i32 = arith.constant 0 : i32
    %c0_i32_0 = arith.constant 0 : i32
    %c0_i32_1 = arith.constant 0 : i32
    return %c0_i32, %arg0, %c0_i32_0 : i32, i32, i32
  }
  func.func @transform_2(%arg0: i32) -> (i32, i32) {
    %c0_i32 = arith.constant 0 : i32
    %c0_i32_0 = arith.constant 0 : i32
    %c0_i32_1 = arith.constant 0 : i32
    return %c0_i32, %c0_i32_0 : i32, i32
  }
  func.func @transform_3(%arg0: i32) -> (i32, i32) {
    %c0_i32 = arith.constant 0 : i32
    %c0_i32_0 = arith.constant 0 : i32
    %c0_i32_1 = arith.constant 0 : i32
    return %c0_i32, %c0_i32_0 : i32, i32
  }
  func.func @transform_4(%arg0: i32) -> (i32, i32, i32) {
    %c0_i32 = arith.constant 0 : i32
    %c0_i32_0 = arith.constant 0 : i32
    %c0_i32_1 = arith.constant 0 : i32
    return %c0_i32, %arg0, %c0_i32_0 : i32, i32, i32
  }
}

module attributes {stable_mosaic.version = 14 : i64} {
  func.func @_final_body(%arg0: i32, %arg1: memref<2x1000x128xf32, #tpu.memory_space<vmem>>, %arg2: memref<2x1000x16xf32, #tpu.memory_space<vmem>>, %arg3: memref<1x256xf32, #tpu.memory_space<vmem>>, %arg4: memref<256x256xf32, #tpu.memory_space<vmem>>, %arg5: memref<1x256xf32, #tpu.memory_space<vmem>>, %arg6: memref<256x128xf32, #tpu.memory_space<vmem>>, %arg7: memref<1x128xf32, #tpu.memory_space<vmem>>, %arg8: memref<1000x128xf32, #tpu.memory_space<vmem>>) attributes {dimension_semantics = [#tpu.dimension_semantics<arbitrary>], iteration_bounds = array<i64: 10>, scalar_prefetch = 0 : i64, scratch_operands = 0 : i64, tpu.core_type = #tpu.core_type<tc>, window_params = [{transform_indices = @transform_0, window_bounds = array<i64: 2, 1000, 128>}, {transform_indices = @transform_1, window_bounds = array<i64: 2, 1000, 16>}, {pipeline_mode = #tpu.pipeline_mode<synchronous>, transform_indices = @transform_2, window_bounds = array<i64: 1, 256>}, {pipeline_mode = #tpu.pipeline_mode<synchronous>, transform_indices = @transform_3, window_bounds = array<i64: 256, 256>}, {pipeline_mode = #tpu.pipeline_mode<synchronous>, transform_indices = @transform_4, window_bounds = array<i64: 1, 256>}, {pipeline_mode = #tpu.pipeline_mode<synchronous>, transform_indices = @transform_5, window_bounds = array<i64: 256, 128>}, {pipeline_mode = #tpu.pipeline_mode<synchronous>, transform_indices = @transform_6, window_bounds = array<i64: 1, 128>}, {transform_indices = @transform_7, window_bounds = array<i64: 1000, 128>}]} {
    %get3A = arith.constant 0 : index
    %get3A_0 = arith.constant 0 : index
    %get3A_1 = arith.constant 0 : index
    %get3A_2 = vector.load %arg2[%get3A, %get3A_0, %get3A_1] : memref<2x1000x16xf32, #tpu.memory_space<vmem>>, vector<1x1000x1xf32>
    %get3A_3 = vector.shape_cast %get3A_2 : vector<1x1000x1xf32> to vector<1000x1xf32>
    %get3A_4 = arith.constant 1 : index
    %get3A_5 = arith.constant 0 : index
    %get3A_6 = arith.constant 0 : index
    %get3A_7 = vector.load %arg2[%get3A_4, %get3A_5, %get3A_6] : memref<2x1000x16xf32, #tpu.memory_space<vmem>>, vector<1x1000x1xf32>
    %get3A_8 = vector.shape_cast %get3A_7 : vector<1x1000x1xf32> to vector<1000x1xf32>
    %add3A = arith.addf %get3A_3, %get3A_8 : vector<1000x1xf32>
    %sub3A = arith.constant 1.000000e+00 : f32
    %sub3A_9 = vector.broadcast %sub3A : f32 to vector<1000x1xf32>
    %sub3A_10 = arith.subf %add3A, %sub3A_9 : vector<1000x1xf32>
    %rsqrt3A = math.rsqrt %sub3A_10 : vector<1000x1xf32>
    %get3A_11 = arith.constant 0 : index
    %get3A_12 = arith.constant 0 : index
    %get3A_13 = arith.constant 0 : index
    %get3A_14 = vector.load %arg1[%get3A_11, %get3A_12, %get3A_13] : memref<2x1000x128xf32, #tpu.memory_space<vmem>>, vector<1x1000x128xf32>
    %get3A_15 = vector.shape_cast %get3A_14 : vector<1x1000x128xf32> to vector<1000x128xf32>
    %get3A_16 = arith.constant 1 : index
    %get3A_17 = arith.constant 0 : index
    %get3A_18 = arith.constant 0 : index
    %get3A_19 = vector.load %arg1[%get3A_16, %get3A_17, %get3A_18] : memref<2x1000x128xf32, #tpu.memory_space<vmem>>, vector<1x1000x128xf32>
    %get3A_20 = vector.shape_cast %get3A_19 : vector<1x1000x128xf32> to vector<1000x128xf32>
    %concatenate3A = tpu.concatenate %get3A_15, %get3A_20 in 1 : vector<1000x128xf32>, vector<1000x128xf32> -> vector<1000x256xf32>
    %mul3A = vector.broadcast %rsqrt3A : vector<1000x1xf32> to vector<1000x256xf32>
    %mul3A_21 = arith.mulf %mul3A, %concatenate3A : vector<1000x256xf32>
    %get3A_22 = arith.constant 0 : index
    %get3A_23 = arith.constant 0 : index
    %get3A_24 = vector.load %arg3[%get3A_22, %get3A_23] : memref<1x256xf32, #tpu.memory_space<vmem>>, vector<1x256xf32>
    %add3A_25 = vector.broadcast %get3A_24 : vector<1x256xf32> to vector<1000x256xf32>
    %add3A_26 = arith.addf %mul3A_21, %add3A_25 : vector<1000x256xf32>
    %max3A = arith.constant 0.000000e+00 : f32
    %max3A_27 = vector.broadcast %max3A : f32 to vector<1000x256xf32>
    %max3A_28 = arith.maximumf %add3A_26, %max3A_27 : vector<1000x256xf32>
    %get3A_29 = arith.constant 0 : index
    %get3A_30 = arith.constant 0 : index
    %get3A_31 = vector.load %arg4[%get3A_29, %get3A_30] : memref<256x256xf32, #tpu.memory_space<vmem>>, vector<256x256xf32>
    %dot_general3A = arith.constant dense<0.000000e+00> : vector<1000x256xf32>
    %dot_general3A_32 = tpu.matmul %max3A_28, %get3A_31, %dot_general3A {dimension_numbers = #tpu.dot_dimension_numbers<[1], [0], [0], [1], [0, 0, 1, 1], [], []>, transpose_lhs_hint = false} : vector<1000x256xf32>, vector<256x256xf32>, vector<1000x256xf32> -> vector<1000x256xf32>
    %get3A_33 = arith.constant 0 : index
    %get3A_34 = arith.constant 0 : index
    %get3A_35 = vector.load %arg5[%get3A_33, %get3A_34] : memref<1x256xf32, #tpu.memory_space<vmem>>, vector<1x256xf32>
    %add3A_36 = vector.broadcast %get3A_35 : vector<1x256xf32> to vector<1000x256xf32>
    %add3A_37 = arith.addf %dot_general3A_32, %add3A_36 : vector<1000x256xf32>
    %get3A_38 = arith.constant 0 : index
    %get3A_39 = arith.constant 0 : index
    %get3A_40 = vector.load %arg6[%get3A_38, %get3A_39] : memref<256x128xf32, #tpu.memory_space<vmem>>, vector<256x128xf32>
    %dot_general3A_41 = arith.constant dense<0.000000e+00> : vector<1000x128xf32>
    %dot_general3A_42 = tpu.matmul %add3A_37, %get3A_40, %dot_general3A_41 {dimension_numbers = #tpu.dot_dimension_numbers<[1], [0], [0], [1], [0, 0, 1, 1], [], []>, transpose_lhs_hint = false} : vector<1000x256xf32>, vector<256x128xf32>, vector<1000x128xf32> -> vector<1000x128xf32>
    %get3A_43 = arith.constant 0 : index
    %get3A_44 = arith.constant 0 : index
    %get3A_45 = vector.load %arg7[%get3A_43, %get3A_44] : memref<1x128xf32, #tpu.memory_space<vmem>>, vector<1x128xf32>
    %add3A_46 = vector.broadcast %get3A_45 : vector<1x128xf32> to vector<1000x128xf32>
    %add3A_47 = arith.addf %dot_general3A_42, %add3A_46 : vector<1000x128xf32>
    %reduce_max3A = arith.constant dense<0xFF800000> : vector<1000xf32>
    %reduce_max3A_48 = vector.multi_reduction <maximumf>, %add3A_47, %reduce_max3A [1] : vector<1000x128xf32> to vector<1000xf32>
    %broadcast_in_dim3A = vector.shape_cast %reduce_max3A_48 : vector<1000xf32> to vector<1000x1xf32>
    %sub3A_49 = vector.broadcast %broadcast_in_dim3A : vector<1000x1xf32> to vector<1000x128xf32>
    %sub3A_50 = arith.subf %add3A_47, %sub3A_49 : vector<1000x128xf32>
    %exp3A = math.exp %sub3A_50 : vector<1000x128xf32>
    %reduce_sum3A = arith.constant dense<0.000000e+00> : vector<1000xf32>
    %reduce_sum3A_51 = vector.multi_reduction <add>, %exp3A, %reduce_sum3A [1] : vector<1000x128xf32> to vector<1000xf32>
    %broadcast_in_dim3A_52 = vector.shape_cast %reduce_sum3A_51 : vector<1000xf32> to vector<1000x1xf32>
    %log3A = math.log %broadcast_in_dim3A_52 : vector<1000x1xf32>
    %sub3A_53 = vector.broadcast %log3A : vector<1000x1xf32> to vector<1000x128xf32>
    %sub3A_54 = arith.subf %sub3A_50, %sub3A_53 : vector<1000x128xf32>
    %swap3A = arith.constant 0 : index
    %swap3A_55 = arith.constant 0 : index
    %swap3A_56 = vector.load %arg8[%swap3A, %swap3A_55] : memref<1000x128xf32, #tpu.memory_space<vmem>>, vector<1000x128xf32>
    tpu.vector_store %arg8[%swap3A, %swap3A_55], %sub3A_54 {strides = array<i32>} : memref<1000x128xf32, #tpu.memory_space<vmem>>, vector<1000x128xf32>,
    return
  }
  func.func @transform_0(%arg0: i32) -> (i32, i32, i32) {
    %c0_i32 = arith.constant 0 : i32
    %c0_i32_0 = arith.constant 0 : i32
    %c0_i32_1 = arith.constant 0 : i32
    return %c0_i32, %arg0, %c0_i32_0 : i32, i32, i32
  }
  func.func @transform_1(%arg0: i32) -> (i32, i32, i32) {
    %c0_i32 = arith.constant 0 : i32
    %c0_i32_0 = arith.constant 0 : i32
    %c0_i32_1 = arith.constant 0 : i32
    return %c0_i32, %arg0, %c0_i32_0 : i32, i32, i32
  }
  func.func @transform_2(%arg0: i32) -> (i32, i32) {
    %c0_i32 = arith.constant 0 : i32
    %c0_i32_0 = arith.constant 0 : i32
    %c0_i32_1 = arith.constant 0 : i32
    return %c0_i32, %c0_i32_0 : i32, i32
  }
  func.func @transform_3(%arg0: i32) -> (i32, i32) {
    %c0_i32 = arith.constant 0 : i32
    %c0_i32_0 = arith.constant 0 : i32
    %c0_i32_1 = arith.constant 0 : i32
    return %c0_i32, %c0_i32_0 : i32, i32
  }
  func.func @transform_4(%arg0: i32) -> (i32, i32) {
    %c0_i32 = arith.constant 0 : i32
    %c0_i32_0 = arith.constant 0 : i32
    %c0_i32_1 = arith.constant 0 : i32
    return %c0_i32, %c0_i32_0 : i32, i32
  }
  func.func @transform_5(%arg0: i32) -> (i32, i32) {
    %c0_i32 = arith.constant 0 : i32
    %c0_i32_0 = arith.constant 0 : i32
    %c0_i32_1 = arith.constant 0 : i32
    return %c0_i32, %c0_i32_0 : i32, i32
  }
  func.func @transform_6(%arg0: i32) -> (i32, i32) {
    %c0_i32 = arith.constant 0 : i32
    %c0_i32_0 = arith.constant 0 : i32
    %c0_i32_1 = arith.constant 0 : i32
    return %c0_i32, %c0_i32_0 : i32, i32
  }
  func.func @transform_7(%arg0: i32) -> (i32, i32) {
    %c0_i32 = arith.constant 0 : i32
    %c0_i32_0 = arith.constant 0 : i32
    return %arg0, %c0_i32 : i32, i32
  }
}

</mosaic_0001>

<sc_bundles>
// kernel: kernel.10.cloned.1.call-start
scs
__scs_entry_jumppad:
0x0: {  	(pc) =	sbr.rel $0x88, $3  }
0x1: {  	(tag) =	ssettag $0x0;
	lr =	simm.s32 $0x1  }
0x2: {  	[smem:$0x3F95] =	sst lr;
	_ =	strace $0xD0000000  }
0x3: {  	_ = 	snop  }
0x4: {  	_ = 	snop  }
0x5: {  	_ = 	snop  }
0x6: {  	_ = 	snop  }
0x7: {  	_ = 	snop  }
__scs_overlays_trampoline_lowered:
0x8: {  	[smem:$0x3FA4] =	sst s0  }
0x9: {  	[smem:$0x3FA5] =	sst s1  }
0xa: {  	[smem:$0x3FA6] =	sst s2  }
0xb: {  	[smem:$0x3FA7] =	sst s3  }
0xc: {  	[smem:$0x3FA8] =	sst s4  }
0xd: {  	[smem:$0x3FA9] =	sst s5  }
0xe: {  	[smem:$0x3FAA] =	sst s6  }
0xf: {  	[smem:$0x3FAB] =	sst s7  }
0x10: {  	[smem:$0x3FAC] =	sst s8  }
0x11: {  	[smem:$0x3FAD] =	sst s9;
	s0 =	simm.s32 @!p0 $0x0  }
0x12: {  	s1 =	sld [smem:$0x3F93];
	s0 =	simm.s32 @p0 $0x1  }
0x13: {  	[smem:$0x3FAE] =	sst s0;
	s0 =	simm.s32 @!p1 $0x0  }
0x14: {  	s2 =	sld [smem:$0x3F92];
	s0 =	simm.s32 @p1 $0x1  }
0x15: {  	[smem:$0x3FAF] =	sst s0;
	s0 =	simm.s32 @!p2 $0x0  }
0x16: {  	s3 =	sld [smem:$0x3FDB];
	s0 =	simm.s32 @p2 $0x1  }
0x17: {  	s4 =	simm.s32 $0x1BF5;
	[smem:$0x3FB1] =	sst s0  }
0x18: {  	s0 =	sld [smem:$0x3F94];
	_ =	swait.ge [sflag:s4], $0x0  }
0x19: {  	s7 =	sld [smem:$0x3F95]  }
0x1a: {  	s8 =	sadd.s32 $0xFFFFE003, lr  }
0x1b: {  	s9 =	sadd.s32 $0xFFFFFEF7, lr;
	s5 =	simm.s32 $0xFFFFFFFF;
	p2 =	slt.u32 s8, $0xFFFFF086  }
0x1c: {  	p1 =	slt.u32 s9, $0xF7A;
	s5 =	simm.s32 @!p2 $0x0  }
0x1d: {  	s5 =	simm.s32 @p1 $0x1;
	p0 =	seq.s32 s7, s2  }
0x1e: {  	s7 =	smul.u32 @!p0 $0xF7A, s2;
	p2 =	seq.s32 @!p0 s5, $0x0  }
0x1f: {  	s9 =	smul.u32 $0xF7A, s1;
	s8 =	simm.s32 @!p0 $0x1BF5;
	p2 =	por !p2, p0  }
0x20: {  	[sflag:s8] =	ssyncset.s32 @!p0 $0xFFFFF086;
	s6 =	sadd.s32 @!p0 s3, s7;
	s7 =	simm.s32 @!p0 $0x108  }
0x21: {  	s3 =	sadd.s32 s3, s9;
	s6 =	sadd.s32 @!p0 $0x88, s6;
	s7 =	simm.s32 @p2 $0x1082  }
0x22: {  	[simem:s7], [sflag:s8] =	dma.local @!p0 [hbm:s6], $0xF7A  }
0x23: {  	s9 =	sor.u32 $0xD0000000, s2;
	s6 =	simm.s32 $0x108;
	_ =	swait.ge @!p0 [sflag:s8], $0x0  }
0x24: {  	s3 =	sadd.s32 $0x88, s3;
	s6 =	simm.s32 @!p1 $0x1082;
	[sflag:s4] =	ssyncset.s32 $0xFFFFF086  }
0x25: {  	[simem:s6], [sflag:s4] =	dma.local [hbm:s3], $0xF7A  }
0x26: {  	[smem:$0x3F95] =	sst s1;
	(tag) =	ssettag s2;
	_ =	strace s9  }
0x27: {  	s1 =	sld [smem:$0x3FA5]  }
0x28: {  	s2 =	sld [smem:$0x3FA6]  }
0x29: {  	s4 =	sld [smem:$0x3FA8]  }
0x2a: {  	p0 =	seq.s32 s5, $0x0;
	s5 =	sld [smem:$0x3FA9]  }
0x2b: {  	s6 =	sld [smem:$0x3FAA]  }
0x2c: {  	s7 =	sld [smem:$0x3FAB]  }
0x2d: {  	s3 =	simm.s32 $0x108;
	s8 =	sld [smem:$0x3FAC]  }
0x2e: {  	s3 =	simm.s32 @!p0 $0x1082;
	s9 =	sld [smem:$0x3FAD]  }
0x2f: {  	lr =	sadd.s32 s0, s3;
	s0 =	sld [smem:$0x3FA4]  }
0x30: {  	s3 =	sld [smem:$0x3FA7]  }
0x31: {  	[smem:$0x3FB0] =	sst s10  }
0x32: {  	s10 =	sld [smem:$0x3FAE];
	_ =	sdelay $0x3  }
0x33: {  	p0 =	seq.s32 s10, $0x1;
	s10 =	sld [smem:$0x3FB0];
	_ =	sdelay $0x3  }
0x34: {  	[smem:$0x3FB0] =	sst s10  }
0x35: {  	s10 =	sld [smem:$0x3FAF];
	_ =	sdelay $0x3  }
0x36: {  	p1 =	seq.s32 s10, $0x1;
	s10 =	sld [smem:$0x3FB0];
	_ =	sdelay $0x3  }
0x37: {  	[smem:$0x3FB0] =	sst s10  }
0x38: {  	s10 =	sld [smem:$0x3FB1]  }
0x39: {  	_ = 	snop;
	(pc) =	sbr.ind lr, $3  }
0x3a: {  	_ = 	snop  }
0x3b: {  	_ = 	snop  }
0x3c: {  	p2 =	seq.s32 s10, $0x1;
	s10 =	sld [smem:$0x3FB0]  }
0x3d: {  	_ =	shalt  }
0x3e: {  	_ =	shalt  }
0x3f: {  	_ =	shalt  }
0x40: {  	_ =	shalt  }
0x41: {  	_ =	shalt  }
0x42: {  	_ =	shalt  }
0x43: {  	_ =	shalt  }
0x44: {  	_ =	shalt  }
0x45: {  	_ =	shalt  }
0x46: {  	_ =	shalt  }
0x47: {  	_ =	shalt  }
0x48: {  	_ =	shalt  }
0x49: {  	_ =	shalt  }
0x4a: {  	_ =	shalt  }
0x4b: {  	_ =	shalt  }
0x4c: {  	_ =	shalt  }
0x4d: {  	_ =	shalt  }
0x4e: {  	_ =	shalt  }
0x4f: {  	_ =	shalt  }
0x50: {  	_ =	shalt  }
0x51: {  	_ =	shalt  }
0x52: {  	_ =	shalt  }
0x53: {  	_ =	shalt  }
0x54: {  	_ =	shalt  }
0x55: {  	_ =	shalt  }
0x56: {  	_ =	shalt  }
0x57: {  	_ =	shalt  }
0x58: {  	_ =	shalt  }
0x59: {  	_ =	shalt  }
0x5a: {  	_ =	shalt  }
0x5b: {  	_ =	shalt  }
0x5c: {  	_ =	shalt  }
0x5d: {  	_ =	shalt  }
0x5e: {  	_ =	shalt  }
0x5f: {  	_ =	shalt  }
0x60: {  	_ =	shalt  }
0x61: {  	_ =	shalt  }
0x62: {  	_ =	shalt  }
0x63: {  	_ =	shalt  }
0x64: {  	_ =	shalt  }
0x65: {  	_ =	shalt  }
0x66: {  	_ =	shalt  }
0x67: {  	_ =	shalt  }
0x68: {  	_ =	shalt  }
0x69: {  	_ =	shalt  }
0x6a: {  	_ =	shalt  }
0x6b: {  	_ =	shalt  }
0x6c: {  	_ =	shalt  }
0x6d: {  	_ =	shalt  }
0x6e: {  	_ =	shalt  }
0x6f: {  	_ =	shalt  }
0x70: {  	_ =	shalt  }
0x71: {  	_ =	shalt  }
0x72: {  	_ =	shalt  }
0x73: {  	_ =	shalt  }
0x74: {  	_ =	shalt  }
0x75: {  	_ =	shalt  }
0x76: {  	_ =	shalt  }
0x77: {  	_ =	shalt  }
0x78: {  	_ =	shalt  }
0x79: {  	_ =	shalt  }
0x7a: {  	_ =	shalt  }
0x7b: {  	_ =	shalt  }
0x7c: {  	_ =	shalt  }
0x7d: {  	_ =	shalt  }
0x7e: {  	_ =	shalt  }
0x7f: {  	_ =	shalt  }
0x80: {  	_ =	shalt  }
0x81: {  	_ =	shalt  }
0x82: {  	_ =	shalt  }
0x83: {  	_ =	shalt  }
0x84: {  	_ =	shalt  }
0x85: {  	_ =	shalt  }
0x86: {  	_ =	shalt  }
0x87: {  	_ =	shalt  }
.Lfunc_end0:
.L_simem_size_0:
called_computation_lowered:
.L_overlay_start_0:
0x88: {  	s2 =	sld [smem:$0x3FD9]  }
0x89: {  	s3 =	sld [smem:$0x3FFE];
	_ =	sdelay $0x1  }
0x8a: {  	s1 =	srdreg.scid  }
0x8b: {  	s0 =	sand.u32 $0x1, s1  }
0x8c: {  	s17 =	sshll.u32 s0, $0xA;
	s2 =	sadd.s32 s3, s2  }
0x8d: {  	s2 =	sadd.s32 s2, s17  }
0x8e: {  	[smem:$0x3FBC] =	sst s2  }
0x8f: {  	_ = 	snop  }
0x90: {  	s2 =	sld [smem:$0x3FD0];
	(tm) =	ssettm $0x1  }
0x91: {  	s18 =	sld [smem:$0x3FFB];
	_ =	sdelay $0x3  }
0x92: {  	_ =	strace s18  }
0x93: {  	s3 =	sld [smem:$0x3FFC];
	_ =	sdelay $0x3  }
0x94: {  	_ =	strace s3  }
0x95: {  	s3 =	sld [smem:$0x3FFD];
	_ =	sdelay $0x3  }
0x96: {  	_ =	strace s3  }
0x97: {  	_ =	strace $0x8FFFFFFF  }
0x98: {  	s19 =	sld [smem:$0x3FDB];
	_ =	sdelay $0x1  }
0x99: {  	s4 =	simm.s32 $_scs_section_size  }
0x9a: {  	s5 =	simm.s32 $_size__tile_overlayer_lowered;
	s6 =	simm.s32 $_tile_overlayer_lowered  }
0x9b: {  	s22 =	simm.s32 $0x1BFF;
	s21 =	sshll.u32 s6, $0x1;
	s3 =	sadd.s32 s4, s19  }
0x9c: {  	s7 =	simm.s32 $0x0;
	s20 =	sshll.u32 s5, $0x1;
	s5 =	sadd.s32 s21, s3  }
0x9d: {  	[timem:s7], [sflag:s22] =	dma.local [hbm:s5], s20  }
0x9e: {  	_ =	swait.ge [sflag:s22], s20  }
0x9f: {  	s4 =	ssub.s32 $0x0, s20;
	[sflag:s22] =	ssyncset.done $0x0  }
0xa0: {  	[sflag:s22] =	ssyncadd.s32 s4;
	_ =	sdelay $0x1  }
0xa1: {  	s23 =	simm.s32 $0x1B8B  }
0xa2: {  	_ =	swait.ge [sflag:s23], $0x1  }
0xa3: {  	[sflag:s23] =	ssyncset.done $0x0  }
0xa4: {  	s25 =	simm.s32 $0x1B8E;
	s24 =	sld [smem:$0x3FFE];
	[sflag:s23] =	ssyncadd.s32 $0xFFFFFFFF  }
0xa5: {  	s26 =	simm.s32 $execute0_lowered;
	[smem:$0x3FD2] =	sst s25  }
0xa6: {  	s5 =	sshll.u32 s26, $0x1;
	_ =	strace $0x80000046;
	[dreg:$0x1] =	wrdreg $0xFFFFFFFF  }
0xa7: {  	s28 =	simm.s32 $_size_execute0_lowered;
	s3 =	sadd.s32 s3, s5;
	[dreg:$0x0] =	wrdreg $0x0  }
0xa8: {  	s5 =	sshll.u32 s28, $0x1;
	[dreg:$0x2] =	wrdreg s3  }
0xa9: {  	[dreg:$0x3] =	wrdreg s5  }
0xaa: {  	[dreg:$0x4] =	wrdreg $0xC0  }
0xab: {  	_ =	task [dreg:s7], $0x5FFFF  }
0xac: {  	[dreg:$0x1] =	wrdreg $0xFFFFFFFF  }
0xad: {  	[dreg:$0x0] =	wrdreg $0x60  }
0xae: {  	[dreg:$0x2] =	wrdreg s24  }
0xaf: {  	[dreg:$0x3] =	wrdreg s2  }
0xb0: {  	[dreg:$0x4] =	wrdreg $0x29800  }
0xb1: {  	[dreg:$0x5] =	wrdreg $0x9  }
0xb2: {  	_ =	task.clear_ibuf [dreg:s7], $0x6FFFF;
	_ =	strace $0x90000046  }
0xb3: {  	s29 =	simm.s32 $0x9;
	_ =	strace $0x80000048  }
0xb4: {  	_ =	swait.ge [sflag:s29], $0x1  }
0xb5: {  	[sflag:s29] =	ssyncadd.s32 $0xFFFFFFFF  }
0xb6: {  	_ =	strace $0x90000048  }
0xb7: {  	_ =	sfence  }
0xb8: {  	s30 =	sld [smem:$0x0];
	_ =	sdelay $0x2  }
0xb9: {  	s31 =	sshll.u32 s1, $0xD;
	s1 =	sshrl.u32 s1, $0x2  }
0xba: {  	s3 =	sand.u32 $0x4000, s31;
	s1 =	sadd.s32 s1, s30  }
0xbb: {  	s0 =	sor.u32 s3, s0;
	s1 =	sshll.u32 s1, $0x11  }
0xbc: {  	s0 =	sor.u32 s1, s0  }
0xbd: {  	s0 =	sadd.s32 $0x8F2B, s0  }
0xbe: {  	[sflag:s0] =	ssyncadd.remote.s32 $0x1  }
0xbf: {  	_ =	sfence.sel $0xFFFF  }
0xc0: {  	[dreg:$0x0] =	wrdreg $0xFFFFFFFF;
	(pc) =	sbr.abs _section_cstart, $3  }
0xc1: {  	[dreg:$0x1] =	wrdreg $0xFFFFFFFF  }
0xc2: {  	_ =	task.clear_ibuf [dreg:s7], $0x2FFFF;
	_ =	strace $0x9FFFFFFF  }
0xc3: {  	(tm) =	ssettm $0x7FFFFFFF  }
tec
execute0_lowered:
.L_overlay_start_1:
0x0: {  	(tag) =	ssettag $0x1  }
0x1: {  	s0 =	rddreg [dreg:$0x0]  }
0x2: {  	s10 =	rddreg [dreg:$0x1]  }
0x3: {  	s2 =	rddreg [dreg:$0x2];
	s3 =	simm.s32 $0x0  }
0x4: {  	s4 =	srdreg.scid;
	s18 =	stileid.u32;
	s28 =	simm.s32 $0x2  }
0x5: {  	s29 =	simm.s32 $0x4;
	s30 =	simm.s32 $0x3;
	s6 =	smul.u32 $0x50000, s18  }
0x6: {  	s31 =	simm.s32 $0x5;
	[smem:$0x7FF] =	sst s3;
	s9 =	smul.u32 $0x2800, s18  }
0x7: {  	s1 =	sadd.s32 $0x3C00, s0;
	s0 =	sadd.s32 $0xDA00, s0;
	s22 =	smul.u32 $0x14000, s18  }
0x8: {  	s4 =	sand.u32 $0x1, s4;
	s23 =	sadd.s32 $0x25800, s10;
	s11 =	smul.u32 $0x2710, s18  }
0x9: {  	p0 =	seq.s32 s18, $0xF;
	_ =	strace $0x80000047;
	s5 =	ssub.s32 $0x2, s4  }
0xa: {  	s7 =	sshll.u32 s4, $0x4;
	s20 =	smul.u32 $0x138800, s4;
	[dreg:$0x5] =	wrdreg s23  }
0xb: {  	s4 =	smul.u32 $0x27100, s4;
	s23 =	simm.s32 $0x2880;
	s8 =	sshrl.u32 s5, $0x1  }
0xc: {  	s7 =	sor.u32 s18, s7;
	s6 =	sshrl.u32 s6, $0x2;
	s19 =	sadd.s32 s10, s9  }
0xd: {  	s5 =	ssub.s32 s5, s8;
	s7 =	smul.u32 $0x2710, s7;
	s21 =	sadd.s32 s6, s2  }
0xe: {  	[dreg:$0x4] =	wrdreg s19;
	s19 =	sadd.s32 $0x12C000, s2;
	s9 =	sadd.s32 s22, s20  }
0xf: {  	s24 =	sshrl.u32 s20, $0x3;
	s25 =	sadd.s32 s11, s4;
	s22 =	simm.s32 $0x2800  }
0x10: {  	s9 =	sshrl.u32 s9, $0x3;
	s10 =	sadd.s32 s0, s24;
	s11 =	smax.u32 s5, $0x1  }
0x11: {  	s4 =	sadd.s32 $0x230, s25;
	s26 =	sadd.s32 $0x1E0, s25;
	s19 =	sshrl.u32 @p0 s19, $0x3  }
0x12: {  	s21 =	sshrl.u32 @!p0 s21, $0x3;
	s24 =	simm.s32 $0x1;
	s7 =	sshrl.u32 s7, $0x3  }
0x13: {  	s9 =	sadd.s32 s0, s9;
	s10 =	sadd.s32 $0x25800, s10;
	s4 =	sshrl.u32 s4, $0x3  }
0x14: {  	s0 =	sadd.s32 $0x190, s25;
	s25 =	simm.s32 $0x50;
	s7 =	sadd.s32 s1, s7  }
0x15: {  	s15 =	sadd.s32 s4, s1;
	s4 =	sshrl.u32 s26, $0x3;
	s0 =	sshrl.u32 s0, $0x3  }
0x16: {  	s26 =	simm.s32 $0x2900;
	s8 =	sadd.s32 $0xA, s7;
	s12 =	sadd.s32 $0x14, s7  }
0x17: {  	s13 =	sadd.s32 $0x1E, s7;
	s14 =	sadd.s32 $0x28, s7;
	s16 =	sadd.s32 s4, s1  }
0x18: {  	s17 =	sadd.s32 s0, s1;
	s0 =	sshll.u32 @!p0 s18, $0x6;
	s18 =	simm.s32 $0x7  }
0x19: {  	s4 =	simm.s32 $0x0;
	s20 =	sor.u32 @!p0 $0x1C07, s0;
	s0 =	simm.s32 $0x6  }
.LBB2_1:
0x1a: {  	s1 =	rddreg [dreg:$0x1]  }
0x1b: {  	[tilespmem:s3], [sflag:$0x7] =	stream.linear.gather [hbm4b:s1+s3], $0x2800, $0x38;
	[tilespmem:$0x5090] =	vst v63  }
0x1c: {  	_ =	swait.ge [sflag:s18], $0x2800  }
0x1d: {  	[sflag:s18] =	ssyncset.done $0x0  }
0x1e: {  	s1 =	simm.s32 @p0 $0x1FC7;
	s5 =	rddreg [dreg:$0x5];
	[sflag:s18] =	ssyncadd.s32 $0xFFFFD800  }
0x1f: {  	[spmem:s19], [sflag:s1] =	dma.local @p0 [hbm:s5], $0x1900  }
0x20: {  	s1 =	simm.s32 @p0 $0x7  }
0x21: {  	_ =	swait.ge @p0 [sflag:s1], $0x1900  }
0x22: {  	[sflag:s1] =	ssyncset.done @p0 $0x0  }
0x23: {  	[sflag:s1] =	ssyncadd.s32 @p0 $0xFFFFE700;
	s1 =	rddreg [dreg:$0x4]  }
0x24: {  	[spmem:s21], [sflag:s20] =	dma.local @!p0 [hbm:s1], $0x2800  }
0x25: {  	s1 =	simm.s32 @!p0 $0x7  }
0x26: {  	_ =	swait.ge @!p0 [sflag:s1], $0x2800  }
0x27: {  	[sflag:s1] =	ssyncset.done @!p0 $0x0  }
0x28: {  	[sflag:s1] =	ssyncadd.s32 @!p0 $0xFFFFD800  }
0x29: {  	[bflag:$0x0] =	sbarrier.arrive $0xFFFF  }
0x2a: {  	[tilespmem:s22], [sflag:$0x1] =	stream.linear.gather [hbm4b:s7+s3], $0x50, $0x38;
	[tilespmem:$0x5090] =	vst v63  }
0x2b: {  	_ = 	snop  }
0x2c: {  	[tilespmem:s23], [sflag:$0x2] =	stream.linear.gather [hbm4b:s8+s3], $0x50, $0x38;
	[tilespmem:$0x5090] =	vst v63  }
0x2d: {  	_ =	swait.ge [sflag:s24], $0x50  }
0x2e: {  	[sflag:s24] =	ssyncset.done $0x0  }
0x2f: {  	[sflag:s24] =	ssyncadd.s32 $0xFFFFFFB0  }
0x30: {  	[spmem:s2] =	stream.indirect.scatter.add.f32 [tilespmem:s3], [sflag:$0x4], $0x10, s22, s25, $0xb8;
	[tilespmem:$0x5090] =	vst v63  }
0x31: {  	_ = 	snop  }
0x32: {  	[tilespmem:s26], [sflag:$0x3] =	stream.linear.gather [hbm4b:s12+s3], $0x50, $0x38;
	[tilespmem:$0x5090] =	vst v63  }
0x33: {  	_ =	swait.ge [sflag:s28], $0x50  }
0x34: {  	[sflag:s28] =	ssyncset.done $0x0  }
0x35: {  	[sflag:s28] =	ssyncadd.s32 $0xFFFFFFB0  }
0x36: {  	[spmem:s2] =	stream.indirect.scatter.add.f32 [tilespmem:s3], [sflag:$0x5], $0x10, s23, s25, $0xb8;
	[tilespmem:$0x5090] =	vst v63  }
0x37: {  	_ =	swait.ge [sflag:s29], $0x500  }
0x38: {  	[sflag:s29] =	ssyncset.done $0x0  }
0x39: {  	[sflag:s29] =	ssyncadd.s32 $0xFFFFFB00  }
0x3a: {  	[tilespmem:s22], [sflag:$0x1] =	stream.linear.gather [hbm4b:s13+s3], $0x50, $0x38;
	[tilespmem:$0x5090] =	vst v63  }
0x3b: {  	_ =	swait.ge [sflag:s30], $0x50  }
0x3c: {  	[sflag:s30] =	ssyncset.done $0x0  }
0x3d: {  	[sflag:s30] =	ssyncadd.s32 $0xFFFFFFB0  }
0x3e: {  	[spmem:s2] =	stream.indirect.scatter.add.f32 [tilespmem:s3], [sflag:$0x6], $0x10, s26, s25, $0xb8;
	[tilespmem:$0x5090] =	vst v63  }
0x3f: {  	_ =	swait.ge [sflag:s31], $0x500  }
0x40: {  	[sflag:s31] =	ssyncset.done $0x0  }
0x41: {  	[sflag:s31] =	ssyncadd.s32 $0xFFFFFB00  }
0x42: {  	[tilespmem:s23], [sflag:$0x2] =	stream.linear.gather [hbm4b:s14+s3], $0x50, $0x38;
	[tilespmem:$0x5090] =	vst v63  }
0x43: {  	_ =	swait.ge [sflag:s24], $0x50  }
0x44: {  	[sflag:s24] =	ssyncset.done $0x0  }
0x45: {  	[sflag:s24] =	ssyncadd.s32 $0xFFFFFFB0  }
0x46: {  	[spmem:s2] =	stream.indirect.scatter.add.f32 [tilespmem:s3], [sflag:$0x4], $0x10, s22, s25, $0xb8;
	[tilespmem:$0x5090] =	vst v63  }
0x47: {  	_ =	swait.ge [sflag:s0], $0x500  }
0x48: {  	[sflag:s0] =	ssyncset.done $0x0  }
0x49: {  	s5 =	sadd.s32 $0x0, s17;
	[sflag:s0] =	ssyncadd.s32 $0xFFFFFB00  }
0x4a: {  	[tilespmem:s26], [sflag:$0x3] =	stream.linear.gather [hbm4b:s5+s3], $0x50, $0x38;
	[tilespmem:$0x5090] =	vst v63  }
0x4b: {  	_ =	swait.ge [sflag:s28], $0x50  }
0x4c: {  	[sflag:s28] =	ssyncset.done $0x0  }
0x4d: {  	[sflag:s28] =	ssyncadd.s32 $0xFFFFFFB0  }
0x4e: {  	[spmem:s2] =	stream.indirect.scatter.add.f32 [tilespmem:s3], [sflag:$0x5], $0x10, s23, s25, $0xb8;
	[tilespmem:$0x5090] =	vst v63  }
0x4f: {  	_ =	swait.ge [sflag:s29], $0x500  }
0x50: {  	[sflag:s29] =	ssyncset.done $0x0  }
0x51: {  	s6 =	sadd.s32 $0x0, s16;
	[sflag:s29] =	ssyncadd.s32 $0xFFFFFB00  }
0x52: {  	[tilespmem:s22], [sflag:$0x1] =	stream.linear.gather [hbm4b:s6+s3], $0x50, $0x38;
	[tilespmem:$0x5090] =	vst v63  }
0x53: {  	_ =	swait.ge [sflag:s30], $0x50  }
0x54: {  	[sflag:s30] =	ssyncset.done $0x0  }
0x55: {  	[sflag:s30] =	ssyncadd.s32 $0xFFFFFFB0  }
0x56: {  	[spmem:s2] =	stream.indirect.scatter.add.f32 [tilespmem:s3], [sflag:$0x6], $0x10, s26, s25, $0xb8;
	[tilespmem:$0x5090] =	vst v63  }
0x57: {  	_ =	swait.ge [sflag:s31], $0x500  }
0x58: {  	[sflag:s31] =	ssyncset.done $0x0  }
0x59: {  	s1 =	simm.s32 $0x1E;
	s5 =	sadd.s32 $0x0, s15;
	[sflag:s31] =	ssyncadd.s32 $0xFFFFFB00  }
.LBB2_2:
0x5a: {  	[tilespmem:s23], [sflag:$0x2] =	stream.linear.gather [hbm4b:s5+s3], $0x50, $0x38;
	[tilespmem:$0x5090] =	vst v63  }
0x5b: {  	s5 =	smov.u32 s1  }
0x5c: {  	p1 =	sne.s32 s1, $0x492;
	s1 =	sadd.s32 $0x1E, s1;
	_ =	swait.ge [sflag:s24], $0x50  }
0x5d: {  	[sflag:s24] =	ssyncset.done $0x0  }
0x5e: {  	[sflag:s24] =	ssyncadd.s32 $0xFFFFFFB0  }
0x5f: {  	[spmem:s2] =	stream.indirect.scatter.add.f32 [tilespmem:s3], [sflag:$0x4], $0x10, s22, s25, $0xb8;
	[tilespmem:$0x5090] =	vst v63  }
0x60: {  	_ =	swait.ge [sflag:s0], $0x500  }
0x61: {  	[sflag:s0] =	ssyncset.done $0x0  }
0x62: {  	s6 =	sadd.s32 s5, s17;
	[sflag:s0] =	ssyncadd.s32 $0xFFFFFB00  }
0x63: {  	[tilespmem:s26], [sflag:$0x3] =	stream.linear.gather [hbm4b:s6+s3], $0x50, $0x38;
	[tilespmem:$0x5090] =	vst v63  }
0x64: {  	_ =	swait.ge [sflag:s28], $0x50  }
0x65: {  	[sflag:s28] =	ssyncset.done $0x0  }
0x66: {  	[sflag:s28] =	ssyncadd.s32 $0xFFFFFFB0  }
0x67: {  	[spmem:s2] =	stream.indirect.scatter.add.f32 [tilespmem:s3], [sflag:$0x5], $0x10, s23, s25, $0xb8;
	[tilespmem:$0x5090] =	vst v63  }
0x68: {  	_ =	swait.ge [sflag:s29], $0x500  }
0x69: {  	[sflag:s29] =	ssyncset.done $0x0  }
0x6a: {  	s6 =	sadd.s32 s5, s16;
	[sflag:s29] =	ssyncadd.s32 $0xFFFFFB00  }
0x6b: {  	[tilespmem:s22], [sflag:$0x1] =	stream.linear.gather [hbm4b:s6+s3], $0x50, $0x38;
	[tilespmem:$0x5090] =	vst v63  }
0x6c: {  	_ =	swait.ge [sflag:s30], $0x50  }
0x6d: {  	[sflag:s30] =	ssyncset.done $0x0  }
.Ltmp0:
0x6e: {  	[sflag:s30] =	ssyncadd.s32 $0xFFFFFFB0;
	(pc) =	sbr.rel @p1 .LBB2_2-.Ltmp0, $4  }
0x6f: {  	[spmem:s2] =	stream.indirect.scatter.add.f32 [tilespmem:s3], [sflag:$0x6], $0x10, s26, s25, $0xb8;
	[tilespmem:$0x5090] =	vst v63  }
0x70: {  	_ =	swait.ge [sflag:s31], $0x500  }
0x71: {  	[sflag:s31] =	ssyncset.done $0x0  }
0x72: {  	s5 =	sadd.s32 s5, s15;
	[sflag:s31] =	ssyncadd.s32 $0xFFFFFB00  }
0x73: {  	[tilespmem:s23], [sflag:$0x2] =	stream.linear.gather [hbm4b:s5+s3], $0x50, $0x38;
	[tilespmem:$0x5090] =	vst v63  }
0x74: {  	_ =	swait.ge [sflag:s24], $0x50  }
0x75: {  	[sflag:s24] =	ssyncset.done $0x0  }
0x76: {  	[sflag:s24] =	ssyncadd.s32 $0xFFFFFFB0  }
0x77: {  	[spmem:s2] =	stream.indirect.scatter.add.f32 [tilespmem:s3], [sflag:$0x4], $0x10, s22, s25, $0xb8;
	[tilespmem:$0x5090] =	vst v63  }
0x78: {  	_ =	swait.ge [sflag:s0], $0x500  }
0x79: {  	[sflag:s0] =	ssyncset.done $0x0  }
0x7a: {  	[sflag:s0] =	ssyncadd.s32 $0xFFFFFB00  }
0x7b: {  	_ =	swait.ge [sflag:s28], $0x50  }
0x7c: {  	[sflag:s28] =	ssyncset.done $0x0  }
0x7d: {  	[sflag:s28] =	ssyncadd.s32 $0xFFFFFFB0  }
0x7e: {  	[spmem:s2] =	stream.indirect.scatter.add.f32 [tilespmem:s3], [sflag:$0x7], $0x10, s23, s25, $0xb8;
	[tilespmem:$0x5090] =	vst v63  }
0x7f: {  	_ =	swait.ge [sflag:s18], $0x500  }
0x80: {  	[sflag:s18] =	ssyncset.done $0x0  }
0x81: {  	[sflag:s18] =	ssyncadd.s32 $0xFFFFFB00  }
0x82: {  	_ =	swait.ge [sflag:s29], $0x500  }
0x83: {  	[sflag:s29] =	ssyncset.done $0x0  }
0x84: {  	[sflag:s29] =	ssyncadd.s32 $0xFFFFFB00  }
0x85: {  	s1 =	simm.s32 @p0 $0x1FC7;
	[bflag:$0x0] =	sbarrier.arrive $0xFFFF  }
0x86: {  	[hbm:s10], [sflag:s1] =	dma.local @p0 [spmem:s19], $0x1900  }
0x87: {  	s1 =	simm.s32 @p0 $0x7  }
0x88: {  	s4 =	sadd.s32 $0x1, s4;
	_ =	swait.ge @p0 [sflag:s1], $0x1900  }
0x89: {  	p1 =	sne.s32 s4, s11;
	[sflag:s1] =	ssyncset.done @p0 $0x0  }
.Ltmp1:
0x8a: {  	[sflag:s1] =	ssyncadd.s32 @p0 $0xFFFFE700;
	s1 =	simm.s32 @!p0 $0x7;
	(pc) =	sbr.rel @p1 .LBB2_1-.Ltmp1, $4  }
0x8b: {  	[hbm:s9], [sflag:s20] =	dma.local @!p0 [spmem:s21], $0x2800  }
0x8c: {  	_ =	swait.ge @!p0 [sflag:s1], $0x2800  }
0x8d: {  	[sflag:s1] =	ssyncset.done @!p0 $0x0  }
0x8e: {  	[sflag:s1] =	ssyncadd.s32 @!p0 $0xFFFFD800  }
0x8f: {  	_ =	sfence.sel $0x180000  }
0x90: {  	[bflag:$0x0] =	sbarrier.arrive $0xFFFF  }
0x91: {  	_ =	strace $0x90000047  }
0x92: {  	s0 =	stileid.u32;
	[bflag:$0x2] =	sbarrier.arrive $0xFFFF  }
0x93: {  	p0 =	sne.s32 s0, $0x0;
	s0 =	rddreg [dreg:$0x3]  }
0x94: {  	s0 =	sadd.s32 @!p0 $0x100000, s0  }
0x95: {  	[sflag:s0] =	ssyncadd.tile.s32 @!p0 $0x1;
	_ =	shalt  }
.Lfunc_end2:
_tile_overlayer_lowered:
.L_overlay_start_2:
0x96: {  	(tag) =	ssettag $0x2  }
0x97: {  	s0 =	rddreg [dreg:$0x0];
	s2 =	stileid.u32  }
0x98: {  	s1 =	rddreg [dreg:$0x1];
	p0 =	sne.s32 s2, $0x0  }
0x99: {  	s3 =	rddreg [dreg:$0x2];
	[bflag:$0x3] =	sbarrier.arrive $0xFFFF;
	s2 =	simm.s32 @!p0 $0x1C07  }
0x9a: {  	[timem:s3], [sflag:s2] =	dma.local @!p0 [hbm:s0], s1  }
0x9b: {  	s0 =	simm.s32 @!p0 $0x7  }
0x9c: {  	_ =	swait.ge @!p0 [sflag:s0], s1  }
0x9d: {  	s1 =	ssub.s32 @!p0 $0x0, s1;
	[sflag:s0] =	ssyncset.done @!p0 $0x0  }
0x9e: {  	[sflag:s0] =	ssyncadd.s32 @!p0 s1  }
0x9f: {  	[bflag:$0x3] =	sbarrier.arrive $0xFFFF  }
0xa0: {  	_ =	shalt  }

// kernel: kernel.13.cloned.1.call-start
scs
__scs_entry_jumppad:
0x0: {  	(pc) =	sbr.rel $0x88, $3  }
0x1: {  	(tag) =	ssettag $0x0;
	lr =	simm.s32 $0x1  }
0x2: {  	[smem:$0x3F95] =	sst lr;
	_ =	strace $0xD0000000  }
0x3: {  	_ = 	snop  }
0x4: {  	_ = 	snop  }
0x5: {  	_ = 	snop  }
0x6: {  	_ = 	snop  }
0x7: {  	_ = 	snop  }
__scs_overlays_trampoline_lowered:
0x8: {  	[smem:$0x3FA4] =	sst s0  }
0x9: {  	[smem:$0x3FA5] =	sst s1  }
0xa: {  	[smem:$0x3FA6] =	sst s2  }
0xb: {  	[smem:$0x3FA7] =	sst s3  }
0xc: {  	[smem:$0x3FA8] =	sst s4  }
0xd: {  	[smem:$0x3FA9] =	sst s5  }
0xe: {  	[smem:$0x3FAA] =	sst s6  }
0xf: {  	[smem:$0x3FAB] =	sst s7  }
0x10: {  	[smem:$0x3FAC] =	sst s8  }
0x11: {  	[smem:$0x3FAD] =	sst s9;
	s0 =	simm.s32 @!p0 $0x0  }
0x12: {  	s1 =	sld [smem:$0x3F93];
	s0 =	simm.s32 @p0 $0x1  }
0x13: {  	[smem:$0x3FAE] =	sst s0;
	s0 =	simm.s32 @!p1 $0x0  }
0x14: {  	s2 =	sld [smem:$0x3F92];
	s0 =	simm.s32 @p1 $0x1  }
0x15: {  	[smem:$0x3FAF] =	sst s0;
	s0 =	simm.s32 @!p2 $0x0  }
0x16: {  	s3 =	sld [smem:$0x3FDB];
	s0 =	simm.s32 @p2 $0x1  }
0x17: {  	s4 =	simm.s32 $0x1BF5;
	[smem:$0x3FB1] =	sst s0  }
0x18: {  	s0 =	sld [smem:$0x3F94];
	_ =	swait.ge [sflag:s4], $0x0  }
0x19: {  	s7 =	sld [smem:$0x3F95]  }
0x1a: {  	s8 =	sadd.s32 $0xFFFFE003, lr  }
0x1b: {  	s9 =	sadd.s32 $0xFFFFFEF7, lr;
	s5 =	simm.s32 $0xFFFFFFFF;
	p2 =	slt.u32 s8, $0xFFFFF086  }
0x1c: {  	p1 =	slt.u32 s9, $0xF7A;
	s5 =	simm.s32 @!p2 $0x0  }
0x1d: {  	s5 =	simm.s32 @p1 $0x1;
	p0 =	seq.s32 s7, s2  }
0x1e: {  	s7 =	smul.u32 @!p0 $0xF7A, s2;
	p2 =	seq.s32 @!p0 s5, $0x0  }
0x1f: {  	s9 =	smul.u32 $0xF7A, s1;
	s8 =	simm.s32 @!p0 $0x1BF5;
	p2 =	por !p2, p0  }
0x20: {  	[sflag:s8] =	ssyncset.s32 @!p0 $0xFFFFF086;
	s6 =	sadd.s32 @!p0 s3, s7;
	s7 =	simm.s32 @!p0 $0x108  }
0x21: {  	s3 =	sadd.s32 s3, s9;
	s6 =	sadd.s32 @!p0 $0x88, s6;
	s7 =	simm.s32 @p2 $0x1082  }
0x22: {  	[simem:s7], [sflag:s8] =	dma.local @!p0 [hbm:s6], $0xF7A  }
0x23: {  	s9 =	sor.u32 $0xD0000000, s2;
	s6 =	simm.s32 $0x108;
	_ =	swait.ge @!p0 [sflag:s8], $0x0  }
0x24: {  	s3 =	sadd.s32 $0x88, s3;
	s6 =	simm.s32 @!p1 $0x1082;
	[sflag:s4] =	ssyncset.s32 $0xFFFFF086  }
0x25: {  	[simem:s6], [sflag:s4] =	dma.local [hbm:s3], $0xF7A  }
0x26: {  	[smem:$0x3F95] =	sst s1;
	(tag) =	ssettag s2;
	_ =	strace s9  }
0x27: {  	s1 =	sld [smem:$0x3FA5]  }
0x28: {  	s2 =	sld [smem:$0x3FA6]  }
0x29: {  	s4 =	sld [smem:$0x3FA8]  }
0x2a: {  	p0 =	seq.s32 s5, $0x0;
	s5 =	sld [smem:$0x3FA9]  }
0x2b: {  	s6 =	sld [smem:$0x3FAA]  }
0x2c: {  	s7 =	sld [smem:$0x3FAB]  }
0x2d: {  	s3 =	simm.s32 $0x108;
	s8 =	sld [smem:$0x3FAC]  }
0x2e: {  	s3 =	simm.s32 @!p0 $0x1082;
	s9 =	sld [smem:$0x3FAD]  }
0x2f: {  	lr =	sadd.s32 s0, s3;
	s0 =	sld [smem:$0x3FA4]  }
0x30: {  	s3 =	sld [smem:$0x3FA7]  }
0x31: {  	[smem:$0x3FB0] =	sst s10  }
0x32: {  	s10 =	sld [smem:$0x3FAE];
	_ =	sdelay $0x3  }
0x33: {  	p0 =	seq.s32 s10, $0x1;
	s10 =	sld [smem:$0x3FB0];
	_ =	sdelay $0x3  }
0x34: {  	[smem:$0x3FB0] =	sst s10  }
0x35: {  	s10 =	sld [smem:$0x3FAF];
	_ =	sdelay $0x3  }
0x36: {  	p1 =	seq.s32 s10, $0x1;
	s10 =	sld [smem:$0x3FB0];
	_ =	sdelay $0x3  }
0x37: {  	[smem:$0x3FB0] =	sst s10  }
0x38: {  	s10 =	sld [smem:$0x3FB1]  }
0x39: {  	_ = 	snop;
	(pc) =	sbr.ind lr, $3  }
0x3a: {  	_ = 	snop  }
0x3b: {  	_ = 	snop  }
0x3c: {  	p2 =	seq.s32 s10, $0x1;
	s10 =	sld [smem:$0x3FB0]  }
0x3d: {  	_ =	shalt  }
0x3e: {  	_ =	shalt  }
0x3f: {  	_ =	shalt  }
0x40: {  	_ =	shalt  }
0x41: {  	_ =	shalt  }
0x42: {  	_ =	shalt  }
0x43: {  	_ =	shalt  }
0x44: {  	_ =	shalt  }
0x45: {  	_ =	shalt  }
0x46: {  	_ =	shalt  }
0x47: {  	_ =	shalt  }
0x48: {  	_ =	shalt  }
0x49: {  	_ =	shalt  }
0x4a: {  	_ =	shalt  }
0x4b: {  	_ =	shalt  }
0x4c: {  	_ =	shalt  }
0x4d: {  	_ =	shalt  }
0x4e: {  	_ =	shalt  }
0x4f: {  	_ =	shalt  }
0x50: {  	_ =	shalt  }
0x51: {  	_ =	shalt  }
0x52: {  	_ =	shalt  }
0x53: {  	_ =	shalt  }
0x54: {  	_ =	shalt  }
0x55: {  	_ =	shalt  }
0x56: {  	_ =	shalt  }
0x57: {  	_ =	shalt  }
0x58: {  	_ =	shalt  }
0x59: {  	_ =	shalt  }
0x5a: {  	_ =	shalt  }
0x5b: {  	_ =	shalt  }
0x5c: {  	_ =	shalt  }
0x5d: {  	_ =	shalt  }
0x5e: {  	_ =	shalt  }
0x5f: {  	_ =	shalt  }
0x60: {  	_ =	shalt  }
0x61: {  	_ =	shalt  }
0x62: {  	_ =	shalt  }
0x63: {  	_ =	shalt  }
0x64: {  	_ =	shalt  }
0x65: {  	_ =	shalt  }
0x66: {  	_ =	shalt  }
0x67: {  	_ =	shalt  }
0x68: {  	_ =	shalt  }
0x69: {  	_ =	shalt  }
0x6a: {  	_ =	shalt  }
0x6b: {  	_ =	shalt  }
0x6c: {  	_ =	shalt  }
0x6d: {  	_ =	shalt  }
0x6e: {  	_ =	shalt  }
0x6f: {  	_ =	shalt  }
0x70: {  	_ =	shalt  }
0x71: {  	_ =	shalt  }
0x72: {  	_ =	shalt  }
0x73: {  	_ =	shalt  }
0x74: {  	_ =	shalt  }
0x75: {  	_ =	shalt  }
0x76: {  	_ =	shalt  }
0x77: {  	_ =	shalt  }
0x78: {  	_ =	shalt  }
0x79: {  	_ =	shalt  }
0x7a: {  	_ =	shalt  }
0x7b: {  	_ =	shalt  }
0x7c: {  	_ =	shalt  }
0x7d: {  	_ =	shalt  }
0x7e: {  	_ =	shalt  }
0x7f: {  	_ =	shalt  }
0x80: {  	_ =	shalt  }
0x81: {  	_ =	shalt  }
0x82: {  	_ =	shalt  }
0x83: {  	_ =	shalt  }
0x84: {  	_ =	shalt  }
0x85: {  	_ =	shalt  }
0x86: {  	_ =	shalt  }
0x87: {  	_ =	shalt  }
.Lfunc_end0:
.L_simem_size_0:
called_computation.1_lowered:
.L_overlay_start_0:
0x88: {  	s2 =	sld [smem:$0x3FD9]  }
0x89: {  	s3 =	sld [smem:$0x3FFE];
	_ =	sdelay $0x1  }
0x8a: {  	s1 =	srdreg.scid  }
0x8b: {  	s0 =	sand.u32 $0x1, s1  }
0x8c: {  	s16 =	sshll.u32 s0, $0xA;
	s2 =	sadd.s32 s3, s2  }
0x8d: {  	s2 =	sadd.s32 s2, s16  }
0x8e: {  	[smem:$0x3FBC] =	sst s2  }
0x8f: {  	_ = 	snop  }
0x90: {  	(tm) =	ssettm $0x1  }
0x91: {  	s17 =	sld [smem:$0x3FFB];
	_ =	sdelay $0x3  }
0x92: {  	_ =	strace s17  }
0x93: {  	s2 =	sld [smem:$0x3FFC];
	_ =	sdelay $0x3  }
0x94: {  	_ =	strace s2  }
0x95: {  	s2 =	sld [smem:$0x3FFD];
	_ =	sdelay $0x3  }
0x96: {  	_ =	strace s2  }
0x97: {  	_ =	strace $0x8FFFFFFF  }
0x98: {  	s18 =	sld [smem:$0x3FDB];
	_ =	sdelay $0x1  }
0x99: {  	s19 =	simm.s32 $_scs_section_size  }
0x9a: {  	s4 =	simm.s32 $_size__tile_overlayer_lowered;
	s5 =	simm.s32 $_tile_overlayer_lowered  }
0x9b: {  	s22 =	simm.s32 $0x1BFF;
	s21 =	sshll.u32 s5, $0x1;
	s2 =	sadd.s32 s19, s18  }
0x9c: {  	s6 =	simm.s32 $0x0;
	s20 =	sshll.u32 s4, $0x1;
	s4 =	sadd.s32 s21, s2  }
0x9d: {  	[timem:s6], [sflag:s22] =	dma.local [hbm:s4], s20  }
0x9e: {  	_ =	swait.ge [sflag:s22], s20  }
0x9f: {  	s3 =	ssub.s32 $0x0, s20;
	[sflag:s22] =	ssyncset.done $0x0  }
0xa0: {  	[sflag:s22] =	ssyncadd.s32 s3;
	_ =	sdelay $0x1  }
0xa1: {  	s23 =	simm.s32 $0x1B8B  }
0xa2: {  	_ =	swait.ge [sflag:s23], $0x1  }
0xa3: {  	[sflag:s23] =	ssyncset.done $0x0  }
0xa4: {  	s25 =	simm.s32 $0x1B8E;
	s24 =	sld [smem:$0x3FFE];
	[sflag:s23] =	ssyncadd.s32 $0xFFFFFFFF  }
0xa5: {  	s26 =	simm.s32 $execute0_lowered;
	[smem:$0x3FD2] =	sst s25  }
0xa6: {  	s4 =	sshll.u32 s26, $0x1;
	_ =	strace $0x80000049;
	[dreg:$0x1] =	wrdreg $0xFFFFFFFF  }
0xa7: {  	s28 =	simm.s32 $_size_execute0_lowered;
	s2 =	sadd.s32 s2, s4;
	[dreg:$0x0] =	wrdreg $0x0  }
0xa8: {  	s4 =	sshll.u32 s28, $0x1;
	[dreg:$0x2] =	wrdreg s2  }
0xa9: {  	[dreg:$0x3] =	wrdreg s4  }
0xaa: {  	[dreg:$0x4] =	wrdreg $0xC0  }
0xab: {  	_ =	task [dreg:s6], $0x5FFFF  }
0xac: {  	[dreg:$0x1] =	wrdreg $0xFFFFFFFF  }
0xad: {  	[dreg:$0x0] =	wrdreg $0x60  }
0xae: {  	[dreg:$0x2] =	wrdreg s24  }
0xaf: {  	[dreg:$0x3] =	wrdreg $0x7B000  }
0xb0: {  	[dreg:$0x4] =	wrdreg $0x9  }
0xb1: {  	_ =	task.clear_ibuf [dreg:s6], $0x5FFFF;
	_ =	strace $0x90000049  }
0xb2: {  	s29 =	simm.s32 $0x9;
	_ =	strace $0x8000004B  }
0xb3: {  	_ =	swait.ge [sflag:s29], $0x1  }
0xb4: {  	[sflag:s29] =	ssyncadd.s32 $0xFFFFFFFF  }
0xb5: {  	_ =	strace $0x9000004B  }
0xb6: {  	_ =	sfence  }
0xb7: {  	s30 =	sld [smem:$0x0];
	_ =	sdelay $0x2  }
0xb8: {  	s31 =	sshll.u32 s1, $0xD;
	s1 =	sshrl.u32 s1, $0x2  }
0xb9: {  	s3 =	sand.u32 $0x4000, s31;
	s1 =	sadd.s32 s1, s30  }
0xba: {  	s0 =	sor.u32 s3, s0;
	s1 =	sshll.u32 s1, $0x11  }
0xbb: {  	s0 =	sor.u32 s1, s0  }
0xbc: {  	s0 =	sadd.s32 $0x8F2B, s0  }
0xbd: {  	[sflag:s0] =	ssyncadd.remote.s32 $0x1  }
0xbe: {  	_ =	sfence.sel $0xFFFF  }
0xbf: {  	[dreg:$0x0] =	wrdreg $0xFFFFFFFF;
	(pc) =	sbr.abs _section_cstart, $3  }
0xc0: {  	[dreg:$0x1] =	wrdreg $0xFFFFFFFF  }
0xc1: {  	_ =	task.clear_ibuf [dreg:s6], $0x2FFFF;
	_ =	strace $0x9FFFFFFF  }
0xc2: {  	(tm) =	ssettm $0x7FFFFFFF  }
0xc3: {  	_ =	shalt  }
tec
execute0_lowered:
.L_overlay_start_1:
0x0: {  	(tag) =	ssettag $0x1  }
0x1: {  	s0 =	rddreg [dreg:$0x0]  }
0x2: {  	s1 =	rddreg [dreg:$0x1];
	s3 =	simm.s32 $0x0  }
0x3: {  	s2 =	srdreg.scid;
	s5 =	stileid.u32;
	s28 =	simm.s32 $0x50  }
0x4: {  	s29 =	simm.s32 $0x300;
	s31 =	simm.s32 $0x2B00;
	s7 =	smul.u32 $0x280, s5  }
0x5: {  	[smem:$0x7FF] =	sst s3;
	s2 =	sand.u32 $0x1, s2;
	s9 =	smul.u32 $0x50000, s5  }
0x6: {  	s4 =	sadd.s32 $0x6F600, s0;
	s13 =	sadd.s32 $0x5BC00, s0;
	s21 =	smul.u32 $0x4E20, s5  }
0x7: {  	s8 =	sadd.s32 $0x3C00, s0;
	s0 =	sadd.s32 $0xBD800, s0;
	s25 =	smul.u32 $0x14000, s5  }
0x8: {  	s22 =	sadd.s32 $0x12C000, s1;
	p0 =	seq.s32 s5, $0xF;
	s6 =	smul.u32 $0x2710, s2  }
0x9: {  	s30 =	simm.s32 $0x2;
	_ =	strace $0x8000004A;
	s11 =	smul.u32 $0x138800, s2  }
0xa: {  	s10 =	ssub.s32 $0x2, s2;
	s2 =	smul.u32 $0x4E200, s2;
	[dreg:$0x5] =	wrdreg s22  }
0xb: {  	s12 =	sshrl.u32 s10, $0x1;
	s20 =	sshrl.u32 s9, $0x2;
	s15 =	sshrl.u32 s21, $0x3  }
0xc: {  	s6 =	sadd.s32 s7, s6;
	s10 =	ssub.s32 s10, s12;
	s7 =	sadd.s32 s20, s1  }
0xd: {  	s23 =	sshrl.u32 s11, $0x3;
	s2 =	sadd.s32 s21, s2;
	s17 =	sadd.s32 s8, s15  }
0xe: {  	s18 =	sadd.s32 s25, s11;
	s20 =	smul.u32 $0x9C4, s5;
	s11 =	simm.s32 $0x5  }
0xf: {  	s15 =	simm.s32 $0x6;
	s12 =	simm.s32 $0xB;
	[dreg:$0x3] =	wrdreg s7  }
0x10: {  	s6 =	sshll.u32 s6, $0x4;
	s24 =	sshrl.u32 s2, $0x3;
	[dreg:$0x9] =	wrdreg s17  }
0x11: {  	s9 =	sadd.s32 $0xA, s17;
	s7 =	sshrl.u32 s18, $0x3;
	s21 =	smax.u32 s10, $0x1  }
0x12: {  	s22 =	sadd.s32 $0x190, s2;
	s6 =	sadd.s32 s4, s6;
	[dreg:$0xb] =	wrdreg s9  }
0x13: {  	s26 =	sadd.s32 s13, s24;
	s7 =	sadd.s32 s0, s7;
	[dreg:$0xe] =	wrdreg s21  }
0x14: {  	s18 =	sadd.s32 s20, s8;
	s24 =	sshrl.u32 s22, $0x3;
	s8 =	simm.s32 $0x5300  }
0x15: {  	s9 =	simm.s32 $0x8;
	[dreg:$0x4] =	wrdreg s6;
	s6 =	sadd.s32 $0x25800, s23  }
0x16: {  	s16 =	sadd.s32 $0xA, s26;
	[dreg:$0x7] =	wrdreg s26;
	s19 =	sadd.s32 $0x14, s26  }
0x17: {  	[dreg:$0xc] =	wrdreg s7;
	s23 =	sadd.s32 $0x140, s2;
	s26 =	sadd.s32 $0xF0, s2  }
0x18: {  	s2 =	simm.s32 $0x4;
	s7 =	simm.s32 $0x3;
	[dreg:$0x8] =	wrdreg s16  }
0x19: {  	s14 =	sadd.s32 s4, s6;
	[dreg:$0xa] =	wrdreg s19;
	s0 =	sadd.s32 s0, s6  }
0x1a: {  	s25 =	sshrl.u32 s23, $0x3;
	s19 =	smov.u32 s13;
	[dreg:$0x10] =	wrdreg s26  }
.Ltmp0:
0x1b: {  	s23 =	simm.s32 $0x100;
	s26 =	simm.s32 $0x1;
	(pc) =	sbr.rel .LBB2_1-.Ltmp0, $4  }
0x1c: {  	s6 =	simm.s32 $0x280;
	s16 =	simm.s32 $0x0;
	[dreg:$0x6] =	wrdreg s14  }
0x1d: {  	[dreg:$0xd] =	wrdreg s0;
	s0 =	sadd.s32 s24, s13;
	s20 =	sadd.s32 s25, s13  }
0x1e: {  	s24 =	simm.s32 $0x180;
	s25 =	simm.s32 $0x200;
	s13 =	simm.s32 $0xA  }
0x1f: {  	s14 =	simm.s32 $0x9;
	[dreg:$0xf] =	wrdreg s0;
	s0 =	simm.s32 $0x7  }
.LBB2_4:
0x20: {  	_ =	swait.ge [sflag:s15], $0x50  }
0x21: {  	[sflag:s15] =	ssyncset.done $0x0  }
0x22: {  	[sflag:s15] =	ssyncadd.s32 $0xFFFFFFB0  }
0x23: {  	[spmem:s1] =	stream.indirect.scatter.add.f32 [tilespmem:s8], [sflag:$0xC], $0x80, s6, s28, $0xb8;
	[tilespmem:$0x1B380] =	vst v63  }
0x24: {  	_ =	swait.ge [sflag:s12], $0x2800  }
0x25: {  	[sflag:s12] =	ssyncset.done $0x0  }
0x26: {  	[sflag:s12] =	ssyncadd.s32 $0xFFFFD800  }
0x27: {  	_ =	swait.ge [sflag:s0], $0x2800  }
0x28: {  	[sflag:s0] =	ssyncset.done $0x0  }
0x29: {  	[sflag:s0] =	ssyncadd.s32 $0xFFFFD800  }
0x2a: {  	_ =	swait.ge [sflag:s2], $0x50  }
0x2b: {  	[sflag:s2] =	ssyncset.done $0x0  }
0x2c: {  	s5 =	simm.s32 $0xD;
	[sflag:s2] =	ssyncadd.s32 $0xFFFFFFB0  }
0x2d: {  	[spmem:s1] =	stream.indirect.scatter.add.f32 [tilespmem:s29], [sflag:$0xD], $0x80, s24, s28, $0xb8;
	[tilespmem:$0x1B380] =	vst v63  }
0x2e: {  	_ =	swait.ge [sflag:s5], $0x2800  }
0x2f: {  	[sflag:s5] =	ssyncset.done $0x0  }
0x30: {  	s17 =	simm.s32 $0xC;
	[sflag:s5] =	ssyncadd.s32 $0xFFFFD800  }
0x31: {  	_ =	swait.ge [sflag:s17], $0x2800  }
0x32: {  	[sflag:s17] =	ssyncset.done $0x0  }
0x33: {  	[sflag:s17] =	ssyncadd.s32 $0xFFFFD800  }
0x34: {  	[bflag:$0x0] =	sbarrier.arrive $0xFFFF  }
0x35: {  	s10 =	rddreg [dreg:$0xd]  }
0x36: {  	s5 =	simm.s32 @p0 $0x1FCD;
	s16 =	rddreg [dreg:$0x12]  }
0x37: {  	[hbm:s10], [sflag:s5] =	dma.local @p0 [spmem:s16], $0x1900  }
0x38: {  	s5 =	simm.s32 @p0 $0xD  }
0x39: {  	_ =	swait.ge @p0 [sflag:s5], $0x1900  }
0x3a: {  	s10 =	rddreg [dreg:$0x13]  }
0x3b: {  	[sflag:s5] =	ssyncset.done @p0 $0x0;
	s16 =	rddreg [dreg:$0x14]  }
0x3c: {  	[sflag:s5] =	ssyncadd.s32 @p0 $0xFFFFE700;
	s5 =	rddreg [dreg:$0xc]  }
0x3d: {  	[hbm:s5], [sflag:s10] =	dma.local @!p0 [spmem:s16], $0x2800  }
0x3e: {  	s5 =	simm.s32 @!p0 $0xD  }
0x3f: {  	_ =	swait.ge @!p0 [sflag:s5], $0x2800  }
0x40: {  	s21 =	rddreg [dreg:$0x11]  }
0x41: {  	s22 =	rddreg [dreg:$0xe];
	s16 =	sadd.s32 $0x1, s21  }
0x42: {  	p1 =	sne.s32 s16, s22  }
.Ltmp1:
0x43: {  	_ = 	snop;
	(pc) =	sbr.rel @!p1 .LBB2_5-.Ltmp1, $3  }
0x44: {  	_ =	sdelay $0x1  }
0x45: {  	[sflag:s5] =	ssyncset.done @!p0 $0x0  }
0x46: {  	[sflag:s5] =	ssyncadd.s32 @!p0 $0xFFFFD800  }
.LBB2_1:
0x47: {  	[dreg:$0x11] =	wrdreg s16  }
0x48: {  	s5 =	rddreg [dreg:$0x5]  }
0x49: {  	s10 =	sshrl.u32 @p0 s5, $0x3;
	s5 =	rddreg [dreg:$0x6]  }
0x4a: {  	s16 =	simm.s32 @p0 $0x1FCD;
	[dreg:$0x12] =	wrdreg s10  }
0x4b: {  	[spmem:s10], [sflag:s16] =	dma.local @p0 [hbm:s5], $0x1900  }
0x4c: {  	s16 =	simm.s32 @p0 $0xD;
	s5 =	stileid.u32  }
0x4d: {  	_ =	swait.ge @p0 [sflag:s16], $0x1900;
	s17 =	sshll.u32 @!p0 s5, $0x6  }
0x4e: {  	[sflag:s16] =	ssyncset.done @p0 $0x0;
	s10 =	sor.u32 @!p0 $0x1C0D, s17;
	s5 =	rddreg [dreg:$0x3]  }
0x4f: {  	[sflag:s16] =	ssyncadd.s32 @p0 $0xFFFFE700;
	s16 =	sshrl.u32 @!p0 s5, $0x3;
	s5 =	rddreg [dreg:$0x4]  }
0x50: {  	[dreg:$0x13] =	wrdreg s10  }
0x51: {  	[dreg:$0x14] =	wrdreg s16  }
0x52: {  	[spmem:s16], [sflag:s10] =	dma.local @!p0 [hbm:s5], $0x2800  }
0x53: {  	s16 =	simm.s32 @!p0 $0xD  }
0x54: {  	_ =	swait.ge @!p0 [sflag:s16], $0x2800  }
0x55: {  	[sflag:s16] =	ssyncset.done @!p0 $0x0  }
0x56: {  	s22 =	rddreg [dreg:$0x7];
	[sflag:s16] =	ssyncadd.s32 @!p0 $0xFFFFD800  }
0x57: {  	[tilespmem:s3], [sflag:$0x1] =	stream.linear.gather [hbm4b:s22+s3], $0x50, $0x38;
	[tilespmem:$0x1B380] =	vst v63  }
0x58: {  	s10 =	rddreg [dreg:$0x8];
	s16 =	simm.s32 $0x80  }
0x59: {  	[tilespmem:s16], [sflag:$0x2] =	stream.linear.gather [hbm4b:s10+s3], $0x50, $0x38;
	[tilespmem:$0x1B380] =	vst v63  }
0x5a: {  	s17 =	rddreg [dreg:$0xa]  }
0x5b: {  	[tilespmem:s23], [sflag:$0x3] =	stream.linear.gather [hbm4b:s17+s3], $0x50, $0x38;
	[tilespmem:$0x1B380] =	vst v63  }
0x5c: {  	s21 =	rddreg [dreg:$0x9]  }
0x5d: {  	[tilespmem:s24], [sflag:$0x4] =	stream.linear.gather [hbm4b:s21+s3], $0x50, $0x38;
	[tilespmem:$0x1B380] =	vst v63  }
0x5e: {  	s22 =	rddreg [dreg:$0xb]  }
0x5f: {  	[tilespmem:s25], [sflag:$0x5] =	stream.linear.gather [hbm4b:s22+s3], $0x50, $0x38;
	[tilespmem:$0x1B380] =	vst v63  }
0x60: {  	_ =	swait.ge [sflag:s26], $0x50  }
0x61: {  	[sflag:s26] =	ssyncset.done $0x0  }
0x62: {  	[sflag:s26] =	ssyncadd.s32 $0xFFFFFFB0  }
0x63: {  	[tilespmem:s29], [sflag:$0x7] =	stream.indirect.gather [hbm4b:s4+s28], $0x80, s3, s28, $0xb8;
	[tilespmem:$0x1B380] =	vst v63  }
0x64: {  	_ =	swait.ge [sflag:s30], $0x50  }
0x65: {  	[sflag:s30] =	ssyncset.done $0x0  }
0x66: {  	[sflag:s30] =	ssyncadd.s32 $0xFFFFFFB0  }
0x67: {  	[tilespmem:s31], [sflag:$0x8] =	stream.indirect.gather [hbm4b:s4+s28], $0x80, s16, s28, $0xb8;
	[tilespmem:$0x1B380] =	vst v63  }
0x68: {  	s21 =	rddreg [dreg:$0x10];
	s16 =	simm.s32 $0x0  }
.LBB2_2:
0x69: {  	_ =	swait.ge [sflag:s0], $0x2800  }
0x6a: {  	s17 =	sshrl.u32 s21, $0x3;
	[sflag:s0] =	ssyncset.done $0x0  }
0x6b: {  	s17 =	sadd.s32 s19, s17;
	[sflag:s0] =	ssyncadd.s32 $0xFFFFD800  }
0x6c: {  	[tilespmem:s3], [sflag:$0x1] =	stream.linear.gather [hbm4b:s17+s3], $0x50, $0x38;
	[tilespmem:$0x1B380] =	vst v63  }
0x6d: {  	_ =	swait.ge [sflag:s2], $0x50  }
0x6e: {  	p1 =	seq.s32 s16, $0x0;
	[sflag:s2] =	ssyncset.done $0x0  }
0x6f: {  	s10 =	simm.s32 @!p1 $0xC;
	[sflag:s2] =	ssyncadd.s32 $0xFFFFFFB0  }
0x70: {  	[spmem:s1] =	stream.indirect.scatter.add.f32 [tilespmem:s29], [sflag:$0xA], $0x80, s24, s28, $0xb8;
	[tilespmem:$0x1B380] =	vst v63  }
0x71: {  	_ =	swait.ge @!p1 [sflag:s10], $0x2800  }
0x72: {  	s17 =	sadd.s32 s16, s18;
	[sflag:s10] =	ssyncset.done @!p1 $0x0  }
0x73: {  	s5 =	sadd.s32 $0x14, s17;
	[sflag:s10] =	ssyncadd.s32 @!p1 $0xFFFFD800  }
0x74: {  	[tilespmem:s6], [sflag:$0x6] =	stream.linear.gather [hbm4b:s5+s3], $0x50, $0x38;
	[tilespmem:$0x1B380] =	vst v63  }
0x75: {  	_ =	swait.ge [sflag:s7], $0x50  }
0x76: {  	[sflag:s7] =	ssyncset.done $0x0  }
0x77: {  	[sflag:s7] =	ssyncadd.s32 $0xFFFFFFB0  }
0x78: {  	[tilespmem:s8], [sflag:$0x9] =	stream.indirect.gather [hbm4b:s4+s28], $0x80, s23, s28, $0xb8;
	[tilespmem:$0x1B380] =	vst v63  }
0x79: {  	p1 =	seq.s32 s16, $0x99C;
	_ =	swait.ge [sflag:s9], $0x2800  }
0x7a: {  	s10 =	sadd.s32 @!p1 s16, s20;
	[sflag:s9] =	ssyncset.done $0x0  }
0x7b: {  	s22 =	simm.s32 @!p1 $0x0;
	s5 =	simm.s32 @!p1 $0x80;
	[sflag:s9] =	ssyncadd.s32 $0xFFFFD800  }
0x7c: {  	[tilespmem:s5], [sflag:$0x2] =	stream.linear.gather @!p1 [hbm4b:s10+s22], $0x50, $0x38;
	[tilespmem:$0x1B380] =	vst v63  }
0x7d: {  	_ =	swait.ge [sflag:s11], $0x50  }
0x7e: {  	[sflag:s11] =	ssyncset.done $0x0  }
0x7f: {  	[sflag:s11] =	ssyncadd.s32 $0xFFFFFFB0  }
0x80: {  	[spmem:s1] =	stream.indirect.scatter.add.f32 [tilespmem:s31], [sflag:$0xB], $0x80, s25, s28, $0xb8;
	[tilespmem:$0x1B380] =	vst v63  }
0x81: {  	_ =	swait.ge [sflag:s13], $0x2800  }
0x82: {  	[sflag:s13] =	ssyncset.done $0x0  }
0x83: {  	s22 =	sadd.s32 $0x1E, s17;
	[sflag:s13] =	ssyncadd.s32 $0xFFFFD800  }
0x84: {  	[tilespmem:s24], [sflag:$0x4] =	stream.linear.gather [hbm4b:s22+s3], $0x50, $0x38;
	[tilespmem:$0x1B380] =	vst v63  }
0x85: {  	_ =	swait.ge [sflag:s26], $0x50  }
0x86: {  	[sflag:s26] =	ssyncset.done $0x0  }
.Ltmp2:
0x87: {  	[sflag:s26] =	ssyncadd.s32 $0xFFFFFFB0;
	(pc) =	sbr.rel @p1 .LBB2_4-.Ltmp2, $4  }
0x88: {  	[tilespmem:s29], [sflag:$0x7] =	stream.indirect.gather [hbm4b:s4+s28], $0x80, s3, s28, $0xb8;
	[tilespmem:$0x1B380] =	vst v63  }
0x89: {  	_ =	swait.ge [sflag:s14], $0x2800  }
0x8a: {  	[sflag:s14] =	ssyncset.done $0x0  }
0x8b: {  	[sflag:s14] =	ssyncadd.s32 $0xFFFFD800  }
0x8c: {  	s5 =	rddreg [dreg:$0xf]  }
0x8d: {  	s5 =	sadd.s32 s16, s5  }
0x8e: {  	[tilespmem:s23], [sflag:$0x3] =	stream.linear.gather [hbm4b:s5+s3], $0x50, $0x38;
	[tilespmem:$0x1B380] =	vst v63  }
0x8f: {  	_ =	swait.ge [sflag:s15], $0x50  }
0x90: {  	[sflag:s15] =	ssyncset.done $0x0  }
0x91: {  	[sflag:s15] =	ssyncadd.s32 $0xFFFFFFB0  }
0x92: {  	[spmem:s1] =	stream.indirect.scatter.add.f32 [tilespmem:s8], [sflag:$0xC], $0x80, s6, s28, $0xb8;
	[tilespmem:$0x1B380] =	vst v63  }
0x93: {  	_ =	swait.ge [sflag:s12], $0x2800  }
0x94: {  	[sflag:s12] =	ssyncset.done $0x0  }
0x95: {  	s17 =	sadd.s32 $0x28, s17;
	[sflag:s12] =	ssyncadd.s32 $0xFFFFD800  }
0x96: {  	[tilespmem:s25], [sflag:$0x5] =	stream.linear.gather [hbm4b:s17+s3], $0x50, $0x38;
	[tilespmem:$0x1B380] =	vst v63  }
.Ltmp3:
0x97: {  	_ = 	snop;
	(pc) =	sbr.rel .LBB2_2-.Ltmp3, $4  }
0x98: {  	_ =	swait.ge [sflag:s30], $0x50  }
0x99: {  	s22 =	simm.s32 $0x80;
	[sflag:s30] =	ssyncset.done $0x0  }
0x9a: {  	s21 =	sadd.s32 $0xF0, s21;
	s16 =	sadd.s32 $0x1E, s16;
	[sflag:s30] =	ssyncadd.s32 $0xFFFFFFB0  }
0x9b: {  	[tilespmem:s31], [sflag:$0x8] =	stream.indirect.gather [hbm4b:s4+s28], $0x80, s22, s28, $0xb8;
	[tilespmem:$0x1B380] =	vst v63  }
.LBB2_5:
0x9c: {  	_ =	sfence.sel $0x180000  }
0x9d: {  	[bflag:$0x0] =	sbarrier.arrive $0xFFFF  }
0x9e: {  	_ =	strace $0x9000004A  }
0x9f: {  	s0 =	stileid.u32;
	[bflag:$0x2] =	sbarrier.arrive $0xFFFF  }
0xa0: {  	p0 =	sne.s32 s0, $0x0;
	s0 =	rddreg [dreg:$0x2]  }
0xa1: {  	s0 =	sadd.s32 @!p0 $0x100000, s0  }
0xa2: {  	[sflag:s0] =	ssyncadd.tile.s32 @!p0 $0x1;
	_ =	shalt  }
.Lfunc_end2:
_tile_overlayer_lowered:
.L_overlay_start_2:
0xa3: {  	(tag) =	ssettag $0x2  }
0xa4: {  	s0 =	rddreg [dreg:$0x0];
	s2 =	stileid.u32  }
0xa5: {  	s1 =	rddreg [dreg:$0x1];
	p0 =	sne.s32 s2, $0x0  }
0xa6: {  	s3 =	rddreg [dreg:$0x2];
	[bflag:$0x3] =	sbarrier.arrive $0xFFFF;
	s2 =	simm.s32 @!p0 $0x1C0D  }
0xa7: {  	[timem:s3], [sflag:s2] =	dma.local @!p0 [hbm:s0], s1  }
0xa8: {  	s0 =	simm.s32 @!p0 $0xD  }
0xa9: {  	_ =	swait.ge @!p0 [sflag:s0], s1  }
0xaa: {  	s1 =	ssub.s32 @!p0 $0x0, s1;
	[sflag:s0] =	ssyncset.done @!p0 $0x0  }
0xab: {  	[sflag:s0] =	ssyncadd.s32 @!p0 s1  }
0xac: {  	[bflag:$0x3] =	sbarrier.arrive $0xFFFF  }
0xad: {  	_ =	shalt  }

// kernel: kernel.16.cloned.1.call-start
scs
__scs_entry_jumppad:
0x0: {  	(pc) =	sbr.rel $0x88, $3  }
0x1: {  	(tag) =	ssettag $0x0;
	lr =	simm.s32 $0x1  }
0x2: {  	[smem:$0x3F95] =	sst lr;
	_ =	strace $0xD0000000  }
0x3: {  	_ = 	snop  }
0x4: {  	_ = 	snop  }
0x5: {  	_ = 	snop  }
0x6: {  	_ = 	snop  }
0x7: {  	_ = 	snop  }
__scs_overlays_trampoline_lowered:
0x8: {  	[smem:$0x3FA4] =	sst s0  }
0x9: {  	[smem:$0x3FA5] =	sst s1  }
0xa: {  	[smem:$0x3FA6] =	sst s2  }
0xb: {  	[smem:$0x3FA7] =	sst s3  }
0xc: {  	[smem:$0x3FA8] =	sst s4  }
0xd: {  	[smem:$0x3FA9] =	sst s5  }
0xe: {  	[smem:$0x3FAA] =	sst s6  }
0xf: {  	[smem:$0x3FAB] =	sst s7  }
0x10: {  	[smem:$0x3FAC] =	sst s8  }
0x11: {  	[smem:$0x3FAD] =	sst s9;
	s0 =	simm.s32 @!p0 $0x0  }
0x12: {  	s1 =	sld [smem:$0x3F93];
	s0 =	simm.s32 @p0 $0x1  }
0x13: {  	[smem:$0x3FAE] =	sst s0;
	s0 =	simm.s32 @!p1 $0x0  }
0x14: {  	s2 =	sld [smem:$0x3F92];
	s0 =	simm.s32 @p1 $0x1  }
0x15: {  	[smem:$0x3FAF] =	sst s0;
	s0 =	simm.s32 @!p2 $0x0  }
0x16: {  	s3 =	sld [smem:$0x3FDB];
	s0 =	simm.s32 @p2 $0x1  }
0x17: {  	s4 =	simm.s32 $0x1BF5;
	[smem:$0x3FB1] =	sst s0  }
0x18: {  	s0 =	sld [smem:$0x3F94];
	_ =	swait.ge [sflag:s4], $0x0  }
0x19: {  	s7 =	sld [smem:$0x3F95]  }
0x1a: {  	s8 =	sadd.s32 $0xFFFFE003, lr  }
0x1b: {  	s9 =	sadd.s32 $0xFFFFFEF7, lr;
	s5 =	simm.s32 $0xFFFFFFFF;
	p2 =	slt.u32 s8, $0xFFFFF086  }
0x1c: {  	p1 =	slt.u32 s9, $0xF7A;
	s5 =	simm.s32 @!p2 $0x0  }
0x1d: {  	s5 =	simm.s32 @p1 $0x1;
	p0 =	seq.s32 s7, s2  }
0x1e: {  	s7 =	smul.u32 @!p0 $0xF7A, s2;
	p2 =	seq.s32 @!p0 s5, $0x0  }
0x1f: {  	s9 =	smul.u32 $0xF7A, s1;
	s8 =	simm.s32 @!p0 $0x1BF5;
	p2 =	por !p2, p0  }
0x20: {  	[sflag:s8] =	ssyncset.s32 @!p0 $0xFFFFF086;
	s6 =	sadd.s32 @!p0 s3, s7;
	s7 =	simm.s32 @!p0 $0x108  }
0x21: {  	s3 =	sadd.s32 s3, s9;
	s6 =	sadd.s32 @!p0 $0x88, s6;
	s7 =	simm.s32 @p2 $0x1082  }
0x22: {  	[simem:s7], [sflag:s8] =	dma.local @!p0 [hbm:s6], $0xF7A  }
0x23: {  	s9 =	sor.u32 $0xD0000000, s2;
	s6 =	simm.s32 $0x108;
	_ =	swait.ge @!p0 [sflag:s8], $0x0  }
0x24: {  	s3 =	sadd.s32 $0x88, s3;
	s6 =	simm.s32 @!p1 $0x1082;
	[sflag:s4] =	ssyncset.s32 $0xFFFFF086  }
0x25: {  	[simem:s6], [sflag:s4] =	dma.local [hbm:s3], $0xF7A  }
0x26: {  	[smem:$0x3F95] =	sst s1;
	(tag) =	ssettag s2;
	_ =	strace s9  }
0x27: {  	s1 =	sld [smem:$0x3FA5]  }
0x28: {  	s2 =	sld [smem:$0x3FA6]  }
0x29: {  	s4 =	sld [smem:$0x3FA8]  }
0x2a: {  	p0 =	seq.s32 s5, $0x0;
	s5 =	sld [smem:$0x3FA9]  }
0x2b: {  	s6 =	sld [smem:$0x3FAA]  }
0x2c: {  	s7 =	sld [smem:$0x3FAB]  }
0x2d: {  	s3 =	simm.s32 $0x108;
	s8 =	sld [smem:$0x3FAC]  }
0x2e: {  	s3 =	simm.s32 @!p0 $0x1082;
	s9 =	sld [smem:$0x3FAD]  }
0x2f: {  	lr =	sadd.s32 s0, s3;
	s0 =	sld [smem:$0x3FA4]  }
0x30: {  	s3 =	sld [smem:$0x3FA7]  }
0x31: {  	[smem:$0x3FB0] =	sst s10  }
0x32: {  	s10 =	sld [smem:$0x3FAE];
	_ =	sdelay $0x3  }
0x33: {  	p0 =	seq.s32 s10, $0x1;
	s10 =	sld [smem:$0x3FB0];
	_ =	sdelay $0x3  }
0x34: {  	[smem:$0x3FB0] =	sst s10  }
0x35: {  	s10 =	sld [smem:$0x3FAF];
	_ =	sdelay $0x3  }
0x36: {  	p1 =	seq.s32 s10, $0x1;
	s10 =	sld [smem:$0x3FB0];
	_ =	sdelay $0x3  }
0x37: {  	[smem:$0x3FB0] =	sst s10  }
0x38: {  	s10 =	sld [smem:$0x3FB1]  }
0x39: {  	_ = 	snop;
	(pc) =	sbr.ind lr, $3  }
0x3a: {  	_ = 	snop  }
0x3b: {  	_ = 	snop  }
0x3c: {  	p2 =	seq.s32 s10, $0x1;
	s10 =	sld [smem:$0x3FB0]  }
0x3d: {  	_ =	shalt  }
0x3e: {  	_ =	shalt  }
0x3f: {  	_ =	shalt  }
0x40: {  	_ =	shalt  }
0x41: {  	_ =	shalt  }
0x42: {  	_ =	shalt  }
0x43: {  	_ =	shalt  }
0x44: {  	_ =	shalt  }
0x45: {  	_ =	shalt  }
0x46: {  	_ =	shalt  }
0x47: {  	_ =	shalt  }
0x48: {  	_ =	shalt  }
0x49: {  	_ =	shalt  }
0x4a: {  	_ =	shalt  }
0x4b: {  	_ =	shalt  }
0x4c: {  	_ =	shalt  }
0x4d: {  	_ =	shalt  }
0x4e: {  	_ =	shalt  }
0x4f: {  	_ =	shalt  }
0x50: {  	_ =	shalt  }
0x51: {  	_ =	shalt  }
0x52: {  	_ =	shalt  }
0x53: {  	_ =	shalt  }
0x54: {  	_ =	shalt  }
0x55: {  	_ =	shalt  }
0x56: {  	_ =	shalt  }
0x57: {  	_ =	shalt  }
0x58: {  	_ =	shalt  }
0x59: {  	_ =	shalt  }
0x5a: {  	_ =	shalt  }
0x5b: {  	_ =	shalt  }
0x5c: {  	_ =	shalt  }
0x5d: {  	_ =	shalt  }
0x5e: {  	_ =	shalt  }
0x5f: {  	_ =	shalt  }
0x60: {  	_ =	shalt  }
0x61: {  	_ =	shalt  }
0x62: {  	_ =	shalt  }
0x63: {  	_ =	shalt  }
0x64: {  	_ =	shalt  }
0x65: {  	_ =	shalt  }
0x66: {  	_ =	shalt  }
0x67: {  	_ =	shalt  }
0x68: {  	_ =	shalt  }
0x69: {  	_ =	shalt  }
0x6a: {  	_ =	shalt  }
0x6b: {  	_ =	shalt  }
0x6c: {  	_ =	shalt  }
0x6d: {  	_ =	shalt  }
0x6e: {  	_ =	shalt  }
0x6f: {  	_ =	shalt  }
0x70: {  	_ =	shalt  }
0x71: {  	_ =	shalt  }
0x72: {  	_ =	shalt  }
0x73: {  	_ =	shalt  }
0x74: {  	_ =	shalt  }
0x75: {  	_ =	shalt  }
0x76: {  	_ =	shalt  }
0x77: {  	_ =	shalt  }
0x78: {  	_ =	shalt  }
0x79: {  	_ =	shalt  }
0x7a: {  	_ =	shalt  }
0x7b: {  	_ =	shalt  }
0x7c: {  	_ =	shalt  }
0x7d: {  	_ =	shalt  }
0x7e: {  	_ =	shalt  }
0x7f: {  	_ =	shalt  }
0x80: {  	_ =	shalt  }
0x81: {  	_ =	shalt  }
0x82: {  	_ =	shalt  }
0x83: {  	_ =	shalt  }
0x84: {  	_ =	shalt  }
0x85: {  	_ =	shalt  }
0x86: {  	_ =	shalt  }
0x87: {  	_ =	shalt  }
.Lfunc_end0:
.L_simem_size_0:
called_computation.2_lowered:
.L_overlay_start_0:
0x88: {  	s2 =	sld [smem:$0x3FD9]  }
0x89: {  	s3 =	sld [smem:$0x3FFE];
	_ =	sdelay $0x1  }
0x8a: {  	s1 =	srdreg.scid  }
0x8b: {  	s0 =	sand.u32 $0x1, s1  }
0x8c: {  	s16 =	sshll.u32 s0, $0xA;
	s2 =	sadd.s32 s3, s2  }
0x8d: {  	s2 =	sadd.s32 s2, s16  }
0x8e: {  	[smem:$0x3FBC] =	sst s2  }
0x8f: {  	_ = 	snop  }
0x90: {  	(tm) =	ssettm $0x1  }
0x91: {  	s17 =	sld [smem:$0x3FFB];
	_ =	sdelay $0x3  }
0x92: {  	_ =	strace s17  }
0x93: {  	s2 =	sld [smem:$0x3FFC];
	_ =	sdelay $0x3  }
0x94: {  	_ =	strace s2  }
0x95: {  	s2 =	sld [smem:$0x3FFD];
	_ =	sdelay $0x3  }
0x96: {  	_ =	strace s2  }
0x97: {  	_ =	strace $0x8FFFFFFF  }
0x98: {  	s18 =	sld [smem:$0x3FDB];
	_ =	sdelay $0x1  }
0x99: {  	s19 =	simm.s32 $_scs_section_size  }
0x9a: {  	s4 =	simm.s32 $_size__tile_overlayer_lowered;
	s5 =	simm.s32 $_tile_overlayer_lowered  }
0x9b: {  	s22 =	simm.s32 $0x1BFF;
	s21 =	sshll.u32 s5, $0x1;
	s2 =	sadd.s32 s19, s18  }
0x9c: {  	s6 =	simm.s32 $0x0;
	s20 =	sshll.u32 s4, $0x1;
	s4 =	sadd.s32 s21, s2  }
0x9d: {  	[timem:s6], [sflag:s22] =	dma.local [hbm:s4], s20  }
0x9e: {  	_ =	swait.ge [sflag:s22], s20  }
0x9f: {  	s3 =	ssub.s32 $0x0, s20;
	[sflag:s22] =	ssyncset.done $0x0  }
0xa0: {  	[sflag:s22] =	ssyncadd.s32 s3;
	_ =	sdelay $0x1  }
0xa1: {  	s23 =	simm.s32 $0x1B8B  }
0xa2: {  	_ =	swait.ge [sflag:s23], $0x1  }
0xa3: {  	[sflag:s23] =	ssyncset.done $0x0  }
0xa4: {  	s25 =	simm.s32 $0x1B8E;
	s24 =	sld [smem:$0x3FFE];
	[sflag:s23] =	ssyncadd.s32 $0xFFFFFFFF  }
0xa5: {  	s26 =	simm.s32 $execute0_lowered;
	[smem:$0x3FD2] =	sst s25  }
0xa6: {  	s4 =	sshll.u32 s26, $0x1;
	_ =	strace $0x8000004C;
	[dreg:$0x1] =	wrdreg $0xFFFFFFFF  }
0xa7: {  	s28 =	simm.s32 $_size_execute0_lowered;
	s2 =	sadd.s32 s2, s4;
	[dreg:$0x0] =	wrdreg $0x0  }
0xa8: {  	s4 =	sshll.u32 s28, $0x1;
	[dreg:$0x2] =	wrdreg s2  }
0xa9: {  	[dreg:$0x3] =	wrdreg s4  }
0xaa: {  	[dreg:$0x4] =	wrdreg $0xC0  }
0xab: {  	_ =	task [dreg:s6], $0x5FFFF  }
0xac: {  	[dreg:$0x1] =	wrdreg $0xFFFFFFFF  }
0xad: {  	[dreg:$0x0] =	wrdreg $0x60  }
0xae: {  	[dreg:$0x2] =	wrdreg s24  }
0xaf: {  	[dreg:$0x3] =	wrdreg $0x7B000  }
0xb0: {  	[dreg:$0x4] =	wrdreg $0x9  }
0xb1: {  	_ =	task.clear_ibuf [dreg:s6], $0x5FFFF;
	_ =	strace $0x9000004C  }
0xb2: {  	s29 =	simm.s32 $0x9;
	_ =	strace $0x8000004E  }
0xb3: {  	_ =	swait.ge [sflag:s29], $0x1  }
0xb4: {  	[sflag:s29] =	ssyncadd.s32 $0xFFFFFFFF  }
0xb5: {  	_ =	strace $0x9000004E  }
0xb6: {  	_ =	sfence  }
0xb7: {  	s30 =	sld [smem:$0x0];
	_ =	sdelay $0x2  }
0xb8: {  	s31 =	sshll.u32 s1, $0xD;
	s1 =	sshrl.u32 s1, $0x2  }
0xb9: {  	s3 =	sand.u32 $0x4000, s31;
	s1 =	sadd.s32 s1, s30  }
0xba: {  	s0 =	sor.u32 s3, s0;
	s1 =	sshll.u32 s1, $0x11  }
0xbb: {  	s0 =	sor.u32 s1, s0  }
0xbc: {  	s0 =	sadd.s32 $0x8F2B, s0  }
0xbd: {  	[sflag:s0] =	ssyncadd.remote.s32 $0x1  }
0xbe: {  	_ =	sfence.sel $0xFFFF  }
0xbf: {  	[dreg:$0x0] =	wrdreg $0xFFFFFFFF;
	(pc) =	sbr.abs _section_cstart, $3  }
0xc0: {  	[dreg:$0x1] =	wrdreg $0xFFFFFFFF  }
0xc1: {  	_ =	task.clear_ibuf [dreg:s6], $0x2FFFF;
	_ =	strace $0x9FFFFFFF  }
0xc2: {  	(tm) =	ssettm $0x7FFFFFFF  }
0xc3: {  	_ =	shalt  }
tec
execute0_lowered:
.L_overlay_start_1:
0x0: {  	(tag) =	ssettag $0x1  }
0x1: {  	s0 =	rddreg [dreg:$0x0]  }
0x2: {  	s1 =	rddreg [dreg:$0x1];
	s3 =	simm.s32 $0x0  }
0x3: {  	s2 =	srdreg.scid;
	s5 =	stileid.u32;
	s28 =	simm.s32 $0x50  }
0x4: {  	s29 =	simm.s32 $0x300;
	s31 =	simm.s32 $0x2B00;
	s7 =	smul.u32 $0x280, s5  }
0x5: {  	[smem:$0x7FF] =	sst s3;
	s2 =	sand.u32 $0x1, s2;
	s9 =	smul.u32 $0x50000, s5  }
0x6: {  	s4 =	sadd.s32 $0x6F600, s0;
	s13 =	sadd.s32 $0x5BC00, s0;
	s21 =	smul.u32 $0x4E20, s5  }
0x7: {  	s8 =	sadd.s32 $0x3C00, s0;
	s0 =	sadd.s32 $0xBD800, s0;
	s25 =	smul.u32 $0x14000, s5  }
0x8: {  	s22 =	sadd.s32 $0x12C000, s1;
	p0 =	seq.s32 s5, $0xF;
	s6 =	smul.u32 $0x2710, s2  }
0x9: {  	s30 =	simm.s32 $0x2;
	_ =	strace $0x8000004D;
	s11 =	smul.u32 $0x138800, s2  }
0xa: {  	s10 =	ssub.s32 $0x2, s2;
	s2 =	smul.u32 $0x4E200, s2;
	[dreg:$0x5] =	wrdreg s22  }
0xb: {  	s12 =	sshrl.u32 s10, $0x1;
	s20 =	sshrl.u32 s9, $0x2;
	s15 =	sshrl.u32 s21, $0x3  }
0xc: {  	s6 =	sadd.s32 s7, s6;
	s10 =	ssub.s32 s10, s12;
	s7 =	sadd.s32 s20, s1  }
0xd: {  	s23 =	sshrl.u32 s11, $0x3;
	s2 =	sadd.s32 s21, s2;
	s17 =	sadd.s32 s8, s15  }
0xe: {  	s18 =	sadd.s32 s25, s11;
	s20 =	smul.u32 $0x9C4, s5;
	s11 =	simm.s32 $0x5  }
0xf: {  	s15 =	simm.s32 $0x6;
	s12 =	simm.s32 $0xB;
	[dreg:$0x3] =	wrdreg s7  }
0x10: {  	s6 =	sshll.u32 s6, $0x4;
	s24 =	sshrl.u32 s2, $0x3;
	[dreg:$0x9] =	wrdreg s17  }
0x11: {  	s9 =	sadd.s32 $0xA, s17;
	s7 =	sshrl.u32 s18, $0x3;
	s21 =	smax.u32 s10, $0x1  }
0x12: {  	s22 =	sadd.s32 $0x190, s2;
	s6 =	sadd.s32 s4, s6;
	[dreg:$0xb] =	wrdreg s9  }
0x13: {  	s26 =	sadd.s32 s13, s24;
	s7 =	sadd.s32 s0, s7;
	[dreg:$0xe] =	wrdreg s21  }
0x14: {  	s18 =	sadd.s32 s20, s8;
	s24 =	sshrl.u32 s22, $0x3;
	s8 =	simm.s32 $0x5300  }
0x15: {  	s9 =	simm.s32 $0x8;
	[dreg:$0x4] =	wrdreg s6;
	s6 =	sadd.s32 $0x25800, s23  }
0x16: {  	s16 =	sadd.s32 $0xA, s26;
	[dreg:$0x7] =	wrdreg s26;
	s19 =	sadd.s32 $0x14, s26  }
0x17: {  	[dreg:$0xc] =	wrdreg s7;
	s23 =	sadd.s32 $0x140, s2;
	s26 =	sadd.s32 $0xF0, s2  }
0x18: {  	s2 =	simm.s32 $0x4;
	s7 =	simm.s32 $0x3;
	[dreg:$0x8] =	wrdreg s16  }
0x19: {  	s14 =	sadd.s32 s4, s6;
	[dreg:$0xa] =	wrdreg s19;
	s0 =	sadd.s32 s0, s6  }
0x1a: {  	s25 =	sshrl.u32 s23, $0x3;
	s19 =	smov.u32 s13;
	[dreg:$0x10] =	wrdreg s26  }
.Ltmp0:
0x1b: {  	s23 =	simm.s32 $0x100;
	s26 =	simm.s32 $0x1;
	(pc) =	sbr.rel .LBB2_1-.Ltmp0, $4  }
0x1c: {  	s6 =	simm.s32 $0x280;
	s16 =	simm.s32 $0x0;
	[dreg:$0x6] =	wrdreg s14  }
0x1d: {  	[dreg:$0xd] =	wrdreg s0;
	s0 =	sadd.s32 s24, s13;
	s20 =	sadd.s32 s25, s13  }
0x1e: {  	s24 =	simm.s32 $0x180;
	s25 =	simm.s32 $0x200;
	s13 =	simm.s32 $0xA  }
0x1f: {  	s14 =	simm.s32 $0x9;
	[dreg:$0xf] =	wrdreg s0;
	s0 =	simm.s32 $0x7  }
.LBB2_4:
0x20: {  	_ =	swait.ge [sflag:s15], $0x50  }
0x21: {  	[sflag:s15] =	ssyncset.done $0x0  }
0x22: {  	[sflag:s15] =	ssyncadd.s32 $0xFFFFFFB0  }
0x23: {  	[spmem:s1] =	stream.indirect.scatter.add.f32 [tilespmem:s8], [sflag:$0xC], $0x80, s6, s28, $0xb8;
	[tilespmem:$0x1B380] =	vst v63  }
0x24: {  	_ =	swait.ge [sflag:s12], $0x2800  }
0x25: {  	[sflag:s12] =	ssyncset.done $0x0  }
0x26: {  	[sflag:s12] =	ssyncadd.s32 $0xFFFFD800  }
0x27: {  	_ =	swait.ge [sflag:s0], $0x2800  }
0x28: {  	[sflag:s0] =	ssyncset.done $0x0  }
0x29: {  	[sflag:s0] =	ssyncadd.s32 $0xFFFFD800  }
0x2a: {  	_ =	swait.ge [sflag:s2], $0x50  }
0x2b: {  	[sflag:s2] =	ssyncset.done $0x0  }
0x2c: {  	s5 =	simm.s32 $0xD;
	[sflag:s2] =	ssyncadd.s32 $0xFFFFFFB0  }
0x2d: {  	[spmem:s1] =	stream.indirect.scatter.add.f32 [tilespmem:s29], [sflag:$0xD], $0x80, s24, s28, $0xb8;
	[tilespmem:$0x1B380] =	vst v63  }
0x2e: {  	_ =	swait.ge [sflag:s5], $0x2800  }
0x2f: {  	[sflag:s5] =	ssyncset.done $0x0  }
0x30: {  	s17 =	simm.s32 $0xC;
	[sflag:s5] =	ssyncadd.s32 $0xFFFFD800  }
0x31: {  	_ =	swait.ge [sflag:s17], $0x2800  }
0x32: {  	[sflag:s17] =	ssyncset.done $0x0  }
0x33: {  	[sflag:s17] =	ssyncadd.s32 $0xFFFFD800  }
0x34: {  	[bflag:$0x0] =	sbarrier.arrive $0xFFFF  }
0x35: {  	s10 =	rddreg [dreg:$0xd]  }
0x36: {  	s5 =	simm.s32 @p0 $0x1FCD;
	s16 =	rddreg [dreg:$0x12]  }
0x37: {  	[hbm:s10], [sflag:s5] =	dma.local @p0 [spmem:s16], $0x1900  }
0x38: {  	s5 =	simm.s32 @p0 $0xD  }
0x39: {  	_ =	swait.ge @p0 [sflag:s5], $0x1900  }
0x3a: {  	s10 =	rddreg [dreg:$0x13]  }
0x3b: {  	[sflag:s5] =	ssyncset.done @p0 $0x0;
	s16 =	rddreg [dreg:$0x14]  }
0x3c: {  	[sflag:s5] =	ssyncadd.s32 @p0 $0xFFFFE700;
	s5 =	rddreg [dreg:$0xc]  }
0x3d: {  	[hbm:s5], [sflag:s10] =	dma.local @!p0 [spmem:s16], $0x2800  }
0x3e: {  	s5 =	simm.s32 @!p0 $0xD  }
0x3f: {  	_ =	swait.ge @!p0 [sflag:s5], $0x2800  }
0x40: {  	s21 =	rddreg [dreg:$0x11]  }
0x41: {  	s22 =	rddreg [dreg:$0xe];
	s16 =	sadd.s32 $0x1, s21  }
0x42: {  	p1 =	sne.s32 s16, s22  }
.Ltmp1:
0x43: {  	_ = 	snop;
	(pc) =	sbr.rel @!p1 .LBB2_5-.Ltmp1, $3  }
0x44: {  	_ =	sdelay $0x1  }
0x45: {  	[sflag:s5] =	ssyncset.done @!p0 $0x0  }
0x46: {  	[sflag:s5] =	ssyncadd.s32 @!p0 $0xFFFFD800  }
.LBB2_1:
0x47: {  	[dreg:$0x11] =	wrdreg s16  }
0x48: {  	s5 =	rddreg [dreg:$0x5]  }
0x49: {  	s10 =	sshrl.u32 @p0 s5, $0x3;
	s5 =	rddreg [dreg:$0x6]  }
0x4a: {  	s16 =	simm.s32 @p0 $0x1FCD;
	[dreg:$0x12] =	wrdreg s10  }
0x4b: {  	[spmem:s10], [sflag:s16] =	dma.local @p0 [hbm:s5], $0x1900  }
0x4c: {  	s16 =	simm.s32 @p0 $0xD;
	s5 =	stileid.u32  }
0x4d: {  	_ =	swait.ge @p0 [sflag:s16], $0x1900;
	s17 =	sshll.u32 @!p0 s5, $0x6  }
0x4e: {  	[sflag:s16] =	ssyncset.done @p0 $0x0;
	s10 =	sor.u32 @!p0 $0x1C0D, s17;
	s5 =	rddreg [dreg:$0x3]  }
0x4f: {  	[sflag:s16] =	ssyncadd.s32 @p0 $0xFFFFE700;
	s16 =	sshrl.u32 @!p0 s5, $0x3;
	s5 =	rddreg [dreg:$0x4]  }
0x50: {  	[dreg:$0x13] =	wrdreg s10  }
0x51: {  	[dreg:$0x14] =	wrdreg s16  }
0x52: {  	[spmem:s16], [sflag:s10] =	dma.local @!p0 [hbm:s5], $0x2800  }
0x53: {  	s16 =	simm.s32 @!p0 $0xD  }
0x54: {  	_ =	swait.ge @!p0 [sflag:s16], $0x2800  }
0x55: {  	[sflag:s16] =	ssyncset.done @!p0 $0x0  }
0x56: {  	s22 =	rddreg [dreg:$0x7];
	[sflag:s16] =	ssyncadd.s32 @!p0 $0xFFFFD800  }
0x57: {  	[tilespmem:s3], [sflag:$0x1] =	stream.linear.gather [hbm4b:s22+s3], $0x50, $0x38;
	[tilespmem:$0x1B380] =	vst v63  }
0x58: {  	s10 =	rddreg [dreg:$0x8];
	s16 =	simm.s32 $0x80  }
0x59: {  	[tilespmem:s16], [sflag:$0x2] =	stream.linear.gather [hbm4b:s10+s3], $0x50, $0x38;
	[tilespmem:$0x1B380] =	vst v63  }
0x5a: {  	s17 =	rddreg [dreg:$0xa]  }
0x5b: {  	[tilespmem:s23], [sflag:$0x3] =	stream.linear.gather [hbm4b:s17+s3], $0x50, $0x38;
	[tilespmem:$0x1B380] =	vst v63  }
0x5c: {  	s21 =	rddreg [dreg:$0x9]  }
0x5d: {  	[tilespmem:s24], [sflag:$0x4] =	stream.linear.gather [hbm4b:s21+s3], $0x50, $0x38;
	[tilespmem:$0x1B380] =	vst v63  }
0x5e: {  	s22 =	rddreg [dreg:$0xb]  }
0x5f: {  	[tilespmem:s25], [sflag:$0x5] =	stream.linear.gather [hbm4b:s22+s3], $0x50, $0x38;
	[tilespmem:$0x1B380] =	vst v63  }
0x60: {  	_ =	swait.ge [sflag:s26], $0x50  }
0x61: {  	[sflag:s26] =	ssyncset.done $0x0  }
0x62: {  	[sflag:s26] =	ssyncadd.s32 $0xFFFFFFB0  }
0x63: {  	[tilespmem:s29], [sflag:$0x7] =	stream.indirect.gather [hbm4b:s4+s28], $0x80, s3, s28, $0xb8;
	[tilespmem:$0x1B380] =	vst v63  }
0x64: {  	_ =	swait.ge [sflag:s30], $0x50  }
0x65: {  	[sflag:s30] =	ssyncset.done $0x0  }
0x66: {  	[sflag:s30] =	ssyncadd.s32 $0xFFFFFFB0  }
0x67: {  	[tilespmem:s31], [sflag:$0x8] =	stream.indirect.gather [hbm4b:s4+s28], $0x80, s16, s28, $0xb8;
	[tilespmem:$0x1B380] =	vst v63  }
0x68: {  	s21 =	rddreg [dreg:$0x10];
	s16 =	simm.s32 $0x0  }
.LBB2_2:
0x69: {  	_ =	swait.ge [sflag:s0], $0x2800  }
0x6a: {  	s17 =	sshrl.u32 s21, $0x3;
	[sflag:s0] =	ssyncset.done $0x0  }
0x6b: {  	s17 =	sadd.s32 s19, s17;
	[sflag:s0] =	ssyncadd.s32 $0xFFFFD800  }
0x6c: {  	[tilespmem:s3], [sflag:$0x1] =	stream.linear.gather [hbm4b:s17+s3], $0x50, $0x38;
	[tilespmem:$0x1B380] =	vst v63  }
0x6d: {  	_ =	swait.ge [sflag:s2], $0x50  }
0x6e: {  	p1 =	seq.s32 s16, $0x0;
	[sflag:s2] =	ssyncset.done $0x0  }
0x6f: {  	s10 =	simm.s32 @!p1 $0xC;
	[sflag:s2] =	ssyncadd.s32 $0xFFFFFFB0  }
0x70: {  	[spmem:s1] =	stream.indirect.scatter.add.f32 [tilespmem:s29], [sflag:$0xA], $0x80, s24, s28, $0xb8;
	[tilespmem:$0x1B380] =	vst v63  }
0x71: {  	_ =	swait.ge @!p1 [sflag:s10], $0x2800  }
0x72: {  	s17 =	sadd.s32 s16, s18;
	[sflag:s10] =	ssyncset.done @!p1 $0x0  }
0x73: {  	s5 =	sadd.s32 $0x14, s17;
	[sflag:s10] =	ssyncadd.s32 @!p1 $0xFFFFD800  }
0x74: {  	[tilespmem:s6], [sflag:$0x6] =	stream.linear.gather [hbm4b:s5+s3], $0x50, $0x38;
	[tilespmem:$0x1B380] =	vst v63  }
0x75: {  	_ =	swait.ge [sflag:s7], $0x50  }
0x76: {  	[sflag:s7] =	ssyncset.done $0x0  }
0x77: {  	[sflag:s7] =	ssyncadd.s32 $0xFFFFFFB0  }
0x78: {  	[tilespmem:s8], [sflag:$0x9] =	stream.indirect.gather [hbm4b:s4+s28], $0x80, s23, s28, $0xb8;
	[tilespmem:$0x1B380] =	vst v63  }
0x79: {  	p1 =	seq.s32 s16, $0x99C;
	_ =	swait.ge [sflag:s9], $0x2800  }
0x7a: {  	s10 =	sadd.s32 @!p1 s16, s20;
	[sflag:s9] =	ssyncset.done $0x0  }
0x7b: {  	s22 =	simm.s32 @!p1 $0x0;
	s5 =	simm.s32 @!p1 $0x80;
	[sflag:s9] =	ssyncadd.s32 $0xFFFFD800  }
0x7c: {  	[tilespmem:s5], [sflag:$0x2] =	stream.linear.gather @!p1 [hbm4b:s10+s22], $0x50, $0x38;
	[tilespmem:$0x1B380] =	vst v63  }
0x7d: {  	_ =	swait.ge [sflag:s11], $0x50  }
0x7e: {  	[sflag:s11] =	ssyncset.done $0x0  }
0x7f: {  	[sflag:s11] =	ssyncadd.s32 $0xFFFFFFB0  }
0x80: {  	[spmem:s1] =	stream.indirect.scatter.add.f32 [tilespmem:s31], [sflag:$0xB], $0x80, s25, s28, $0xb8;
	[tilespmem:$0x1B380] =	vst v63  }
0x81: {  	_ =	swait.ge [sflag:s13], $0x2800  }
0x82: {  	[sflag:s13] =	ssyncset.done $0x0  }
0x83: {  	s22 =	sadd.s32 $0x1E, s17;
	[sflag:s13] =	ssyncadd.s32 $0xFFFFD800  }
0x84: {  	[tilespmem:s24], [sflag:$0x4] =	stream.linear.gather [hbm4b:s22+s3], $0x50, $0x38;
	[tilespmem:$0x1B380] =	vst v63  }
0x85: {  	_ =	swait.ge [sflag:s26], $0x50  }
0x86: {  	[sflag:s26] =	ssyncset.done $0x0  }
.Ltmp2:
0x87: {  	[sflag:s26] =	ssyncadd.s32 $0xFFFFFFB0;
	(pc) =	sbr.rel @p1 .LBB2_4-.Ltmp2, $4  }
0x88: {  	[tilespmem:s29], [sflag:$0x7] =	stream.indirect.gather [hbm4b:s4+s28], $0x80, s3, s28, $0xb8;
	[tilespmem:$0x1B380] =	vst v63  }
0x89: {  	_ =	swait.ge [sflag:s14], $0x2800  }
0x8a: {  	[sflag:s14] =	ssyncset.done $0x0  }
0x8b: {  	[sflag:s14] =	ssyncadd.s32 $0xFFFFD800  }
0x8c: {  	s5 =	rddreg [dreg:$0xf]  }
0x8d: {  	s5 =	sadd.s32 s16, s5  }
0x8e: {  	[tilespmem:s23], [sflag:$0x3] =	stream.linear.gather [hbm4b:s5+s3], $0x50, $0x38;
	[tilespmem:$0x1B380] =	vst v63  }
0x8f: {  	_ =	swait.ge [sflag:s15], $0x50  }
0x90: {  	[sflag:s15] =	ssyncset.done $0x0  }
0x91: {  	[sflag:s15] =	ssyncadd.s32 $0xFFFFFFB0  }
0x92: {  	[spmem:s1] =	stream.indirect.scatter.add.f32 [tilespmem:s8], [sflag:$0xC], $0x80, s6, s28, $0xb8;
	[tilespmem:$0x1B380] =	vst v63  }
0x93: {  	_ =	swait.ge [sflag:s12], $0x2800  }
0x94: {  	[sflag:s12] =	ssyncset.done $0x0  }
0x95: {  	s17 =	sadd.s32 $0x28, s17;
	[sflag:s12] =	ssyncadd.s32 $0xFFFFD800  }
0x96: {  	[tilespmem:s25], [sflag:$0x5] =	stream.linear.gather [hbm4b:s17+s3], $0x50, $0x38;
	[tilespmem:$0x1B380] =	vst v63  }
.Ltmp3:
0x97: {  	_ = 	snop;
	(pc) =	sbr.rel .LBB2_2-.Ltmp3, $4  }
0x98: {  	_ =	swait.ge [sflag:s30], $0x50  }
0x99: {  	s22 =	simm.s32 $0x80;
	[sflag:s30] =	ssyncset.done $0x0  }
0x9a: {  	s21 =	sadd.s32 $0xF0, s21;
	s16 =	sadd.s32 $0x1E, s16;
	[sflag:s30] =	ssyncadd.s32 $0xFFFFFFB0  }
0x9b: {  	[tilespmem:s31], [sflag:$0x8] =	stream.indirect.gather [hbm4b:s4+s28], $0x80, s22, s28, $0xb8;
	[tilespmem:$0x1B380] =	vst v63  }
.LBB2_5:
0x9c: {  	_ =	sfence.sel $0x180000  }
0x9d: {  	[bflag:$0x0] =	sbarrier.arrive $0xFFFF  }
0x9e: {  	_ =	strace $0x9000004D  }
0x9f: {  	s0 =	stileid.u32;
	[bflag:$0x2] =	sbarrier.arrive $0xFFFF  }
0xa0: {  	p0 =	sne.s32 s0, $0x0;
	s0 =	rddreg [dreg:$0x2]  }
0xa1: {  	s0 =	sadd.s32 @!p0 $0x100000, s0  }
0xa2: {  	[sflag:s0] =	ssyncadd.tile.s32 @!p0 $0x1;
	_ =	shalt  }
.Lfunc_end2:
_tile_overlayer_lowered:
.L_overlay_start_2:
0xa3: {  	(tag) =	ssettag $0x2  }
0xa4: {  	s0 =	rddreg [dreg:$0x0];
	s2 =	stileid.u32  }
0xa5: {  	s1 =	rddreg [dreg:$0x1];
	p0 =	sne.s32 s2, $0x0  }
0xa6: {  	s3 =	rddreg [dreg:$0x2];
	[bflag:$0x3] =	sbarrier.arrive $0xFFFF;
	s2 =	simm.s32 @!p0 $0x1C0D  }
0xa7: {  	[timem:s3], [sflag:s2] =	dma.local @!p0 [hbm:s0], s1  }
0xa8: {  	s0 =	simm.s32 @!p0 $0xD  }
0xa9: {  	_ =	swait.ge @!p0 [sflag:s0], s1  }
0xaa: {  	s1 =	ssub.s32 @!p0 $0x0, s1;
	[sflag:s0] =	ssyncset.done @!p0 $0x0  }
0xab: {  	[sflag:s0] =	ssyncadd.s32 @!p0 s1  }
0xac: {  	[bflag:$0x3] =	sbarrier.arrive $0xFFFF  }
0xad: {  	_ =	shalt  }

// kernel: kernel.19.cloned.1.call-start
scs
__scs_entry_jumppad:
0x0: {  	(pc) =	sbr.rel $0x88, $3  }
0x1: {  	(tag) =	ssettag $0x0;
	lr =	simm.s32 $0x1  }
0x2: {  	[smem:$0x3F95] =	sst lr;
	_ =	strace $0xD0000000  }
0x3: {  	_ = 	snop  }
0x4: {  	_ = 	snop  }
0x5: {  	_ = 	snop  }
0x6: {  	_ = 	snop  }
0x7: {  	_ = 	snop  }
__scs_overlays_trampoline_lowered:
0x8: {  	[smem:$0x3FA4] =	sst s0  }
0x9: {  	[smem:$0x3FA5] =	sst s1  }
0xa: {  	[smem:$0x3FA6] =	sst s2  }
0xb: {  	[smem:$0x3FA7] =	sst s3  }
0xc: {  	[smem:$0x3FA8] =	sst s4  }
0xd: {  	[smem:$0x3FA9] =	sst s5  }
0xe: {  	[smem:$0x3FAA] =	sst s6  }
0xf: {  	[smem:$0x3FAB] =	sst s7  }
0x10: {  	[smem:$0x3FAC] =	sst s8  }
0x11: {  	[smem:$0x3FAD] =	sst s9;
	s0 =	simm.s32 @!p0 $0x0  }
0x12: {  	s1 =	sld [smem:$0x3F93];
	s0 =	simm.s32 @p0 $0x1  }
0x13: {  	[smem:$0x3FAE] =	sst s0;
	s0 =	simm.s32 @!p1 $0x0  }
0x14: {  	s2 =	sld [smem:$0x3F92];
	s0 =	simm.s32 @p1 $0x1  }
0x15: {  	[smem:$0x3FAF] =	sst s0;
	s0 =	simm.s32 @!p2 $0x0  }
0x16: {  	s3 =	sld [smem:$0x3FDB];
	s0 =	simm.s32 @p2 $0x1  }
0x17: {  	s4 =	simm.s32 $0x1BF5;
	[smem:$0x3FB1] =	sst s0  }
0x18: {  	s0 =	sld [smem:$0x3F94];
	_ =	swait.ge [sflag:s4], $0x0  }
0x19: {  	s7 =	sld [smem:$0x3F95]  }
0x1a: {  	s8 =	sadd.s32 $0xFFFFE003, lr  }
0x1b: {  	s9 =	sadd.s32 $0xFFFFFEF7, lr;
	s5 =	simm.s32 $0xFFFFFFFF;
	p2 =	slt.u32 s8, $0xFFFFF086  }
0x1c: {  	p1 =	slt.u32 s9, $0xF7A;
	s5 =	simm.s32 @!p2 $0x0  }
0x1d: {  	s5 =	simm.s32 @p1 $0x1;
	p0 =	seq.s32 s7, s2  }
0x1e: {  	s7 =	smul.u32 @!p0 $0xF7A, s2;
	p2 =	seq.s32 @!p0 s5, $0x0  }
0x1f: {  	s9 =	smul.u32 $0xF7A, s1;
	s8 =	simm.s32 @!p0 $0x1BF5;
	p2 =	por !p2, p0  }
0x20: {  	[sflag:s8] =	ssyncset.s32 @!p0 $0xFFFFF086;
	s6 =	sadd.s32 @!p0 s3, s7;
	s7 =	simm.s32 @!p0 $0x108  }
0x21: {  	s3 =	sadd.s32 s3, s9;
	s6 =	sadd.s32 @!p0 $0x88, s6;
	s7 =	simm.s32 @p2 $0x1082  }
0x22: {  	[simem:s7], [sflag:s8] =	dma.local @!p0 [hbm:s6], $0xF7A  }
0x23: {  	s9 =	sor.u32 $0xD0000000, s2;
	s6 =	simm.s32 $0x108;
	_ =	swait.ge @!p0 [sflag:s8], $0x0  }
0x24: {  	s3 =	sadd.s32 $0x88, s3;
	s6 =	simm.s32 @!p1 $0x1082;
	[sflag:s4] =	ssyncset.s32 $0xFFFFF086  }
0x25: {  	[simem:s6], [sflag:s4] =	dma.local [hbm:s3], $0xF7A  }
0x26: {  	[smem:$0x3F95] =	sst s1;
	(tag) =	ssettag s2;
	_ =	strace s9  }
0x27: {  	s1 =	sld [smem:$0x3FA5]  }
0x28: {  	s2 =	sld [smem:$0x3FA6]  }
0x29: {  	s4 =	sld [smem:$0x3FA8]  }
0x2a: {  	p0 =	seq.s32 s5, $0x0;
	s5 =	sld [smem:$0x3FA9]  }
0x2b: {  	s6 =	sld [smem:$0x3FAA]  }
0x2c: {  	s7 =	sld [smem:$0x3FAB]  }
0x2d: {  	s3 =	simm.s32 $0x108;
	s8 =	sld [smem:$0x3FAC]  }
0x2e: {  	s3 =	simm.s32 @!p0 $0x1082;
	s9 =	sld [smem:$0x3FAD]  }
0x2f: {  	lr =	sadd.s32 s0, s3;
	s0 =	sld [smem:$0x3FA4]  }
0x30: {  	s3 =	sld [smem:$0x3FA7]  }
0x31: {  	[smem:$0x3FB0] =	sst s10  }
0x32: {  	s10 =	sld [smem:$0x3FAE];
	_ =	sdelay $0x3  }
0x33: {  	p0 =	seq.s32 s10, $0x1;
	s10 =	sld [smem:$0x3FB0];
	_ =	sdelay $0x3  }
0x34: {  	[smem:$0x3FB0] =	sst s10  }
0x35: {  	s10 =	sld [smem:$0x3FAF];
	_ =	sdelay $0x3  }
0x36: {  	p1 =	seq.s32 s10, $0x1;
	s10 =	sld [smem:$0x3FB0];
	_ =	sdelay $0x3  }
0x37: {  	[smem:$0x3FB0] =	sst s10  }
0x38: {  	s10 =	sld [smem:$0x3FB1]  }
0x39: {  	_ = 	snop;
	(pc) =	sbr.ind lr, $3  }
0x3a: {  	_ = 	snop  }
0x3b: {  	_ = 	snop  }
0x3c: {  	p2 =	seq.s32 s10, $0x1;
	s10 =	sld [smem:$0x3FB0]  }
0x3d: {  	_ =	shalt  }
0x3e: {  	_ =	shalt  }
0x3f: {  	_ =	shalt  }
0x40: {  	_ =	shalt  }
0x41: {  	_ =	shalt  }
0x42: {  	_ =	shalt  }
0x43: {  	_ =	shalt  }
0x44: {  	_ =	shalt  }
0x45: {  	_ =	shalt  }
0x46: {  	_ =	shalt  }
0x47: {  	_ =	shalt  }
0x48: {  	_ =	shalt  }
0x49: {  	_ =	shalt  }
0x4a: {  	_ =	shalt  }
0x4b: {  	_ =	shalt  }
0x4c: {  	_ =	shalt  }
0x4d: {  	_ =	shalt  }
0x4e: {  	_ =	shalt  }
0x4f: {  	_ =	shalt  }
0x50: {  	_ =	shalt  }
0x51: {  	_ =	shalt  }
0x52: {  	_ =	shalt  }
0x53: {  	_ =	shalt  }
0x54: {  	_ =	shalt  }
0x55: {  	_ =	shalt  }
0x56: {  	_ =	shalt  }
0x57: {  	_ =	shalt  }
0x58: {  	_ =	shalt  }
0x59: {  	_ =	shalt  }
0x5a: {  	_ =	shalt  }
0x5b: {  	_ =	shalt  }
0x5c: {  	_ =	shalt  }
0x5d: {  	_ =	shalt  }
0x5e: {  	_ =	shalt  }
0x5f: {  	_ =	shalt  }
0x60: {  	_ =	shalt  }
0x61: {  	_ =	shalt  }
0x62: {  	_ =	shalt  }
0x63: {  	_ =	shalt  }
0x64: {  	_ =	shalt  }
0x65: {  	_ =	shalt  }
0x66: {  	_ =	shalt  }
0x67: {  	_ =	shalt  }
0x68: {  	_ =	shalt  }
0x69: {  	_ =	shalt  }
0x6a: {  	_ =	shalt  }
0x6b: {  	_ =	shalt  }
0x6c: {  	_ =	shalt  }
0x6d: {  	_ =	shalt  }
0x6e: {  	_ =	shalt  }
0x6f: {  	_ =	shalt  }
0x70: {  	_ =	shalt  }
0x71: {  	_ =	shalt  }
0x72: {  	_ =	shalt  }
0x73: {  	_ =	shalt  }
0x74: {  	_ =	shalt  }
0x75: {  	_ =	shalt  }
0x76: {  	_ =	shalt  }
0x77: {  	_ =	shalt  }
0x78: {  	_ =	shalt  }
0x79: {  	_ =	shalt  }
0x7a: {  	_ =	shalt  }
0x7b: {  	_ =	shalt  }
0x7c: {  	_ =	shalt  }
0x7d: {  	_ =	shalt  }
0x7e: {  	_ =	shalt  }
0x7f: {  	_ =	shalt  }
0x80: {  	_ =	shalt  }
0x81: {  	_ =	shalt  }
0x82: {  	_ =	shalt  }
0x83: {  	_ =	shalt  }
0x84: {  	_ =	shalt  }
0x85: {  	_ =	shalt  }
0x86: {  	_ =	shalt  }
0x87: {  	_ =	shalt  }
.Lfunc_end0:
.L_simem_size_0:
called_computation.3_lowered:
.L_overlay_start_0:
0x88: {  	s2 =	sld [smem:$0x3FD9]  }
0x89: {  	s3 =	sld [smem:$0x3FFE];
	_ =	sdelay $0x1  }
0x8a: {  	s1 =	srdreg.scid  }
0x8b: {  	s0 =	sand.u32 $0x1, s1  }
0x8c: {  	s16 =	sshll.u32 s0, $0xA;
	s2 =	sadd.s32 s3, s2  }
0x8d: {  	s2 =	sadd.s32 s2, s16  }
0x8e: {  	[smem:$0x3FBC] =	sst s2  }
0x8f: {  	_ = 	snop  }
0x90: {  	(tm) =	ssettm $0x1  }
0x91: {  	s17 =	sld [smem:$0x3FFB];
	_ =	sdelay $0x3  }
0x92: {  	_ =	strace s17  }
0x93: {  	s2 =	sld [smem:$0x3FFC];
	_ =	sdelay $0x3  }
0x94: {  	_ =	strace s2  }
0x95: {  	s2 =	sld [smem:$0x3FFD];
	_ =	sdelay $0x3  }
0x96: {  	_ =	strace s2  }
0x97: {  	_ =	strace $0x8FFFFFFF  }
0x98: {  	s18 =	sld [smem:$0x3FDB];
	_ =	sdelay $0x1  }
0x99: {  	s19 =	simm.s32 $_scs_section_size  }
0x9a: {  	s4 =	simm.s32 $_size__tile_overlayer_lowered;
	s5 =	simm.s32 $_tile_overlayer_lowered  }
0x9b: {  	s22 =	simm.s32 $0x1BFF;
	s21 =	sshll.u32 s5, $0x1;
	s2 =	sadd.s32 s19, s18  }
0x9c: {  	s6 =	simm.s32 $0x0;
	s20 =	sshll.u32 s4, $0x1;
	s4 =	sadd.s32 s21, s2  }
0x9d: {  	[timem:s6], [sflag:s22] =	dma.local [hbm:s4], s20  }
0x9e: {  	_ =	swait.ge [sflag:s22], s20  }
0x9f: {  	s3 =	ssub.s32 $0x0, s20;
	[sflag:s22] =	ssyncset.done $0x0  }
0xa0: {  	[sflag:s22] =	ssyncadd.s32 s3;
	_ =	sdelay $0x1  }
0xa1: {  	s23 =	simm.s32 $0x1B8B  }
0xa2: {  	_ =	swait.ge [sflag:s23], $0x1  }
0xa3: {  	[sflag:s23] =	ssyncset.done $0x0  }
0xa4: {  	s25 =	simm.s32 $0x1B8E;
	s24 =	sld [smem:$0x3FFE];
	[sflag:s23] =	ssyncadd.s32 $0xFFFFFFFF  }
0xa5: {  	s26 =	simm.s32 $execute0_lowered;
	[smem:$0x3FD2] =	sst s25  }
0xa6: {  	s4 =	sshll.u32 s26, $0x1;
	_ =	strace $0x8000004F;
	[dreg:$0x1] =	wrdreg $0xFFFFFFFF  }
0xa7: {  	s28 =	simm.s32 $_size_execute0_lowered;
	s2 =	sadd.s32 s2, s4;
	[dreg:$0x0] =	wrdreg $0x0  }
0xa8: {  	s4 =	sshll.u32 s28, $0x1;
	[dreg:$0x2] =	wrdreg s2  }
0xa9: {  	[dreg:$0x3] =	wrdreg s4  }
0xaa: {  	[dreg:$0x4] =	wrdreg $0xC0  }
0xab: {  	_ =	task [dreg:s6], $0x5FFFF  }
0xac: {  	[dreg:$0x1] =	wrdreg $0xFFFFFFFF  }
0xad: {  	[dreg:$0x0] =	wrdreg $0x60  }
0xae: {  	[dreg:$0x2] =	wrdreg s24  }
0xaf: {  	[dreg:$0x3] =	wrdreg $0x7B000  }
0xb0: {  	[dreg:$0x4] =	wrdreg $0x9  }
0xb1: {  	_ =	task.clear_ibuf [dreg:s6], $0x5FFFF;
	_ =	strace $0x9000004F  }
0xb2: {  	s29 =	simm.s32 $0x9;
	_ =	strace $0x80000051  }
0xb3: {  	_ =	swait.ge [sflag:s29], $0x1  }
0xb4: {  	[sflag:s29] =	ssyncadd.s32 $0xFFFFFFFF  }
0xb5: {  	_ =	strace $0x90000051  }
0xb6: {  	_ =	sfence  }
0xb7: {  	s30 =	sld [smem:$0x0];
	_ =	sdelay $0x2  }
0xb8: {  	s31 =	sshll.u32 s1, $0xD;
	s1 =	sshrl.u32 s1, $0x2  }
0xb9: {  	s3 =	sand.u32 $0x4000, s31;
	s1 =	sadd.s32 s1, s30  }
0xba: {  	s0 =	sor.u32 s3, s0;
	s1 =	sshll.u32 s1, $0x11  }
0xbb: {  	s0 =	sor.u32 s1, s0  }
0xbc: {  	s0 =	sadd.s32 $0x8F2B, s0  }
0xbd: {  	[sflag:s0] =	ssyncadd.remote.s32 $0x1  }
0xbe: {  	_ =	sfence.sel $0xFFFF  }
0xbf: {  	[dreg:$0x0] =	wrdreg $0xFFFFFFFF;
	(pc) =	sbr.abs _section_cstart, $3  }
0xc0: {  	[dreg:$0x1] =	wrdreg $0xFFFFFFFF  }
0xc1: {  	_ =	task.clear_ibuf [dreg:s6], $0x2FFFF;
	_ =	strace $0x9FFFFFFF  }
0xc2: {  	(tm) =	ssettm $0x7FFFFFFF  }
0xc3: {  	_ =	shalt  }
tec
execute0_lowered:
.L_overlay_start_1:
0x0: {  	(tag) =	ssettag $0x1  }
0x1: {  	s0 =	rddreg [dreg:$0x0]  }
0x2: {  	s1 =	rddreg [dreg:$0x1];
	s3 =	simm.s32 $0x0  }
0x3: {  	s2 =	srdreg.scid;
	s5 =	stileid.u32;
	s28 =	simm.s32 $0x50  }
0x4: {  	s29 =	simm.s32 $0x300;
	s31 =	simm.s32 $0x2B00;
	s7 =	smul.u32 $0x280, s5  }
0x5: {  	[smem:$0x7FF] =	sst s3;
	s2 =	sand.u32 $0x1, s2;
	s9 =	smul.u32 $0x50000, s5  }
0x6: {  	s4 =	sadd.s32 $0x6F600, s0;
	s13 =	sadd.s32 $0x5BC00, s0;
	s21 =	smul.u32 $0x4E20, s5  }
0x7: {  	s8 =	sadd.s32 $0x3C00, s0;
	s0 =	sadd.s32 $0xBD800, s0;
	s25 =	smul.u32 $0x14000, s5  }
0x8: {  	s22 =	sadd.s32 $0x12C000, s1;
	p0 =	seq.s32 s5, $0xF;
	s6 =	smul.u32 $0x2710, s2  }
0x9: {  	s30 =	simm.s32 $0x2;
	_ =	strace $0x80000050;
	s11 =	smul.u32 $0x138800, s2  }
0xa: {  	s10 =	ssub.s32 $0x2, s2;
	s2 =	smul.u32 $0x4E200, s2;
	[dreg:$0x5] =	wrdreg s22  }
0xb: {  	s12 =	sshrl.u32 s10, $0x1;
	s20 =	sshrl.u32 s9, $0x2;
	s15 =	sshrl.u32 s21, $0x3  }
0xc: {  	s6 =	sadd.s32 s7, s6;
	s10 =	ssub.s32 s10, s12;
	s7 =	sadd.s32 s20, s1  }
0xd: {  	s23 =	sshrl.u32 s11, $0x3;
	s2 =	sadd.s32 s21, s2;
	s17 =	sadd.s32 s8, s15  }
0xe: {  	s18 =	sadd.s32 s25, s11;
	s20 =	smul.u32 $0x9C4, s5;
	s11 =	simm.s32 $0x5  }
0xf: {  	s15 =	simm.s32 $0x6;
	s12 =	simm.s32 $0xB;
	[dreg:$0x3] =	wrdreg s7  }
0x10: {  	s6 =	sshll.u32 s6, $0x4;
	s24 =	sshrl.u32 s2, $0x3;
	[dreg:$0x9] =	wrdreg s17  }
0x11: {  	s9 =	sadd.s32 $0xA, s17;
	s7 =	sshrl.u32 s18, $0x3;
	s21 =	smax.u32 s10, $0x1  }
0x12: {  	s22 =	sadd.s32 $0x190, s2;
	s6 =	sadd.s32 s4, s6;
	[dreg:$0xb] =	wrdreg s9  }
0x13: {  	s26 =	sadd.s32 s13, s24;
	s7 =	sadd.s32 s0, s7;
	[dreg:$0xe] =	wrdreg s21  }
0x14: {  	s18 =	sadd.s32 s20, s8;
	s24 =	sshrl.u32 s22, $0x3;
	s8 =	simm.s32 $0x5300  }
0x15: {  	s9 =	simm.s32 $0x8;
	[dreg:$0x4] =	wrdreg s6;
	s6 =	sadd.s32 $0x25800, s23  }
0x16: {  	s16 =	sadd.s32 $0xA, s26;
	[dreg:$0x7] =	wrdreg s26;
	s19 =	sadd.s32 $0x14, s26  }
0x17: {  	[dreg:$0xc] =	wrdreg s7;
	s23 =	sadd.s32 $0x140, s2;
	s26 =	sadd.s32 $0xF0, s2  }
0x18: {  	s2 =	simm.s32 $0x4;
	s7 =	simm.s32 $0x3;
	[dreg:$0x8] =	wrdreg s16  }
0x19: {  	s14 =	sadd.s32 s4, s6;
	[dreg:$0xa] =	wrdreg s19;
	s0 =	sadd.s32 s0, s6  }
0x1a: {  	s25 =	sshrl.u32 s23, $0x3;
	s19 =	smov.u32 s13;
	[dreg:$0x10] =	wrdreg s26  }
.Ltmp0:
0x1b: {  	s23 =	simm.s32 $0x100;
	s26 =	simm.s32 $0x1;
	(pc) =	sbr.rel .LBB2_1-.Ltmp0, $4  }
0x1c: {  	s6 =	simm.s32 $0x280;
	s16 =	simm.s32 $0x0;
	[dreg:$0x6] =	wrdreg s14  }
0x1d: {  	[dreg:$0xd] =	wrdreg s0;
	s0 =	sadd.s32 s24, s13;
	s20 =	sadd.s32 s25, s13  }
0x1e: {  	s24 =	simm.s32 $0x180;
	s25 =	simm.s32 $0x200;
	s13 =	simm.s32 $0xA  }
0x1f: {  	s14 =	simm.s32 $0x9;
	[dreg:$0xf] =	wrdreg s0;
	s0 =	simm.s32 $0x7  }
.LBB2_4:
0x20: {  	_ =	swait.ge [sflag:s15], $0x50  }
0x21: {  	[sflag:s15] =	ssyncset.done $0x0  }
0x22: {  	[sflag:s15] =	ssyncadd.s32 $0xFFFFFFB0  }
0x23: {  	[spmem:s1] =	stream.indirect.scatter.add.f32 [tilespmem:s8], [sflag:$0xC], $0x80, s6, s28, $0xb8;
	[tilespmem:$0x1B380] =	vst v63  }
0x24: {  	_ =	swait.ge [sflag:s12], $0x2800  }
0x25: {  	[sflag:s12] =	ssyncset.done $0x0  }
0x26: {  	[sflag:s12] =	ssyncadd.s32 $0xFFFFD800  }
0x27: {  	_ =	swait.ge [sflag:s0], $0x2800  }
0x28: {  	[sflag:s0] =	ssyncset.done $0x0  }
0x29: {  	[sflag:s0] =	ssyncadd.s32 $0xFFFFD800  }
0x2a: {  	_ =	swait.ge [sflag:s2], $0x50  }
0x2b: {  	[sflag:s2] =	ssyncset.done $0x0  }
0x2c: {  	s5 =	simm.s32 $0xD;
	[sflag:s2] =	ssyncadd.s32 $0xFFFFFFB0  }
0x2d: {  	[spmem:s1] =	stream.indirect.scatter.add.f32 [tilespmem:s29], [sflag:$0xD], $0x80, s24, s28, $0xb8;
	[tilespmem:$0x1B380] =	vst v63  }
0x2e: {  	_ =	swait.ge [sflag:s5], $0x2800  }
0x2f: {  	[sflag:s5] =	ssyncset.done $0x0  }
0x30: {  	s17 =	simm.s32 $0xC;
	[sflag:s5] =	ssyncadd.s32 $0xFFFFD800  }
0x31: {  	_ =	swait.ge [sflag:s17], $0x2800  }
0x32: {  	[sflag:s17] =	ssyncset.done $0x0  }
0x33: {  	[sflag:s17] =	ssyncadd.s32 $0xFFFFD800  }
0x34: {  	[bflag:$0x0] =	sbarrier.arrive $0xFFFF  }
0x35: {  	s10 =	rddreg [dreg:$0xd]  }
0x36: {  	s5 =	simm.s32 @p0 $0x1FCD;
	s16 =	rddreg [dreg:$0x12]  }
0x37: {  	[hbm:s10], [sflag:s5] =	dma.local @p0 [spmem:s16], $0x1900  }
0x38: {  	s5 =	simm.s32 @p0 $0xD  }
0x39: {  	_ =	swait.ge @p0 [sflag:s5], $0x1900  }
0x3a: {  	s10 =	rddreg [dreg:$0x13]  }
0x3b: {  	[sflag:s5] =	ssyncset.done @p0 $0x0;
	s16 =	rddreg [dreg:$0x14]  }
0x3c: {  	[sflag:s5] =	ssyncadd.s32 @p0 $0xFFFFE700;
	s5 =	rddreg [dreg:$0xc]  }
0x3d: {  	[hbm:s5], [sflag:s10] =	dma.local @!p0 [spmem:s16], $0x2800  }
0x3e: {  	s5 =	simm.s32 @!p0 $0xD  }
0x3f: {  	_ =	swait.ge @!p0 [sflag:s5], $0x2800  }
0x40: {  	s21 =	rddreg [dreg:$0x11]  }
0x41: {  	s22 =	rddreg [dreg:$0xe];
	s16 =	sadd.s32 $0x1, s21  }
0x42: {  	p1 =	sne.s32 s16, s22  }
.Ltmp1:
0x43: {  	_ = 	snop;
	(pc) =	sbr.rel @!p1 .LBB2_5-.Ltmp1, $3  }
0x44: {  	_ =	sdelay $0x1  }
0x45: {  	[sflag:s5] =	ssyncset.done @!p0 $0x0  }
0x46: {  	[sflag:s5] =	ssyncadd.s32 @!p0 $0xFFFFD800  }
.LBB2_1:
0x47: {  	[dreg:$0x11] =	wrdreg s16  }
0x48: {  	s5 =	rddreg [dreg:$0x5]  }
0x49: {  	s10 =	sshrl.u32 @p0 s5, $0x3;
	s5 =	rddreg [dreg:$0x6]  }
0x4a: {  	s16 =	simm.s32 @p0 $0x1FCD;
	[dreg:$0x12] =	wrdreg s10  }
0x4b: {  	[spmem:s10], [sflag:s16] =	dma.local @p0 [hbm:s5], $0x1900  }
0x4c: {  	s16 =	simm.s32 @p0 $0xD;
	s5 =	stileid.u32  }
0x4d: {  	_ =	swait.ge @p0 [sflag:s16], $0x1900;
	s17 =	sshll.u32 @!p0 s5, $0x6  }
0x4e: {  	[sflag:s16] =	ssyncset.done @p0 $0x0;
	s10 =	sor.u32 @!p0 $0x1C0D, s17;
	s5 =	rddreg [dreg:$0x3]  }
0x4f: {  	[sflag:s16] =	ssyncadd.s32 @p0 $0xFFFFE700;
	s16 =	sshrl.u32 @!p0 s5, $0x3;
	s5 =	rddreg [dreg:$0x4]  }
0x50: {  	[dreg:$0x13] =	wrdreg s10  }
0x51: {  	[dreg:$0x14] =	wrdreg s16  }
0x52: {  	[spmem:s16], [sflag:s10] =	dma.local @!p0 [hbm:s5], $0x2800  }
0x53: {  	s16 =	simm.s32 @!p0 $0xD  }
0x54: {  	_ =	swait.ge @!p0 [sflag:s16], $0x2800  }
0x55: {  	[sflag:s16] =	ssyncset.done @!p0 $0x0  }
0x56: {  	s22 =	rddreg [dreg:$0x7];
	[sflag:s16] =	ssyncadd.s32 @!p0 $0xFFFFD800  }
0x57: {  	[tilespmem:s3], [sflag:$0x1] =	stream.linear.gather [hbm4b:s22+s3], $0x50, $0x38;
	[tilespmem:$0x1B380] =	vst v63  }
0x58: {  	s10 =	rddreg [dreg:$0x8];
	s16 =	simm.s32 $0x80  }
0x59: {  	[tilespmem:s16], [sflag:$0x2] =	stream.linear.gather [hbm4b:s10+s3], $0x50, $0x38;
	[tilespmem:$0x1B380] =	vst v63  }
0x5a: {  	s17 =	rddreg [dreg:$0xa]  }
0x5b: {  	[tilespmem:s23], [sflag:$0x3] =	stream.linear.gather [hbm4b:s17+s3], $0x50, $0x38;
	[tilespmem:$0x1B380] =	vst v63  }
0x5c: {  	s21 =	rddreg [dreg:$0x9]  }
0x5d: {  	[tilespmem:s24], [sflag:$0x4] =	stream.linear.gather [hbm4b:s21+s3], $0x50, $0x38;
	[tilespmem:$0x1B380] =	vst v63  }
0x5e: {  	s22 =	rddreg [dreg:$0xb]  }
0x5f: {  	[tilespmem:s25], [sflag:$0x5] =	stream.linear.gather [hbm4b:s22+s3], $0x50, $0x38;
	[tilespmem:$0x1B380] =	vst v63  }
0x60: {  	_ =	swait.ge [sflag:s26], $0x50  }
0x61: {  	[sflag:s26] =	ssyncset.done $0x0  }
0x62: {  	[sflag:s26] =	ssyncadd.s32 $0xFFFFFFB0  }
0x63: {  	[tilespmem:s29], [sflag:$0x7] =	stream.indirect.gather [hbm4b:s4+s28], $0x80, s3, s28, $0xb8;
	[tilespmem:$0x1B380] =	vst v63  }
0x64: {  	_ =	swait.ge [sflag:s30], $0x50  }
0x65: {  	[sflag:s30] =	ssyncset.done $0x0  }
0x66: {  	[sflag:s30] =	ssyncadd.s32 $0xFFFFFFB0  }
0x67: {  	[tilespmem:s31], [sflag:$0x8] =	stream.indirect.gather [hbm4b:s4+s28], $0x80, s16, s28, $0xb8;
	[tilespmem:$0x1B380] =	vst v63  }
0x68: {  	s21 =	rddreg [dreg:$0x10];
	s16 =	simm.s32 $0x0  }
.LBB2_2:
0x69: {  	_ =	swait.ge [sflag:s0], $0x2800  }
0x6a: {  	s17 =	sshrl.u32 s21, $0x3;
	[sflag:s0] =	ssyncset.done $0x0  }
0x6b: {  	s17 =	sadd.s32 s19, s17;
	[sflag:s0] =	ssyncadd.s32 $0xFFFFD800  }
0x6c: {  	[tilespmem:s3], [sflag:$0x1] =	stream.linear.gather [hbm4b:s17+s3], $0x50, $0x38;
	[tilespmem:$0x1B380] =	vst v63  }
0x6d: {  	_ =	swait.ge [sflag:s2], $0x50  }
0x6e: {  	p1 =	seq.s32 s16, $0x0;
	[sflag:s2] =	ssyncset.done $0x0  }
0x6f: {  	s10 =	simm.s32 @!p1 $0xC;
	[sflag:s2] =	ssyncadd.s32 $0xFFFFFFB0  }
0x70: {  	[spmem:s1] =	stream.indirect.scatter.add.f32 [tilespmem:s29], [sflag:$0xA], $0x80, s24, s28, $0xb8;
	[tilespmem:$0x1B380] =	vst v63  }
0x71: {  	_ =	swait.ge @!p1 [sflag:s10], $0x2800  }
0x72: {  	s17 =	sadd.s32 s16, s18;
	[sflag:s10] =	ssyncset.done @!p1 $0x0  }
0x73: {  	s5 =	sadd.s32 $0x14, s17;
	[sflag:s10] =	ssyncadd.s32 @!p1 $0xFFFFD800  }
0x74: {  	[tilespmem:s6], [sflag:$0x6] =	stream.linear.gather [hbm4b:s5+s3], $0x50, $0x38;
	[tilespmem:$0x1B380] =	vst v63  }
0x75: {  	_ =	swait.ge [sflag:s7], $0x50  }
0x76: {  	[sflag:s7] =	ssyncset.done $0x0  }
0x77: {  	[sflag:s7] =	ssyncadd.s32 $0xFFFFFFB0  }
0x78: {  	[tilespmem:s8], [sflag:$0x9] =	stream.indirect.gather [hbm4b:s4+s28], $0x80, s23, s28, $0xb8;
	[tilespmem:$0x1B380] =	vst v63  }
0x79: {  	p1 =	seq.s32 s16, $0x99C;
	_ =	swait.ge [sflag:s9], $0x2800  }
0x7a: {  	s10 =	sadd.s32 @!p1 s16, s20;
	[sflag:s9] =	ssyncset.done $0x0  }
0x7b: {  	s22 =	simm.s32 @!p1 $0x0;
	s5 =	simm.s32 @!p1 $0x80;
	[sflag:s9] =	ssyncadd.s32 $0xFFFFD800  }
0x7c: {  	[tilespmem:s5], [sflag:$0x2] =	stream.linear.gather @!p1 [hbm4b:s10+s22], $0x50, $0x38;
	[tilespmem:$0x1B380] =	vst v63  }
0x7d: {  	_ =	swait.ge [sflag:s11], $0x50  }
0x7e: {  	[sflag:s11] =	ssyncset.done $0x0  }
0x7f: {  	[sflag:s11] =	ssyncadd.s32 $0xFFFFFFB0  }
0x80: {  	[spmem:s1] =	stream.indirect.scatter.add.f32 [tilespmem:s31], [sflag:$0xB], $0x80, s25, s28, $0xb8;
	[tilespmem:$0x1B380] =	vst v63  }
0x81: {  	_ =	swait.ge [sflag:s13], $0x2800  }
0x82: {  	[sflag:s13] =	ssyncset.done $0x0  }
0x83: {  	s22 =	sadd.s32 $0x1E, s17;
	[sflag:s13] =	ssyncadd.s32 $0xFFFFD800  }
0x84: {  	[tilespmem:s24], [sflag:$0x4] =	stream.linear.gather [hbm4b:s22+s3], $0x50, $0x38;
	[tilespmem:$0x1B380] =	vst v63  }
0x85: {  	_ =	swait.ge [sflag:s26], $0x50  }
0x86: {  	[sflag:s26] =	ssyncset.done $0x0  }
.Ltmp2:
0x87: {  	[sflag:s26] =	ssyncadd.s32 $0xFFFFFFB0;
	(pc) =	sbr.rel @p1 .LBB2_4-.Ltmp2, $4  }
0x88: {  	[tilespmem:s29], [sflag:$0x7] =	stream.indirect.gather [hbm4b:s4+s28], $0x80, s3, s28, $0xb8;
	[tilespmem:$0x1B380] =	vst v63  }
0x89: {  	_ =	swait.ge [sflag:s14], $0x2800  }
0x8a: {  	[sflag:s14] =	ssyncset.done $0x0  }
0x8b: {  	[sflag:s14] =	ssyncadd.s32 $0xFFFFD800  }
0x8c: {  	s5 =	rddreg [dreg:$0xf]  }
0x8d: {  	s5 =	sadd.s32 s16, s5  }
0x8e: {  	[tilespmem:s23], [sflag:$0x3] =	stream.linear.gather [hbm4b:s5+s3], $0x50, $0x38;
	[tilespmem:$0x1B380] =	vst v63  }
0x8f: {  	_ =	swait.ge [sflag:s15], $0x50  }
0x90: {  	[sflag:s15] =	ssyncset.done $0x0  }
0x91: {  	[sflag:s15] =	ssyncadd.s32 $0xFFFFFFB0  }
0x92: {  	[spmem:s1] =	stream.indirect.scatter.add.f32 [tilespmem:s8], [sflag:$0xC], $0x80, s6, s28, $0xb8;
	[tilespmem:$0x1B380] =	vst v63  }
0x93: {  	_ =	swait.ge [sflag:s12], $0x2800  }
0x94: {  	[sflag:s12] =	ssyncset.done $0x0  }
0x95: {  	s17 =	sadd.s32 $0x28, s17;
	[sflag:s12] =	ssyncadd.s32 $0xFFFFD800  }
0x96: {  	[tilespmem:s25], [sflag:$0x5] =	stream.linear.gather [hbm4b:s17+s3], $0x50, $0x38;
	[tilespmem:$0x1B380] =	vst v63  }
.Ltmp3:
0x97: {  	_ = 	snop;
	(pc) =	sbr.rel .LBB2_2-.Ltmp3, $4  }
0x98: {  	_ =	swait.ge [sflag:s30], $0x50  }
0x99: {  	s22 =	simm.s32 $0x80;
	[sflag:s30] =	ssyncset.done $0x0  }
0x9a: {  	s21 =	sadd.s32 $0xF0, s21;
	s16 =	sadd.s32 $0x1E, s16;
	[sflag:s30] =	ssyncadd.s32 $0xFFFFFFB0  }
0x9b: {  	[tilespmem:s31], [sflag:$0x8] =	stream.indirect.gather [hbm4b:s4+s28], $0x80, s22, s28, $0xb8;
	[tilespmem:$0x1B380] =	vst v63  }
.LBB2_5:
0x9c: {  	_ =	sfence.sel $0x180000  }
0x9d: {  	[bflag:$0x0] =	sbarrier.arrive $0xFFFF  }
0x9e: {  	_ =	strace $0x90000050  }
0x9f: {  	s0 =	stileid.u32;
	[bflag:$0x2] =	sbarrier.arrive $0xFFFF  }
0xa0: {  	p0 =	sne.s32 s0, $0x0;
	s0 =	rddreg [dreg:$0x2]  }
0xa1: {  	s0 =	sadd.s32 @!p0 $0x100000, s0  }
0xa2: {  	[sflag:s0] =	ssyncadd.tile.s32 @!p0 $0x1;
	_ =	shalt  }
.Lfunc_end2:
_tile_overlayer_lowered:
.L_overlay_start_2:
0xa3: {  	(tag) =	ssettag $0x2  }
0xa4: {  	s0 =	rddreg [dreg:$0x0];
	s2 =	stileid.u32  }
0xa5: {  	s1 =	rddreg [dreg:$0x1];
	p0 =	sne.s32 s2, $0x0  }
0xa6: {  	s3 =	rddreg [dreg:$0x2];
	[bflag:$0x3] =	sbarrier.arrive $0xFFFF;
	s2 =	simm.s32 @!p0 $0x1C0D  }
0xa7: {  	[timem:s3], [sflag:s2] =	dma.local @!p0 [hbm:s0], s1  }
0xa8: {  	s0 =	simm.s32 @!p0 $0xD  }
0xa9: {  	_ =	swait.ge @!p0 [sflag:s0], s1  }
0xaa: {  	s1 =	ssub.s32 @!p0 $0x0, s1;
	[sflag:s0] =	ssyncset.done @!p0 $0x0  }
0xab: {  	[sflag:s0] =	ssyncadd.s32 @!p0 s1  }
0xac: {  	[bflag:$0x3] =	sbarrier.arrive $0xFFFF  }
0xad: {  	_ =	shalt  }

</sc_bundles>
